<compile_context>
chip_gen: v7x
topology: tpu7x:2x2x1
jax: 0.10.2.dev20260603
libtpu: 0.0.44.dev20260713+nightly
codegen_flags: <defaults>
</compile_context>

<pallas_src>
import functools

import jax
import jax.numpy as jnp
from jax import lax
from jax.experimental import pallas as pl
from jax.experimental.pallas import tpu as pltpu
from jax.experimental.pallas import tpu_sc as plsc

_EPS = 1e-08
_NC, _NS, _L = 2, 16, 16
_NW = _NC * _NS


def _sc_householder_body(s, r, n_proc,
                         x_hbm, i0_hbm, i1_hbm, pn_hbm, out_hbm,
                         x_v, pn_v, i0_v, i1_v, ns_v, sem):
    rp = r + 1
    t_per_w = s // _NW
    n_groups = t_per_w // _L
    wid = lax.axis_index("c") * _NS + lax.axis_index("s")
    base = wid * t_per_w

    c_pn = pltpu.async_copy(pn_hbm, pn_v, sem)
    c_x = pltpu.async_copy(
        x_hbm.at[pl.ds(base * rp, t_per_w * rp)], x_v, sem)
    c_i0 = pltpu.async_copy(i0_hbm.at[pl.ds(base, t_per_w)], i0_v, sem)
    c_i1 = pltpu.async_copy(i1_hbm.at[pl.ds(base, t_per_w)], i1_v, sem)

    lanes = lax.iota(jnp.int32, _L)
    zero = jnp.zeros((_L,), jnp.float32)

    c_pn.wait()
    for h in range(n_proc // _L):
        rowbase = (lanes + h * _L) * rp

        def norm_body(k, acc):
            vr = plsc.load_gather(pn_v, [rowbase + k])
            return acc + vr * vr

        ns_v[pl.ds(h * _L, _L)] = lax.fori_loop(
            0, r, norm_body, zero, unroll=8)

    c_x.wait()
    c_i0.wait()
    c_i1.wait()

    for g in range(n_groups):
        b_x = (lanes + g * _L) * rp
        i0 = i0_v[pl.ds(g * _L, _L)]
        i1 = i1_v[pl.ds(g * _L, _L)]
        b_0 = i0 * rp
        b_1 = i1 * rp
        s0 = plsc.load_gather(ns_v, [i0]) + _EPS
        s1 = plsc.load_gather(ns_v, [i1]) + _EPS

        def dot_body(k, carry):
            a, b, d = carry
            v0 = plsc.load_gather(pn_v, [b_0 + k])
            v1 = plsc.load_gather(pn_v, [b_1 + k])
            xr = plsc.load_gather(x_v, [b_x + k])
            return (a + v0 * xr, b + v1 * xr, d + v0 * v1)

        a, b, d = lax.fori_loop(0, r, dot_body, (zero, zero, zero), unroll=8)
        c0 = (2.0 * a) / s0
        c1 = (2.0 * (b - c0 * d)) / s1

        def upd_body(k, carry):
            v0 = plsc.load_gather(pn_v, [b_0 + k])
            v1 = plsc.load_gather(pn_v, [b_1 + k])
            xr = plsc.load_gather(x_v, [b_x + k])
            plsc.store_scatter(x_v, [b_x + k], xr - c0 * v0 - c1 * v1)
            return carry

        lax.fori_loop(0, r, upd_body, 0, unroll=8)

    pltpu.sync_copy(x_v, out_hbm.at[pl.ds(base * rp, t_per_w * rp)])


def _tc_proj_body(x2_ref, oi_ref, w_ref, out_ref):
    x2 = x2_ref[...][:, :-1]
    oi = oi_ref[...]
    s, r = x2.shape
    n_out = w_ref.shape[0] // r
    iota_e = lax.broadcasted_iota(jnp.int32, (s, n_out), 1)
    ohe = (oi == iota_e).astype(jnp.float32)
    xb = jnp.concatenate(
        [x2 * ohe[:, e:e + 1] for e in range(n_out)], axis=1)
    out_ref[...] = jnp.dot(xb, w_ref[...], preferred_element_type=jnp.float32)


def kernel(x, output_idx, process_indices, process_neurons, output_neurons):
    b, s, r = x.shape
    n_proc = process_neurons.shape[0]
    n_out, _, d_model = output_neurons.shape
    n_tok = b * s
    t_per_w = n_tok // _NW
    rp = r + 1

    xs = jnp.pad(x.reshape(n_tok, r), ((0, 0), (0, 1))).reshape(n_tok * rp)
    pn = jnp.pad(process_neurons, ((0, 0), (0, 1))).reshape(n_proc * rp)
    oi = output_idx.reshape(n_tok, 1).astype(jnp.int32)
    pi0 = process_indices[..., 0].reshape(n_tok).astype(jnp.int32)
    pi1 = process_indices[..., 1].reshape(n_tok).astype(jnp.int32)
    w = output_neurons.reshape(n_out * r, d_model)

    sc_house = functools.partial(
        pl.kernel,
        out_type=jax.ShapeDtypeStruct((n_tok * rp,), jnp.float32),
        mesh=plsc.VectorSubcoreMesh(core_axis_name="c", subcore_axis_name="s"),
        compiler_params=pltpu.CompilerParams(needs_layout_passes=False),
        scratch_types=[
            pltpu.VMEM((t_per_w * rp,), jnp.float32),
            pltpu.VMEM((n_proc * rp,), jnp.float32),
            pltpu.VMEM((t_per_w,), jnp.int32),
            pltpu.VMEM((t_per_w,), jnp.int32),
            pltpu.VMEM((n_proc,), jnp.float32),
            pltpu.SemaphoreType.DMA,
        ],
    )(functools.partial(_sc_householder_body, n_tok, r, n_proc))
    x2 = sc_house(xs, pi0, pi1, pn).reshape(n_tok, rp)

    out = pl.pallas_call(
        _tc_proj_body,
        out_shape=jax.ShapeDtypeStruct((n_tok, d_model), jnp.float32),
    )(x2, oi, w)
    return out.reshape(b, s, d_model)

# --- scband reference (transcript-rebuilt; emitter-appended) ---
"""Pipeline reference for scband-neuron-circuit-up-31593779429535 (READ-ONLY COPY).

The authoritative reference and input builder live on the scoring server;
editing this copy changes nothing except your own understanding.
"""

import jax, jax.numpy as jnp
import numpy as np

B, S, RANK, D_MODEL = 1, 2048, 64, 1024
N_OUTPUT, N_PROCESS, K = 8, 32, 2


def apply_householder(x, v):
    v_norm_sq = jnp.sum(v * v, axis=-1, keepdims=True) + 1e-08
    v_normalized = v / jnp.sqrt(v_norm_sq)
    vTx = jnp.sum(x * v_normalized, axis=-1, keepdims=True)
    return x - 2 * v_normalized * vTx


def setup_inputs(seed: int = 0) -> dict:
    key = jax.random.key(seed)
    k1, k2, k3, k4, k5 = jax.random.split(key, 5)
    x = jax.random.normal(k1, (B, S, RANK), dtype=jnp.float32)
    output_idx = jax.random.randint(k2, (B, S), 0, N_OUTPUT).astype(jnp.int32)
    process_indices = jax.random.randint(k3, (B, S, K), 0, N_PROCESS).astype(jnp.int32)
    # process_neurons: random unit vectors [n_process, rank]
    pv = jax.random.normal(k4, (N_PROCESS, RANK), dtype=jnp.float32)
    process_neurons = pv / (jnp.linalg.norm(pv, axis=-1, keepdims=True) + 1e-08)
    # output_neurons: orthogonal init [n_output, rank, d_model] (rank < d_model -> q.T)
    w = jax.random.normal(k5, (N_OUTPUT, D_MODEL, RANK), dtype=jnp.float32)
    q, _ = jnp.linalg.qr(w)  # [N_OUTPUT, D_MODEL, RANK]
    output_neurons = jnp.transpose(q, (0, 2, 1))  # [N_OUTPUT, RANK, D_MODEL]
    return {
        "x": x,
        "output_idx": output_idx,
        "process_indices": process_indices,
        "process_neurons": process_neurons,
        "output_neurons": output_neurons,
    }


def reference(x, output_idx, process_indices, process_neurons, output_neurons):
    # Householder chain in rank space (gather of process neuron vectors)
    k = process_indices.shape[-1]
    selected_v = jnp.take(process_neurons, process_indices, axis=0)  # [B, S, k, rank]
    for i in range(k):
        v = selected_v[:, :, i, :]
        x = apply_householder(x, v)
    # Hard output-neuron selection (per-token gather of [rank, d_model] matrices)
    selected = jnp.take(output_neurons, output_idx, axis=0)  # [B, S, rank, d_model]
    out = jnp.einsum('bsr,bsrd->bsd', x, selected)
    return out

if __name__ == "__main__":
    import jax
    _d = setup_inputs()
    print(jax.jit(kernel)(*tuple(_d.values())))

</pallas_src>

<mosaic_0001>
#map = affine_map<(d0, d1) -> (0)>
module attributes {stable_mosaic.version = 14 : i64} {
  func.func @_sc_householder_body(%arg0: i32, %arg1: i32, %arg2: memref<133120xf32, #tpu.memory_space<hbm>>, %arg3: memref<2048xi32, #tpu.memory_space<hbm>>, %arg4: memref<2048xi32, #tpu.memory_space<hbm>>, %arg5: memref<2080xf32, #tpu.memory_space<hbm>>, %arg6: memref<133120xf32, #tpu.memory_space<hbm>>, %arg7: memref<4160xf32, #tpu.memory_space<vmem>>, %arg8: memref<2080xf32, #tpu.memory_space<vmem>>, %arg9: memref<64xi32, #tpu.memory_space<vmem>>, %arg10: memref<64xi32, #tpu.memory_space<vmem>>, %arg11: memref<32xf32, #tpu.memory_space<vmem>>, %arg12: memref<!tpu.dma_semaphore, #tpu.memory_space<semaphore_mem>>) attributes {dimension_semantics = [#tpu.dimension_semantics<core_parallel>, #tpu.dimension_semantics<subcore_parallel>], iteration_bounds = array<i64: 2, 16>, scalar_prefetch = 0 : i64, scratch_operands = 6 : i64, tpu.core_type = #tpu.core_type<sc_vector_subcore>, window_params = [{transform_indices = #map}, {transform_indices = #map}, {transform_indices = #map}, {transform_indices = #map}, {transform_indices = #map}]} {
    %mul3A = arith.constant 16 : i32
    %mul3A_0 = arith.muli %arg0, %mul3A : i32
    %add3A = arith.addi %mul3A_0, %arg1 : i32
    %mul3A_1 = arith.constant 64 : i32
    %mul3A_2 = arith.muli %add3A, %mul3A_1 : i32
    tpu.enqueue_dma source(%arg5 : memref<2080xf32, #tpu.memory_space<hbm>>) target(%arg8 : memref<2080xf32, #tpu.memory_space<vmem>>) target_semaphore(%arg12 : memref<!tpu.dma_semaphore, #tpu.memory_space<semaphore_mem>>)
    %mul3A_3 = arith.constant 65 : i32
    %mul3A_4 = arith.muli %mul3A_2, %mul3A_3 : i32
    %dma_start3A = tpu.memref_slice %arg2[%mul3A_4] : memref<133120xf32, #tpu.memory_space<hbm>> -> memref<4160xf32, #tpu.memory_space<hbm>>
    %dma_start3A_5 = tpu.memref_slice %arg2[%mul3A_4] : memref<133120xf32, #tpu.memory_space<hbm>> -> memref<4160xf32, #tpu.memory_space<hbm>>
    tpu.enqueue_dma source(%dma_start3A_5 : memref<4160xf32, #tpu.memory_space<hbm>>) target(%arg7 : memref<4160xf32, #tpu.memory_space<vmem>>) target_semaphore(%arg12 : memref<!tpu.dma_semaphore, #tpu.memory_space<semaphore_mem>>)
    %dma_start3A_6 = tpu.memref_slice %arg3[%mul3A_2] : memref<2048xi32, #tpu.memory_space<hbm>> -> memref<64xi32, #tpu.memory_space<hbm>>
    %dma_start3A_7 = tpu.memref_slice %arg3[%mul3A_2] : memref<2048xi32, #tpu.memory_space<hbm>> -> memref<64xi32, #tpu.memory_space<hbm>>
    tpu.enqueue_dma source(%dma_start3A_7 : memref<64xi32, #tpu.memory_space<hbm>>) target(%arg9 : memref<64xi32, #tpu.memory_space<vmem>>) target_semaphore(%arg12 : memref<!tpu.dma_semaphore, #tpu.memory_space<semaphore_mem>>)
    %dma_start3A_8 = tpu.memref_slice %arg4[%mul3A_2] : memref<2048xi32, #tpu.memory_space<hbm>> -> memref<64xi32, #tpu.memory_space<hbm>>
    %dma_start3A_9 = tpu.memref_slice %arg4[%mul3A_2] : memref<2048xi32, #tpu.memory_space<hbm>> -> memref<64xi32, #tpu.memory_space<hbm>>
    tpu.enqueue_dma source(%dma_start3A_9 : memref<64xi32, #tpu.memory_space<hbm>>) target(%arg10 : memref<64xi32, #tpu.memory_space<vmem>>) target_semaphore(%arg12 : memref<!tpu.dma_semaphore, #tpu.memory_space<semaphore_mem>>)
    %iota3A = tpu.iota {dimensions = array<i32: 0>} : vector<16xi32>
    %broadcast_in_dim3A = arith.constant 0.000000e+00 : f32
    %broadcast_in_dim3A_10 = vector.broadcast %broadcast_in_dim3A : f32 to vector<16xf32>
    tpu.wait_dma2 semaphore(%arg12 : memref<!tpu.dma_semaphore, #tpu.memory_space<semaphore_mem>>) src(%arg5 : memref<2080xf32, #tpu.memory_space<hbm>>) dst(%arg8 : memref<2080xf32, #tpu.memory_space<vmem>>)
    %add3A_11 = arith.constant 0 : i32
    %add3A_12 = vector.broadcast %add3A_11 : i32 to vector<16xi32>
    %add3A_13 = arith.addi %iota3A, %add3A_12 : vector<16xi32>
    %mul3A_14 = arith.constant 65 : i32
    %mul3A_15 = vector.broadcast %mul3A_14 : i32 to vector<16xi32>
    %mul3A_16 = arith.muli %add3A_13, %mul3A_15 : vector<16xi32>
    %scan3A = arith.constant 0 : i32
    %scan3A_17 = arith.constant 64 : i32
    %scan3A_18 = arith.addi %scan3A, %scan3A_17 : i32
    %scan3A_19 = arith.constant 8 : i32
    %scan3A_20 = scf.for %scan3A_224 = %scan3A to %scan3A_18 step %scan3A_19 iter_args(%scan3A_225 = %broadcast_in_dim3A_10) -> (vector<16xf32>)  : i32 {
      %add3A_226 = vector.broadcast %scan3A_224 : i32 to vector<16xi32>
      %add3A_227 = arith.addi %mul3A_16, %add3A_226 : vector<16xi32>
      %gather3A_228 = tpu.vector_load_idx %arg8[%add3A_227] : memref<2080xf32, #tpu.memory_space<vmem>>[vector<16xi32>], vector<16xf32>,
      %mul3A_229 = arith.mulf %gather3A_228, %gather3A_228 : vector<16xf32>
      %add3A_230 = arith.addf %scan3A_225, %mul3A_229 : vector<16xf32>
      %scan3A_231 = arith.constant 1 : i32
      %scan3A_232 = arith.addi %scan3A_224, %scan3A_231 : i32
      %add3A_233 = vector.broadcast %scan3A_232 : i32 to vector<16xi32>
      %add3A_234 = arith.addi %mul3A_16, %add3A_233 : vector<16xi32>
      %gather3A_235 = tpu.vector_load_idx %arg8[%add3A_234] : memref<2080xf32, #tpu.memory_space<vmem>>[vector<16xi32>], vector<16xf32>,
      %mul3A_236 = arith.mulf %gather3A_235, %gather3A_235 : vector<16xf32>
      %add3A_237 = arith.addf %add3A_230, %mul3A_236 : vector<16xf32>
      %scan3A_238 = arith.constant 2 : i32
      %scan3A_239 = arith.addi %scan3A_224, %scan3A_238 : i32
      %add3A_240 = vector.broadcast %scan3A_239 : i32 to vector<16xi32>
      %add3A_241 = arith.addi %mul3A_16, %add3A_240 : vector<16xi32>
      %gather3A_242 = tpu.vector_load_idx %arg8[%add3A_241] : memref<2080xf32, #tpu.memory_space<vmem>>[vector<16xi32>], vector<16xf32>,
      %mul3A_243 = arith.mulf %gather3A_242, %gather3A_242 : vector<16xf32>
      %add3A_244 = arith.addf %add3A_237, %mul3A_243 : vector<16xf32>
      %scan3A_245 = arith.constant 3 : i32
      %scan3A_246 = arith.addi %scan3A_224, %scan3A_245 : i32
      %add3A_247 = vector.broadcast %scan3A_246 : i32 to vector<16xi32>
      %add3A_248 = arith.addi %mul3A_16, %add3A_247 : vector<16xi32>
      %gather3A_249 = tpu.vector_load_idx %arg8[%add3A_248] : memref<2080xf32, #tpu.memory_space<vmem>>[vector<16xi32>], vector<16xf32>,
      %mul3A_250 = arith.mulf %gather3A_249, %gather3A_249 : vector<16xf32>
      %add3A_251 = arith.addf %add3A_244, %mul3A_250 : vector<16xf32>
      %scan3A_252 = arith.constant 4 : i32
      %scan3A_253 = arith.addi %scan3A_224, %scan3A_252 : i32
      %add3A_254 = vector.broadcast %scan3A_253 : i32 to vector<16xi32>
      %add3A_255 = arith.addi %mul3A_16, %add3A_254 : vector<16xi32>
      %gather3A_256 = tpu.vector_load_idx %arg8[%add3A_255] : memref<2080xf32, #tpu.memory_space<vmem>>[vector<16xi32>], vector<16xf32>,
      %mul3A_257 = arith.mulf %gather3A_256, %gather3A_256 : vector<16xf32>
      %add3A_258 = arith.addf %add3A_251, %mul3A_257 : vector<16xf32>
      %scan3A_259 = arith.constant 5 : i32
      %scan3A_260 = arith.addi %scan3A_224, %scan3A_259 : i32
      %add3A_261 = vector.broadcast %scan3A_260 : i32 to vector<16xi32>
      %add3A_262 = arith.addi %mul3A_16, %add3A_261 : vector<16xi32>
      %gather3A_263 = tpu.vector_load_idx %arg8[%add3A_262] : memref<2080xf32, #tpu.memory_space<vmem>>[vector<16xi32>], vector<16xf32>,
      %mul3A_264 = arith.mulf %gather3A_263, %gather3A_263 : vector<16xf32>
      %add3A_265 = arith.addf %add3A_258, %mul3A_264 : vector<16xf32>
      %scan3A_266 = arith.constant 6 : i32
      %scan3A_267 = arith.addi %scan3A_224, %scan3A_266 : i32
      %add3A_268 = vector.broadcast %scan3A_267 : i32 to vector<16xi32>
      %add3A_269 = arith.addi %mul3A_16, %add3A_268 : vector<16xi32>
      %gather3A_270 = tpu.vector_load_idx %arg8[%add3A_269] : memref<2080xf32, #tpu.memory_space<vmem>>[vector<16xi32>], vector<16xf32>,
      %mul3A_271 = arith.mulf %gather3A_270, %gather3A_270 : vector<16xf32>
      %add3A_272 = arith.addf %add3A_265, %mul3A_271 : vector<16xf32>
      %scan3A_273 = arith.constant 7 : i32
      %scan3A_274 = arith.addi %scan3A_224, %scan3A_273 : i32
      %add3A_275 = vector.broadcast %scan3A_274 : i32 to vector<16xi32>
      %add3A_276 = arith.addi %mul3A_16, %add3A_275 : vector<16xi32>
      %gather3A_277 = tpu.vector_load_idx %arg8[%add3A_276] : memref<2080xf32, #tpu.memory_space<vmem>>[vector<16xi32>], vector<16xf32>,
      %mul3A_278 = arith.mulf %gather3A_277, %gather3A_277 : vector<16xf32>
      %add3A_279 = arith.addf %add3A_272, %mul3A_278 : vector<16xf32>
      scf.yield %add3A_279 : vector<16xf32>
    }
    %scan3A_21 = arith.constant 64 : i32
    %swap3A = arith.constant 0 : index
    %swap3A_22 = tpu.vector_load %arg11[%swap3A] {strides = array<i32>} : memref<32xf32, #tpu.memory_space<vmem>>, vector<16xf32>,
    tpu.vector_store %arg11[%swap3A], %scan3A_20 {strides = array<i32>} : memref<32xf32, #tpu.memory_space<vmem>>, vector<16xf32>,
    %add3A_23 = arith.constant 16 : i32
    %add3A_24 = vector.broadcast %add3A_23 : i32 to vector<16xi32>
    %add3A_25 = arith.addi %iota3A, %add3A_24 : vector<16xi32>
    %mul3A_26 = arith.constant 65 : i32
    %mul3A_27 = vector.broadcast %mul3A_26 : i32 to vector<16xi32>
    %mul3A_28 = arith.muli %add3A_25, %mul3A_27 : vector<16xi32>
    %scan3A_29 = arith.constant 0 : i32
    %scan3A_30 = arith.constant 64 : i32
    %scan3A_31 = arith.addi %scan3A_29, %scan3A_30 : i32
    %scan3A_32 = arith.constant 8 : i32
    %scan3A_33 = scf.for %scan3A_224 = %scan3A_29 to %scan3A_31 step %scan3A_32 iter_args(%scan3A_225 = %broadcast_in_dim3A_10) -> (vector<16xf32>)  : i32 {
      %add3A_226 = vector.broadcast %scan3A_224 : i32 to vector<16xi32>
      %add3A_227 = arith.addi %mul3A_28, %add3A_226 : vector<16xi32>
      %gather3A_228 = tpu.vector_load_idx %arg8[%add3A_227] : memref<2080xf32, #tpu.memory_space<vmem>>[vector<16xi32>], vector<16xf32>,
      %mul3A_229 = arith.mulf %gather3A_228, %gather3A_228 : vector<16xf32>
      %add3A_230 = arith.addf %scan3A_225, %mul3A_229 : vector<16xf32>
      %scan3A_231 = arith.constant 1 : i32
      %scan3A_232 = arith.addi %scan3A_224, %scan3A_231 : i32
      %add3A_233 = vector.broadcast %scan3A_232 : i32 to vector<16xi32>
      %add3A_234 = arith.addi %mul3A_28, %add3A_233 : vector<16xi32>
      %gather3A_235 = tpu.vector_load_idx %arg8[%add3A_234] : memref<2080xf32, #tpu.memory_space<vmem>>[vector<16xi32>], vector<16xf32>,
      %mul3A_236 = arith.mulf %gather3A_235, %gather3A_235 : vector<16xf32>
      %add3A_237 = arith.addf %add3A_230, %mul3A_236 : vector<16xf32>
      %scan3A_238 = arith.constant 2 : i32
      %scan3A_239 = arith.addi %scan3A_224, %scan3A_238 : i32
      %add3A_240 = vector.broadcast %scan3A_239 : i32 to vector<16xi32>
      %add3A_241 = arith.addi %mul3A_28, %add3A_240 : vector<16xi32>
      %gather3A_242 = tpu.vector_load_idx %arg8[%add3A_241] : memref<2080xf32, #tpu.memory_space<vmem>>[vector<16xi32>], vector<16xf32>,
      %mul3A_243 = arith.mulf %gather3A_242, %gather3A_242 : vector<16xf32>
      %add3A_244 = arith.addf %add3A_237, %mul3A_243 : vector<16xf32>
      %scan3A_245 = arith.constant 3 : i32
      %scan3A_246 = arith.addi %scan3A_224, %scan3A_245 : i32
      %add3A_247 = vector.broadcast %scan3A_246 : i32 to vector<16xi32>
      %add3A_248 = arith.addi %mul3A_28, %add3A_247 : vector<16xi32>
      %gather3A_249 = tpu.vector_load_idx %arg8[%add3A_248] : memref<2080xf32, #tpu.memory_space<vmem>>[vector<16xi32>], vector<16xf32>,
      %mul3A_250 = arith.mulf %gather3A_249, %gather3A_249 : vector<16xf32>
      %add3A_251 = arith.addf %add3A_244, %mul3A_250 : vector<16xf32>
      %scan3A_252 = arith.constant 4 : i32
      %scan3A_253 = arith.addi %scan3A_224, %scan3A_252 : i32
      %add3A_254 = vector.broadcast %scan3A_253 : i32 to vector<16xi32>
      %add3A_255 = arith.addi %mul3A_28, %add3A_254 : vector<16xi32>
      %gather3A_256 = tpu.vector_load_idx %arg8[%add3A_255] : memref<2080xf32, #tpu.memory_space<vmem>>[vector<16xi32>], vector<16xf32>,
      %mul3A_257 = arith.mulf %gather3A_256, %gather3A_256 : vector<16xf32>
      %add3A_258 = arith.addf %add3A_251, %mul3A_257 : vector<16xf32>
      %scan3A_259 = arith.constant 5 : i32
      %scan3A_260 = arith.addi %scan3A_224, %scan3A_259 : i32
      %add3A_261 = vector.broadcast %scan3A_260 : i32 to vector<16xi32>
      %add3A_262 = arith.addi %mul3A_28, %add3A_261 : vector<16xi32>
      %gather3A_263 = tpu.vector_load_idx %arg8[%add3A_262] : memref<2080xf32, #tpu.memory_space<vmem>>[vector<16xi32>], vector<16xf32>,
      %mul3A_264 = arith.mulf %gather3A_263, %gather3A_263 : vector<16xf32>
      %add3A_265 = arith.addf %add3A_258, %mul3A_264 : vector<16xf32>
      %scan3A_266 = arith.constant 6 : i32
      %scan3A_267 = arith.addi %scan3A_224, %scan3A_266 : i32
      %add3A_268 = vector.broadcast %scan3A_267 : i32 to vector<16xi32>
      %add3A_269 = arith.addi %mul3A_28, %add3A_268 : vector<16xi32>
      %gather3A_270 = tpu.vector_load_idx %arg8[%add3A_269] : memref<2080xf32, #tpu.memory_space<vmem>>[vector<16xi32>], vector<16xf32>,
      %mul3A_271 = arith.mulf %gather3A_270, %gather3A_270 : vector<16xf32>
      %add3A_272 = arith.addf %add3A_265, %mul3A_271 : vector<16xf32>
      %scan3A_273 = arith.constant 7 : i32
      %scan3A_274 = arith.addi %scan3A_224, %scan3A_273 : i32
      %add3A_275 = vector.broadcast %scan3A_274 : i32 to vector<16xi32>
      %add3A_276 = arith.addi %mul3A_28, %add3A_275 : vector<16xi32>
      %gather3A_277 = tpu.vector_load_idx %arg8[%add3A_276] : memref<2080xf32, #tpu.memory_space<vmem>>[vector<16xi32>], vector<16xf32>,
      %mul3A_278 = arith.mulf %gather3A_277, %gather3A_277 : vector<16xf32>
      %add3A_279 = arith.addf %add3A_272, %mul3A_278 : vector<16xf32>
      scf.yield %add3A_279 : vector<16xf32>
    }
    %scan3A_34 = arith.constant 64 : i32
    %swap3A_35 = arith.constant 16 : index
    %swap3A_36 = tpu.vector_load %arg11[%swap3A_35] {strides = array<i32>} : memref<32xf32, #tpu.memory_space<vmem>>, vector<16xf32>,
    tpu.vector_store %arg11[%swap3A_35], %scan3A_33 {strides = array<i32>} : memref<32xf32, #tpu.memory_space<vmem>>, vector<16xf32>,
    %dma_wait3A = tpu.memref_slice %arg2[%mul3A_4] : memref<133120xf32, #tpu.memory_space<hbm>> -> memref<4160xf32, #tpu.memory_space<hbm>>
    %dma_wait3A_37 = tpu.memref_slice %arg2[%mul3A_4] : memref<133120xf32, #tpu.memory_space<hbm>> -> memref<4160xf32, #tpu.memory_space<hbm>>
    tpu.wait_dma2 semaphore(%arg12 : memref<!tpu.dma_semaphore, #tpu.memory_space<semaphore_mem>>) src(%dma_wait3A_37 : memref<4160xf32, #tpu.memory_space<hbm>>) dst(%arg7 : memref<4160xf32, #tpu.memory_space<vmem>>)
    %dma_wait3A_38 = tpu.memref_slice %arg3[%mul3A_2] : memref<2048xi32, #tpu.memory_space<hbm>> -> memref<64xi32, #tpu.memory_space<hbm>>
    %dma_wait3A_39 = tpu.memref_slice %arg3[%mul3A_2] : memref<2048xi32, #tpu.memory_space<hbm>> -> memref<64xi32, #tpu.memory_space<hbm>>
    tpu.wait_dma2 semaphore(%arg12 : memref<!tpu.dma_semaphore, #tpu.memory_space<semaphore_mem>>) src(%dma_wait3A_39 : memref<64xi32, #tpu.memory_space<hbm>>) dst(%arg9 : memref<64xi32, #tpu.memory_space<vmem>>)
    %dma_wait3A_40 = tpu.memref_slice %arg4[%mul3A_2] : memref<2048xi32, #tpu.memory_space<hbm>> -> memref<64xi32, #tpu.memory_space<hbm>>
    %dma_wait3A_41 = tpu.memref_slice %arg4[%mul3A_2] : memref<2048xi32, #tpu.memory_space<hbm>> -> memref<64xi32, #tpu.memory_space<hbm>>
    tpu.wait_dma2 semaphore(%arg12 : memref<!tpu.dma_semaphore, #tpu.memory_space<semaphore_mem>>) src(%dma_wait3A_41 : memref<64xi32, #tpu.memory_space<hbm>>) dst(%arg10 : memref<64xi32, #tpu.memory_space<vmem>>)
    %add3A_42 = arith.constant 0 : i32
    %add3A_43 = vector.broadcast %add3A_42 : i32 to vector<16xi32>
    %add3A_44 = arith.addi %iota3A, %add3A_43 : vector<16xi32>
    %mul3A_45 = arith.constant 65 : i32
    %mul3A_46 = vector.broadcast %mul3A_45 : i32 to vector<16xi32>
    %mul3A_47 = arith.muli %add3A_44, %mul3A_46 : vector<16xi32>
    %get3A = arith.constant 0 : index
    %get3A_48 = tpu.vector_load %arg9[%get3A] {strides = array<i32>} : memref<64xi32, #tpu.memory_space<vmem>>, vector<16xi32>,
    %get3A_49 = arith.constant 0 : index
    %get3A_50 = tpu.vector_load %arg10[%get3A_49] {strides = array<i32>} : memref<64xi32, #tpu.memory_space<vmem>>, vector<16xi32>,
    %mul3A_51 = arith.constant 65 : i32
    %mul3A_52 = vector.broadcast %mul3A_51 : i32 to vector<16xi32>
    %mul3A_53 = arith.muli %get3A_48, %mul3A_52 : vector<16xi32>
    %mul3A_54 = arith.constant 65 : i32
    %mul3A_55 = vector.broadcast %mul3A_54 : i32 to vector<16xi32>
    %mul3A_56 = arith.muli %get3A_50, %mul3A_55 : vector<16xi32>
    %gather3A = tpu.vector_load_idx %arg11[%get3A_48] : memref<32xf32, #tpu.memory_space<vmem>>[vector<16xi32>], vector<16xf32>,
    %add3A_57 = arith.constant 9.99999993E-9 : f32
    %add3A_58 = vector.broadcast %add3A_57 : f32 to vector<16xf32>
    %add3A_59 = arith.addf %gather3A, %add3A_58 : vector<16xf32>
    %gather3A_60 = tpu.vector_load_idx %arg11[%get3A_50] : memref<32xf32, #tpu.memory_space<vmem>>[vector<16xi32>], vector<16xf32>,
    %add3A_61 = arith.constant 9.99999993E-9 : f32
    %add3A_62 = vector.broadcast %add3A_61 : f32 to vector<16xf32>
    %add3A_63 = arith.addf %gather3A_60, %add3A_62 : vector<16xf32>
    %scan3A_64 = arith.constant 0 : i32
    %scan3A_65 = arith.constant 64 : i32
    %scan3A_66 = arith.addi %scan3A_64, %scan3A_65 : i32
    %scan3A_67 = arith.constant 8 : i32
    %scan3A_68:3 = scf.for %scan3A_224 = %scan3A_64 to %scan3A_66 step %scan3A_67 iter_args(%scan3A_225 = %broadcast_in_dim3A_10, %scan3A_226 = %broadcast_in_dim3A_10, %scan3A_227 = %broadcast_in_dim3A_10) -> (vector<16xf32>, vector<16xf32>, vector<16xf32>)  : i32 {
      %add3A_228 = vector.broadcast %scan3A_224 : i32 to vector<16xi32>
      %add3A_229 = arith.addi %mul3A_53, %add3A_228 : vector<16xi32>
      %gather3A_230 = tpu.vector_load_idx %arg8[%add3A_229] : memref<2080xf32, #tpu.memory_space<vmem>>[vector<16xi32>], vector<16xf32>,
      %add3A_231 = vector.broadcast %scan3A_224 : i32 to vector<16xi32>
      %add3A_232 = arith.addi %mul3A_56, %add3A_231 : vector<16xi32>
      %gather3A_233 = tpu.vector_load_idx %arg8[%add3A_232] : memref<2080xf32, #tpu.memory_space<vmem>>[vector<16xi32>], vector<16xf32>,
      %add3A_234 = vector.broadcast %scan3A_224 : i32 to vector<16xi32>
      %add3A_235 = arith.addi %mul3A_47, %add3A_234 : vector<16xi32>
      %gather3A_236 = tpu.vector_load_idx %arg7[%add3A_235] : memref<4160xf32, #tpu.memory_space<vmem>>[vector<16xi32>], vector<16xf32>,
      %mul3A_237 = arith.mulf %gather3A_230, %gather3A_236 : vector<16xf32>
      %add3A_238 = arith.addf %scan3A_225, %mul3A_237 : vector<16xf32>
      %mul3A_239 = arith.mulf %gather3A_233, %gather3A_236 : vector<16xf32>
      %add3A_240 = arith.addf %scan3A_226, %mul3A_239 : vector<16xf32>
      %mul3A_241 = arith.mulf %gather3A_230, %gather3A_233 : vector<16xf32>
      %add3A_242 = arith.addf %scan3A_227, %mul3A_241 : vector<16xf32>
      %scan3A_243 = arith.constant 1 : i32
      %scan3A_244 = arith.addi %scan3A_224, %scan3A_243 : i32
      %add3A_245 = vector.broadcast %scan3A_244 : i32 to vector<16xi32>
      %add3A_246 = arith.addi %mul3A_53, %add3A_245 : vector<16xi32>
      %gather3A_247 = tpu.vector_load_idx %arg8[%add3A_246] : memref<2080xf32, #tpu.memory_space<vmem>>[vector<16xi32>], vector<16xf32>,
      %add3A_248 = vector.broadcast %scan3A_244 : i32 to vector<16xi32>
      %add3A_249 = arith.addi %mul3A_56, %add3A_248 : vector<16xi32>
      %gather3A_250 = tpu.vector_load_idx %arg8[%add3A_249] : memref<2080xf32, #tpu.memory_space<vmem>>[vector<16xi32>], vector<16xf32>,
      %add3A_251 = vector.broadcast %scan3A_244 : i32 to vector<16xi32>
      %add3A_252 = arith.addi %mul3A_47, %add3A_251 : vector<16xi32>
      %gather3A_253 = tpu.vector_load_idx %arg7[%add3A_252] : memref<4160xf32, #tpu.memory_space<vmem>>[vector<16xi32>], vector<16xf32>,
      %mul3A_254 = arith.mulf %gather3A_247, %gather3A_253 : vector<16xf32>
      %add3A_255 = arith.addf %add3A_238, %mul3A_254 : vector<16xf32>
      %mul3A_256 = arith.mulf %gather3A_250, %gather3A_253 : vector<16xf32>
      %add3A_257 = arith.addf %add3A_240, %mul3A_256 : vector<16xf32>
      %mul3A_258 = arith.mulf %gather3A_247, %gather3A_250 : vector<16xf32>
      %add3A_259 = arith.addf %add3A_242, %mul3A_258 : vector<16xf32>
      %scan3A_260 = arith.constant 2 : i32
      %scan3A_261 = arith.addi %scan3A_224, %scan3A_260 : i32
      %add3A_262 = vector.broadcast %scan3A_261 : i32 to vector<16xi32>
      %add3A_263 = arith.addi %mul3A_53, %add3A_262 : vector<16xi32>
      %gather3A_264 = tpu.vector_load_idx %arg8[%add3A_263] : memref<2080xf32, #tpu.memory_space<vmem>>[vector<16xi32>], vector<16xf32>,
      %add3A_265 = vector.broadcast %scan3A_261 : i32 to vector<16xi32>
      %add3A_266 = arith.addi %mul3A_56, %add3A_265 : vector<16xi32>
      %gather3A_267 = tpu.vector_load_idx %arg8[%add3A_266] : memref<2080xf32, #tpu.memory_space<vmem>>[vector<16xi32>], vector<16xf32>,
      %add3A_268 = vector.broadcast %scan3A_261 : i32 to vector<16xi32>
      %add3A_269 = arith.addi %mul3A_47, %add3A_268 : vector<16xi32>
      %gather3A_270 = tpu.vector_load_idx %arg7[%add3A_269] : memref<4160xf32, #tpu.memory_space<vmem>>[vector<16xi32>], vector<16xf32>,
      %mul3A_271 = arith.mulf %gather3A_264, %gather3A_270 : vector<16xf32>
      %add3A_272 = arith.addf %add3A_255, %mul3A_271 : vector<16xf32>
      %mul3A_273 = arith.mulf %gather3A_267, %gather3A_270 : vector<16xf32>
      %add3A_274 = arith.addf %add3A_257, %mul3A_273 : vector<16xf32>
      %mul3A_275 = arith.mulf %gather3A_264, %gather3A_267 : vector<16xf32>
      %add3A_276 = arith.addf %add3A_259, %mul3A_275 : vector<16xf32>
      %scan3A_277 = arith.constant 3 : i32
      %scan3A_278 = arith.addi %scan3A_224, %scan3A_277 : i32
      %add3A_279 = vector.broadcast %scan3A_278 : i32 to vector<16xi32>
      %add3A_280 = arith.addi %mul3A_53, %add3A_279 : vector<16xi32>
      %gather3A_281 = tpu.vector_load_idx %arg8[%add3A_280] : memref<2080xf32, #tpu.memory_space<vmem>>[vector<16xi32>], vector<16xf32>,
      %add3A_282 = vector.broadcast %scan3A_278 : i32 to vector<16xi32>
      %add3A_283 = arith.addi %mul3A_56, %add3A_282 : vector<16xi32>
      %gather3A_284 = tpu.vector_load_idx %arg8[%add3A_283] : memref<2080xf32, #tpu.memory_space<vmem>>[vector<16xi32>], vector<16xf32>,
      %add3A_285 = vector.broadcast %scan3A_278 : i32 to vector<16xi32>
      %add3A_286 = arith.addi %mul3A_47, %add3A_285 : vector<16xi32>
      %gather3A_287 = tpu.vector_load_idx %arg7[%add3A_286] : memref<4160xf32, #tpu.memory_space<vmem>>[vector<16xi32>], vector<16xf32>,
      %mul3A_288 = arith.mulf %gather3A_281, %gather3A_287 : vector<16xf32>
      %add3A_289 = arith.addf %add3A_272, %mul3A_288 : vector<16xf32>
      %mul3A_290 = arith.mulf %gather3A_284, %gather3A_287 : vector<16xf32>
      %add3A_291 = arith.addf %add3A_274, %mul3A_290 : vector<16xf32>
      %mul3A_292 = arith.mulf %gather3A_281, %gather3A_284 : vector<16xf32>
      %add3A_293 = arith.addf %add3A_276, %mul3A_292 : vector<16xf32>
      %scan3A_294 = arith.constant 4 : i32
      %scan3A_295 = arith.addi %scan3A_224, %scan3A_294 : i32
      %add3A_296 = vector.broadcast %scan3A_295 : i32 to vector<16xi32>
      %add3A_297 = arith.addi %mul3A_53, %add3A_296 : vector<16xi32>
      %gather3A_298 = tpu.vector_load_idx %arg8[%add3A_297] : memref<2080xf32, #tpu.memory_space<vmem>>[vector<16xi32>], vector<16xf32>,
      %add3A_299 = vector.broadcast %scan3A_295 : i32 to vector<16xi32>
      %add3A_300 = arith.addi %mul3A_56, %add3A_299 : vector<16xi32>
      %gather3A_301 = tpu.vector_load_idx %arg8[%add3A_300] : memref<2080xf32, #tpu.memory_space<vmem>>[vector<16xi32>], vector<16xf32>,
      %add3A_302 = vector.broadcast %scan3A_295 : i32 to vector<16xi32>
      %add3A_303 = arith.addi %mul3A_47, %add3A_302 : vector<16xi32>
      %gather3A_304 = tpu.vector_load_idx %arg7[%add3A_303] : memref<4160xf32, #tpu.memory_space<vmem>>[vector<16xi32>], vector<16xf32>,
      %mul3A_305 = arith.mulf %gather3A_298, %gather3A_304 : vector<16xf32>
      %add3A_306 = arith.addf %add3A_289, %mul3A_305 : vector<16xf32>
      %mul3A_307 = arith.mulf %gather3A_301, %gather3A_304 : vector<16xf32>
      %add3A_308 = arith.addf %add3A_291, %mul3A_307 : vector<16xf32>
      %mul3A_309 = arith.mulf %gather3A_298, %gather3A_301 : vector<16xf32>
      %add3A_310 = arith.addf %add3A_293, %mul3A_309 : vector<16xf32>
      %scan3A_311 = arith.constant 5 : i32
      %scan3A_312 = arith.addi %scan3A_224, %scan3A_311 : i32
      %add3A_313 = vector.broadcast %scan3A_312 : i32 to vector<16xi32>
      %add3A_314 = arith.addi %mul3A_53, %add3A_313 : vector<16xi32>
      %gather3A_315 = tpu.vector_load_idx %arg8[%add3A_314] : memref<2080xf32, #tpu.memory_space<vmem>>[vector<16xi32>], vector<16xf32>,
      %add3A_316 = vector.broadcast %scan3A_312 : i32 to vector<16xi32>
      %add3A_317 = arith.addi %mul3A_56, %add3A_316 : vector<16xi32>
      %gather3A_318 = tpu.vector_load_idx %arg8[%add3A_317] : memref<2080xf32, #tpu.memory_space<vmem>>[vector<16xi32>], vector<16xf32>,
      %add3A_319 = vector.broadcast %scan3A_312 : i32 to vector<16xi32>
      %add3A_320 = arith.addi %mul3A_47, %add3A_319 : vector<16xi32>
      %gather3A_321 = tpu.vector_load_idx %arg7[%add3A_320] : memref<4160xf32, #tpu.memory_space<vmem>>[vector<16xi32>], vector<16xf32>,
      %mul3A_322 = arith.mulf %gather3A_315, %gather3A_321 : vector<16xf32>
      %add3A_323 = arith.addf %add3A_306, %mul3A_322 : vector<16xf32>
      %mul3A_324 = arith.mulf %gather3A_318, %gather3A_321 : vector<16xf32>
      %add3A_325 = arith.addf %add3A_308, %mul3A_324 : vector<16xf32>
      %mul3A_326 = arith.mulf %gather3A_315, %gather3A_318 : vector<16xf32>
      %add3A_327 = arith.addf %add3A_310, %mul3A_326 : vector<16xf32>
      %scan3A_328 = arith.constant 6 : i32
      %scan3A_329 = arith.addi %scan3A_224, %scan3A_328 : i32
      %add3A_330 = vector.broadcast %scan3A_329 : i32 to vector<16xi32>
      %add3A_331 = arith.addi %mul3A_53, %add3A_330 : vector<16xi32>
      %gather3A_332 = tpu.vector_load_idx %arg8[%add3A_331] : memref<2080xf32, #tpu.memory_space<vmem>>[vector<16xi32>], vector<16xf32>,
      %add3A_333 = vector.broadcast %scan3A_329 : i32 to vector<16xi32>
      %add3A_334 = arith.addi %mul3A_56, %add3A_333 : vector<16xi32>
      %gather3A_335 = tpu.vector_load_idx %arg8[%add3A_334] : memref<2080xf32, #tpu.memory_space<vmem>>[vector<16xi32>], vector<16xf32>,
      %add3A_336 = vector.broadcast %scan3A_329 : i32 to vector<16xi32>
      %add3A_337 = arith.addi %mul3A_47, %add3A_336 : vector<16xi32>
      %gather3A_338 = tpu.vector_load_idx %arg7[%add3A_337] : memref<4160xf32, #tpu.memory_space<vmem>>[vector<16xi32>], vector<16xf32>,
      %mul3A_339 = arith.mulf %gather3A_332, %gather3A_338 : vector<16xf32>
      %add3A_340 = arith.addf %add3A_323, %mul3A_339 : vector<16xf32>
      %mul3A_341 = arith.mulf %gather3A_335, %gather3A_338 : vector<16xf32>
      %add3A_342 = arith.addf %add3A_325, %mul3A_341 : vector<16xf32>
      %mul3A_343 = arith.mulf %gather3A_332, %gather3A_335 : vector<16xf32>
      %add3A_344 = arith.addf %add3A_327, %mul3A_343 : vector<16xf32>
      %scan3A_345 = arith.constant 7 : i32
      %scan3A_346 = arith.addi %scan3A_224, %scan3A_345 : i32
      %add3A_347 = vector.broadcast %scan3A_346 : i32 to vector<16xi32>
      %add3A_348 = arith.addi %mul3A_53, %add3A_347 : vector<16xi32>
      %gather3A_349 = tpu.vector_load_idx %arg8[%add3A_348] : memref<2080xf32, #tpu.memory_space<vmem>>[vector<16xi32>], vector<16xf32>,
      %add3A_350 = vector.broadcast %scan3A_346 : i32 to vector<16xi32>
      %add3A_351 = arith.addi %mul3A_56, %add3A_350 : vector<16xi32>
      %gather3A_352 = tpu.vector_load_idx %arg8[%add3A_351] : memref<2080xf32, #tpu.memory_space<vmem>>[vector<16xi32>], vector<16xf32>,
      %add3A_353 = vector.broadcast %scan3A_346 : i32 to vector<16xi32>
      %add3A_354 = arith.addi %mul3A_47, %add3A_353 : vector<16xi32>
      %gather3A_355 = tpu.vector_load_idx %arg7[%add3A_354] : memref<4160xf32, #tpu.memory_space<vmem>>[vector<16xi32>], vector<16xf32>,
      %mul3A_356 = arith.mulf %gather3A_349, %gather3A_355 : vector<16xf32>
      %add3A_357 = arith.addf %add3A_340, %mul3A_356 : vector<16xf32>
      %mul3A_358 = arith.mulf %gather3A_352, %gather3A_355 : vector<16xf32>
      %add3A_359 = arith.addf %add3A_342, %mul3A_358 : vector<16xf32>
      %mul3A_360 = arith.mulf %gather3A_349, %gather3A_352 : vector<16xf32>
      %add3A_361 = arith.addf %add3A_344, %mul3A_360 : vector<16xf32>
      scf.yield %add3A_357, %add3A_359, %add3A_361 : vector<16xf32>, vector<16xf32>, vector<16xf32>
    }
    %scan3A_69 = arith.constant 64 : i32
    %mul3A_70 = arith.constant 2.000000e+00 : f32
    %mul3A_71 = vector.broadcast %mul3A_70 : f32 to vector<16xf32>
    %mul3A_72 = arith.mulf %mul3A_71, %scan3A_68#0 : vector<16xf32>
    %div3A = arith.divf %mul3A_72, %add3A_59 : vector<16xf32>
    %mul3A_73 = arith.mulf %div3A, %scan3A_68#2 : vector<16xf32>
    %sub3A = arith.subf %scan3A_68#1, %mul3A_73 : vector<16xf32>
    %mul3A_74 = arith.constant 2.000000e+00 : f32
    %mul3A_75 = vector.broadcast %mul3A_74 : f32 to vector<16xf32>
    %mul3A_76 = arith.mulf %mul3A_75, %sub3A : vector<16xf32>
    %div3A_77 = arith.divf %mul3A_76, %add3A_63 : vector<16xf32>
    %scan3A_78 = arith.constant 0 : i32
    %scan3A_79 = arith.constant 0 : i32
    %scan3A_80 = arith.constant 64 : i32
    %scan3A_81 = arith.addi %scan3A_79, %scan3A_80 : i32
    %scan3A_82 = arith.constant 8 : i32
    scf.for %scan3A_224 = %scan3A_79 to %scan3A_81 step %scan3A_82  : i32 {
      %add3A_225 = vector.broadcast %scan3A_224 : i32 to vector<16xi32>
      %add3A_226 = arith.addi %mul3A_53, %add3A_225 : vector<16xi32>
      %gather3A_227 = tpu.vector_load_idx %arg8[%add3A_226] : memref<2080xf32, #tpu.memory_space<vmem>>[vector<16xi32>], vector<16xf32>,
      %add3A_228 = vector.broadcast %scan3A_224 : i32 to vector<16xi32>
      %add3A_229 = arith.addi %mul3A_56, %add3A_228 : vector<16xi32>
      %gather3A_230 = tpu.vector_load_idx %arg8[%add3A_229] : memref<2080xf32, #tpu.memory_space<vmem>>[vector<16xi32>], vector<16xf32>,
      %add3A_231 = vector.broadcast %scan3A_224 : i32 to vector<16xi32>
      %add3A_232 = arith.addi %mul3A_47, %add3A_231 : vector<16xi32>
      %gather3A_233 = tpu.vector_load_idx %arg7[%add3A_232] : memref<4160xf32, #tpu.memory_space<vmem>>[vector<16xi32>], vector<16xf32>,
      %add3A_234 = vector.broadcast %scan3A_224 : i32 to vector<16xi32>
      %add3A_235 = arith.addi %mul3A_47, %add3A_234 : vector<16xi32>
      %mul3A_236 = arith.mulf %div3A, %gather3A_227 : vector<16xf32>
      %sub3A_237 = arith.subf %gather3A_233, %mul3A_236 : vector<16xf32>
      %mul3A_238 = arith.mulf %div3A_77, %gather3A_230 : vector<16xf32>
      %sub3A_239 = arith.subf %sub3A_237, %mul3A_238 : vector<16xf32>
      tpu.vector_store_idx %arg7[%add3A_235], %sub3A_239 : memref<4160xf32, #tpu.memory_space<vmem>>[vector<16xi32>], vector<16xf32>,
      %scan3A_240 = arith.constant 1 : i32
      %scan3A_241 = arith.addi %scan3A_224, %scan3A_240 : i32
      %add3A_242 = vector.broadcast %scan3A_241 : i32 to vector<16xi32>
      %add3A_243 = arith.addi %mul3A_53, %add3A_242 : vector<16xi32>
      %gather3A_244 = tpu.vector_load_idx %arg8[%add3A_243] : memref<2080xf32, #tpu.memory_space<vmem>>[vector<16xi32>], vector<16xf32>,
      %add3A_245 = vector.broadcast %scan3A_241 : i32 to vector<16xi32>
      %add3A_246 = arith.addi %mul3A_56, %add3A_245 : vector<16xi32>
      %gather3A_247 = tpu.vector_load_idx %arg8[%add3A_246] : memref<2080xf32, #tpu.memory_space<vmem>>[vector<16xi32>], vector<16xf32>,
      %add3A_248 = vector.broadcast %scan3A_241 : i32 to vector<16xi32>
      %add3A_249 = arith.addi %mul3A_47, %add3A_248 : vector<16xi32>
      %gather3A_250 = tpu.vector_load_idx %arg7[%add3A_249] : memref<4160xf32, #tpu.memory_space<vmem>>[vector<16xi32>], vector<16xf32>,
      %add3A_251 = vector.broadcast %scan3A_241 : i32 to vector<16xi32>
      %add3A_252 = arith.addi %mul3A_47, %add3A_251 : vector<16xi32>
      %mul3A_253 = arith.mulf %div3A, %gather3A_244 : vector<16xf32>
      %sub3A_254 = arith.subf %gather3A_250, %mul3A_253 : vector<16xf32>
      %mul3A_255 = arith.mulf %div3A_77, %gather3A_247 : vector<16xf32>
      %sub3A_256 = arith.subf %sub3A_254, %mul3A_255 : vector<16xf32>
      tpu.vector_store_idx %arg7[%add3A_252], %sub3A_256 : memref<4160xf32, #tpu.memory_space<vmem>>[vector<16xi32>], vector<16xf32>,
      %scan3A_257 = arith.constant 2 : i32
      %scan3A_258 = arith.addi %scan3A_224, %scan3A_257 : i32
      %add3A_259 = vector.broadcast %scan3A_258 : i32 to vector<16xi32>
      %add3A_260 = arith.addi %mul3A_53, %add3A_259 : vector<16xi32>
      %gather3A_261 = tpu.vector_load_idx %arg8[%add3A_260] : memref<2080xf32, #tpu.memory_space<vmem>>[vector<16xi32>], vector<16xf32>,
      %add3A_262 = vector.broadcast %scan3A_258 : i32 to vector<16xi32>
      %add3A_263 = arith.addi %mul3A_56, %add3A_262 : vector<16xi32>
      %gather3A_264 = tpu.vector_load_idx %arg8[%add3A_263] : memref<2080xf32, #tpu.memory_space<vmem>>[vector<16xi32>], vector<16xf32>,
      %add3A_265 = vector.broadcast %scan3A_258 : i32 to vector<16xi32>
      %add3A_266 = arith.addi %mul3A_47, %add3A_265 : vector<16xi32>
      %gather3A_267 = tpu.vector_load_idx %arg7[%add3A_266] : memref<4160xf32, #tpu.memory_space<vmem>>[vector<16xi32>], vector<16xf32>,
      %add3A_268 = vector.broadcast %scan3A_258 : i32 to vector<16xi32>
      %add3A_269 = arith.addi %mul3A_47, %add3A_268 : vector<16xi32>
      %mul3A_270 = arith.mulf %div3A, %gather3A_261 : vector<16xf32>
      %sub3A_271 = arith.subf %gather3A_267, %mul3A_270 : vector<16xf32>
      %mul3A_272 = arith.mulf %div3A_77, %gather3A_264 : vector<16xf32>
      %sub3A_273 = arith.subf %sub3A_271, %mul3A_272 : vector<16xf32>
      tpu.vector_store_idx %arg7[%add3A_269], %sub3A_273 : memref<4160xf32, #tpu.memory_space<vmem>>[vector<16xi32>], vector<16xf32>,
      %scan3A_274 = arith.constant 3 : i32
      %scan3A_275 = arith.addi %scan3A_224, %scan3A_274 : i32
      %add3A_276 = vector.broadcast %scan3A_275 : i32 to vector<16xi32>
      %add3A_277 = arith.addi %mul3A_53, %add3A_276 : vector<16xi32>
      %gather3A_278 = tpu.vector_load_idx %arg8[%add3A_277] : memref<2080xf32, #tpu.memory_space<vmem>>[vector<16xi32>], vector<16xf32>,
      %add3A_279 = vector.broadcast %scan3A_275 : i32 to vector<16xi32>
      %add3A_280 = arith.addi %mul3A_56, %add3A_279 : vector<16xi32>
      %gather3A_281 = tpu.vector_load_idx %arg8[%add3A_280] : memref<2080xf32, #tpu.memory_space<vmem>>[vector<16xi32>], vector<16xf32>,
      %add3A_282 = vector.broadcast %scan3A_275 : i32 to vector<16xi32>
      %add3A_283 = arith.addi %mul3A_47, %add3A_282 : vector<16xi32>
      %gather3A_284 = tpu.vector_load_idx %arg7[%add3A_283] : memref<4160xf32, #tpu.memory_space<vmem>>[vector<16xi32>], vector<16xf32>,
      %add3A_285 = vector.broadcast %scan3A_275 : i32 to vector<16xi32>
      %add3A_286 = arith.addi %mul3A_47, %add3A_285 : vector<16xi32>
      %mul3A_287 = arith.mulf %div3A, %gather3A_278 : vector<16xf32>
      %sub3A_288 = arith.subf %gather3A_284, %mul3A_287 : vector<16xf32>
      %mul3A_289 = arith.mulf %div3A_77, %gather3A_281 : vector<16xf32>
      %sub3A_290 = arith.subf %sub3A_288, %mul3A_289 : vector<16xf32>
      tpu.vector_store_idx %arg7[%add3A_286], %sub3A_290 : memref<4160xf32, #tpu.memory_space<vmem>>[vector<16xi32>], vector<16xf32>,
      %scan3A_291 = arith.constant 4 : i32
      %scan3A_292 = arith.addi %scan3A_224, %scan3A_291 : i32
      %add3A_293 = vector.broadcast %scan3A_292 : i32 to vector<16xi32>
      %add3A_294 = arith.addi %mul3A_53, %add3A_293 : vector<16xi32>
      %gather3A_295 = tpu.vector_load_idx %arg8[%add3A_294] : memref<2080xf32, #tpu.memory_space<vmem>>[vector<16xi32>], vector<16xf32>,
      %add3A_296 = vector.broadcast %scan3A_292 : i32 to vector<16xi32>
      %add3A_297 = arith.addi %mul3A_56, %add3A_296 : vector<16xi32>
      %gather3A_298 = tpu.vector_load_idx %arg8[%add3A_297] : memref<2080xf32, #tpu.memory_space<vmem>>[vector<16xi32>], vector<16xf32>,
      %add3A_299 = vector.broadcast %scan3A_292 : i32 to vector<16xi32>
      %add3A_300 = arith.addi %mul3A_47, %add3A_299 : vector<16xi32>
      %gather3A_301 = tpu.vector_load_idx %arg7[%add3A_300] : memref<4160xf32, #tpu.memory_space<vmem>>[vector<16xi32>], vector<16xf32>,
      %add3A_302 = vector.broadcast %scan3A_292 : i32 to vector<16xi32>
      %add3A_303 = arith.addi %mul3A_47, %add3A_302 : vector<16xi32>
      %mul3A_304 = arith.mulf %div3A, %gather3A_295 : vector<16xf32>
      %sub3A_305 = arith.subf %gather3A_301, %mul3A_304 : vector<16xf32>
      %mul3A_306 = arith.mulf %div3A_77, %gather3A_298 : vector<16xf32>
      %sub3A_307 = arith.subf %sub3A_305, %mul3A_306 : vector<16xf32>
      tpu.vector_store_idx %arg7[%add3A_303], %sub3A_307 : memref<4160xf32, #tpu.memory_space<vmem>>[vector<16xi32>], vector<16xf32>,
      %scan3A_308 = arith.constant 5 : i32
      %scan3A_309 = arith.addi %scan3A_224, %scan3A_308 : i32
      %add3A_310 = vector.broadcast %scan3A_309 : i32 to vector<16xi32>
      %add3A_311 = arith.addi %mul3A_53, %add3A_310 : vector<16xi32>
      %gather3A_312 = tpu.vector_load_idx %arg8[%add3A_311] : memref<2080xf32, #tpu.memory_space<vmem>>[vector<16xi32>], vector<16xf32>,
      %add3A_313 = vector.broadcast %scan3A_309 : i32 to vector<16xi32>
      %add3A_314 = arith.addi %mul3A_56, %add3A_313 : vector<16xi32>
      %gather3A_315 = tpu.vector_load_idx %arg8[%add3A_314] : memref<2080xf32, #tpu.memory_space<vmem>>[vector<16xi32>], vector<16xf32>,
      %add3A_316 = vector.broadcast %scan3A_309 : i32 to vector<16xi32>
      %add3A_317 = arith.addi %mul3A_47, %add3A_316 : vector<16xi32>
      %gather3A_318 = tpu.vector_load_idx %arg7[%add3A_317] : memref<4160xf32, #tpu.memory_space<vmem>>[vector<16xi32>], vector<16xf32>,
      %add3A_319 = vector.broadcast %scan3A_309 : i32 to vector<16xi32>
      %add3A_320 = arith.addi %mul3A_47, %add3A_319 : vector<16xi32>
      %mul3A_321 = arith.mulf %div3A, %gather3A_312 : vector<16xf32>
      %sub3A_322 = arith.subf %gather3A_318, %mul3A_321 : vector<16xf32>
      %mul3A_323 = arith.mulf %div3A_77, %gather3A_315 : vector<16xf32>
      %sub3A_324 = arith.subf %sub3A_322, %mul3A_323 : vector<16xf32>
      tpu.vector_store_idx %arg7[%add3A_320], %sub3A_324 : memref<4160xf32, #tpu.memory_space<vmem>>[vector<16xi32>], vector<16xf32>,
      %scan3A_325 = arith.constant 6 : i32
      %scan3A_326 = arith.addi %scan3A_224, %scan3A_325 : i32
      %add3A_327 = vector.broadcast %scan3A_326 : i32 to vector<16xi32>
      %add3A_328 = arith.addi %mul3A_53, %add3A_327 : vector<16xi32>
      %gather3A_329 = tpu.vector_load_idx %arg8[%add3A_328] : memref<2080xf32, #tpu.memory_space<vmem>>[vector<16xi32>], vector<16xf32>,
      %add3A_330 = vector.broadcast %scan3A_326 : i32 to vector<16xi32>
      %add3A_331 = arith.addi %mul3A_56, %add3A_330 : vector<16xi32>
      %gather3A_332 = tpu.vector_load_idx %arg8[%add3A_331] : memref<2080xf32, #tpu.memory_space<vmem>>[vector<16xi32>], vector<16xf32>,
      %add3A_333 = vector.broadcast %scan3A_326 : i32 to vector<16xi32>
      %add3A_334 = arith.addi %mul3A_47, %add3A_333 : vector<16xi32>
      %gather3A_335 = tpu.vector_load_idx %arg7[%add3A_334] : memref<4160xf32, #tpu.memory_space<vmem>>[vector<16xi32>], vector<16xf32>,
      %add3A_336 = vector.broadcast %scan3A_326 : i32 to vector<16xi32>
      %add3A_337 = arith.addi %mul3A_47, %add3A_336 : vector<16xi32>
      %mul3A_338 = arith.mulf %div3A, %gather3A_329 : vector<16xf32>
      %sub3A_339 = arith.subf %gather3A_335, %mul3A_338 : vector<16xf32>
      %mul3A_340 = arith.mulf %div3A_77, %gather3A_332 : vector<16xf32>
      %sub3A_341 = arith.subf %sub3A_339, %mul3A_340 : vector<16xf32>
      tpu.vector_store_idx %arg7[%add3A_337], %sub3A_341 : memref<4160xf32, #tpu.memory_space<vmem>>[vector<16xi32>], vector<16xf32>,
      %scan3A_342 = arith.constant 7 : i32
      %scan3A_343 = arith.addi %scan3A_224, %scan3A_342 : i32
      %add3A_344 = vector.broadcast %scan3A_343 : i32 to vector<16xi32>
      %add3A_345 = arith.addi %mul3A_53, %add3A_344 : vector<16xi32>
      %gather3A_346 = tpu.vector_load_idx %arg8[%add3A_345] : memref<2080xf32, #tpu.memory_space<vmem>>[vector<16xi32>], vector<16xf32>,
      %add3A_347 = vector.broadcast %scan3A_343 : i32 to vector<16xi32>
      %add3A_348 = arith.addi %mul3A_56, %add3A_347 : vector<16xi32>
      %gather3A_349 = tpu.vector_load_idx %arg8[%add3A_348] : memref<2080xf32, #tpu.memory_space<vmem>>[vector<16xi32>], vector<16xf32>,
      %add3A_350 = vector.broadcast %scan3A_343 : i32 to vector<16xi32>
      %add3A_351 = arith.addi %mul3A_47, %add3A_350 : vector<16xi32>
      %gather3A_352 = tpu.vector_load_idx %arg7[%add3A_351] : memref<4160xf32, #tpu.memory_space<vmem>>[vector<16xi32>], vector<16xf32>,
      %add3A_353 = vector.broadcast %scan3A_343 : i32 to vector<16xi32>
      %add3A_354 = arith.addi %mul3A_47, %add3A_353 : vector<16xi32>
      %mul3A_355 = arith.mulf %div3A, %gather3A_346 : vector<16xf32>
      %sub3A_356 = arith.subf %gather3A_352, %mul3A_355 : vector<16xf32>
      %mul3A_357 = arith.mulf %div3A_77, %gather3A_349 : vector<16xf32>
      %sub3A_358 = arith.subf %sub3A_356, %mul3A_357 : vector<16xf32>
      tpu.vector_store_idx %arg7[%add3A_354], %sub3A_358 : memref<4160xf32, #tpu.memory_space<vmem>>[vector<16xi32>], vector<16xf32>,
    }
    %scan3A_83 = arith.constant 64 : i32
    %add3A_84 = arith.constant 16 : i32
    %add3A_85 = vector.broadcast %add3A_84 : i32 to vector<16xi32>
    %add3A_86 = arith.addi %iota3A, %add3A_85 : vector<16xi32>
    %mul3A_87 = arith.constant 65 : i32
    %mul3A_88 = vector.broadcast %mul3A_87 : i32 to vector<16xi32>
    %mul3A_89 = arith.muli %add3A_86, %mul3A_88 : vector<16xi32>
    %get3A_90 = arith.constant 16 : index
    %get3A_91 = tpu.vector_load %arg9[%get3A_90] {strides = array<i32>} : memref<64xi32, #tpu.memory_space<vmem>>, vector<16xi32>,
    %get3A_92 = arith.constant 16 : index
    %get3A_93 = tpu.vector_load %arg10[%get3A_92] {strides = array<i32>} : memref<64xi32, #tpu.memory_space<vmem>>, vector<16xi32>,
    %mul3A_94 = arith.constant 65 : i32
    %mul3A_95 = vector.broadcast %mul3A_94 : i32 to vector<16xi32>
    %mul3A_96 = arith.muli %get3A_91, %mul3A_95 : vector<16xi32>
    %mul3A_97 = arith.constant 65 : i32
    %mul3A_98 = vector.broadcast %mul3A_97 : i32 to vector<16xi32>
    %mul3A_99 = arith.muli %get3A_93, %mul3A_98 : vector<16xi32>
    %gather3A_100 = tpu.vector_load_idx %arg11[%get3A_91] : memref<32xf32, #tpu.memory_space<vmem>>[vector<16xi32>], vector<16xf32>,
    %add3A_101 = arith.constant 9.99999993E-9 : f32
    %add3A_102 = vector.broadcast %add3A_101 : f32 to vector<16xf32>
    %add3A_103 = arith.addf %gather3A_100, %add3A_102 : vector<16xf32>
    %gather3A_104 = tpu.vector_load_idx %arg11[%get3A_93] : memref<32xf32, #tpu.memory_space<vmem>>[vector<16xi32>], vector<16xf32>,
    %add3A_105 = arith.constant 9.99999993E-9 : f32
    %add3A_106 = vector.broadcast %add3A_105 : f32 to vector<16xf32>
    %add3A_107 = arith.addf %gather3A_104, %add3A_106 : vector<16xf32>
    %scan3A_108 = arith.constant 0 : i32
    %scan3A_109 = arith.constant 64 : i32
    %scan3A_110 = arith.addi %scan3A_108, %scan3A_109 : i32
    %scan3A_111 = arith.constant 8 : i32
    %scan3A_112:3 = scf.for %scan3A_224 = %scan3A_108 to %scan3A_110 step %scan3A_111 iter_args(%scan3A_225 = %broadcast_in_dim3A_10, %scan3A_226 = %broadcast_in_dim3A_10, %scan3A_227 = %broadcast_in_dim3A_10) -> (vector<16xf32>, vector<16xf32>, vector<16xf32>)  : i32 {
      %add3A_228 = vector.broadcast %scan3A_224 : i32 to vector<16xi32>
      %add3A_229 = arith.addi %mul3A_96, %add3A_228 : vector<16xi32>
      %gather3A_230 = tpu.vector_load_idx %arg8[%add3A_229] : memref<2080xf32, #tpu.memory_space<vmem>>[vector<16xi32>], vector<16xf32>,
      %add3A_231 = vector.broadcast %scan3A_224 : i32 to vector<16xi32>
      %add3A_232 = arith.addi %mul3A_99, %add3A_231 : vector<16xi32>
      %gather3A_233 = tpu.vector_load_idx %arg8[%add3A_232] : memref<2080xf32, #tpu.memory_space<vmem>>[vector<16xi32>], vector<16xf32>,
      %add3A_234 = vector.broadcast %scan3A_224 : i32 to vector<16xi32>
      %add3A_235 = arith.addi %mul3A_89, %add3A_234 : vector<16xi32>
      %gather3A_236 = tpu.vector_load_idx %arg7[%add3A_235] : memref<4160xf32, #tpu.memory_space<vmem>>[vector<16xi32>], vector<16xf32>,
      %mul3A_237 = arith.mulf %gather3A_230, %gather3A_236 : vector<16xf32>
      %add3A_238 = arith.addf %scan3A_225, %mul3A_237 : vector<16xf32>
      %mul3A_239 = arith.mulf %gather3A_233, %gather3A_236 : vector<16xf32>
      %add3A_240 = arith.addf %scan3A_226, %mul3A_239 : vector<16xf32>
      %mul3A_241 = arith.mulf %gather3A_230, %gather3A_233 : vector<16xf32>
      %add3A_242 = arith.addf %scan3A_227, %mul3A_241 : vector<16xf32>
      %scan3A_243 = arith.constant 1 : i32
      %scan3A_244 = arith.addi %scan3A_224, %scan3A_243 : i32
      %add3A_245 = vector.broadcast %scan3A_244 : i32 to vector<16xi32>
      %add3A_246 = arith.addi %mul3A_96, %add3A_245 : vector<16xi32>
      %gather3A_247 = tpu.vector_load_idx %arg8[%add3A_246] : memref<2080xf32, #tpu.memory_space<vmem>>[vector<16xi32>], vector<16xf32>,
      %add3A_248 = vector.broadcast %scan3A_244 : i32 to vector<16xi32>
      %add3A_249 = arith.addi %mul3A_99, %add3A_248 : vector<16xi32>
      %gather3A_250 = tpu.vector_load_idx %arg8[%add3A_249] : memref<2080xf32, #tpu.memory_space<vmem>>[vector<16xi32>], vector<16xf32>,
      %add3A_251 = vector.broadcast %scan3A_244 : i32 to vector<16xi32>
      %add3A_252 = arith.addi %mul3A_89, %add3A_251 : vector<16xi32>
      %gather3A_253 = tpu.vector_load_idx %arg7[%add3A_252] : memref<4160xf32, #tpu.memory_space<vmem>>[vector<16xi32>], vector<16xf32>,
      %mul3A_254 = arith.mulf %gather3A_247, %gather3A_253 : vector<16xf32>
      %add3A_255 = arith.addf %add3A_238, %mul3A_254 : vector<16xf32>
      %mul3A_256 = arith.mulf %gather3A_250, %gather3A_253 : vector<16xf32>
      %add3A_257 = arith.addf %add3A_240, %mul3A_256 : vector<16xf32>
      %mul3A_258 = arith.mulf %gather3A_247, %gather3A_250 : vector<16xf32>
      %add3A_259 = arith.addf %add3A_242, %mul3A_258 : vector<16xf32>
      %scan3A_260 = arith.constant 2 : i32
      %scan3A_261 = arith.addi %scan3A_224, %scan3A_260 : i32
      %add3A_262 = vector.broadcast %scan3A_261 : i32 to vector<16xi32>
      %add3A_263 = arith.addi %mul3A_96, %add3A_262 : vector<16xi32>
      %gather3A_264 = tpu.vector_load_idx %arg8[%add3A_263] : memref<2080xf32, #tpu.memory_space<vmem>>[vector<16xi32>], vector<16xf32>,
      %add3A_265 = vector.broadcast %scan3A_261 : i32 to vector<16xi32>
      %add3A_266 = arith.addi %mul3A_99, %add3A_265 : vector<16xi32>
      %gather3A_267 = tpu.vector_load_idx %arg8[%add3A_266] : memref<2080xf32, #tpu.memory_space<vmem>>[vector<16xi32>], vector<16xf32>,
      %add3A_268 = vector.broadcast %scan3A_261 : i32 to vector<16xi32>
      %add3A_269 = arith.addi %mul3A_89, %add3A_268 : vector<16xi32>
      %gather3A_270 = tpu.vector_load_idx %arg7[%add3A_269] : memref<4160xf32, #tpu.memory_space<vmem>>[vector<16xi32>], vector<16xf32>,
      %mul3A_271 = arith.mulf %gather3A_264, %gather3A_270 : vector<16xf32>
      %add3A_272 = arith.addf %add3A_255, %mul3A_271 : vector<16xf32>
      %mul3A_273 = arith.mulf %gather3A_267, %gather3A_270 : vector<16xf32>
      %add3A_274 = arith.addf %add3A_257, %mul3A_273 : vector<16xf32>
      %mul3A_275 = arith.mulf %gather3A_264, %gather3A_267 : vector<16xf32>
      %add3A_276 = arith.addf %add3A_259, %mul3A_275 : vector<16xf32>
      %scan3A_277 = arith.constant 3 : i32
      %scan3A_278 = arith.addi %scan3A_224, %scan3A_277 : i32
      %add3A_279 = vector.broadcast %scan3A_278 : i32 to vector<16xi32>
      %add3A_280 = arith.addi %mul3A_96, %add3A_279 : vector<16xi32>
      %gather3A_281 = tpu.vector_load_idx %arg8[%add3A_280] : memref<2080xf32, #tpu.memory_space<vmem>>[vector<16xi32>], vector<16xf32>,
      %add3A_282 = vector.broadcast %scan3A_278 : i32 to vector<16xi32>
      %add3A_283 = arith.addi %mul3A_99, %add3A_282 : vector<16xi32>
      %gather3A_284 = tpu.vector_load_idx %arg8[%add3A_283] : memref<2080xf32, #tpu.memory_space<vmem>>[vector<16xi32>], vector<16xf32>,
      %add3A_285 = vector.broadcast %scan3A_278 : i32 to vector<16xi32>
      %add3A_286 = arith.addi %mul3A_89, %add3A_285 : vector<16xi32>
      %gather3A_287 = tpu.vector_load_idx %arg7[%add3A_286] : memref<4160xf32, #tpu.memory_space<vmem>>[vector<16xi32>], vector<16xf32>,
      %mul3A_288 = arith.mulf %gather3A_281, %gather3A_287 : vector<16xf32>
      %add3A_289 = arith.addf %add3A_272, %mul3A_288 : vector<16xf32>
      %mul3A_290 = arith.mulf %gather3A_284, %gather3A_287 : vector<16xf32>
      %add3A_291 = arith.addf %add3A_274, %mul3A_290 : vector<16xf32>
      %mul3A_292 = arith.mulf %gather3A_281, %gather3A_284 : vector<16xf32>
      %add3A_293 = arith.addf %add3A_276, %mul3A_292 : vector<16xf32>
      %scan3A_294 = arith.constant 4 : i32
      %scan3A_295 = arith.addi %scan3A_224, %scan3A_294 : i32
      %add3A_296 = vector.broadcast %scan3A_295 : i32 to vector<16xi32>
      %add3A_297 = arith.addi %mul3A_96, %add3A_296 : vector<16xi32>
      %gather3A_298 = tpu.vector_load_idx %arg8[%add3A_297] : memref<2080xf32, #tpu.memory_space<vmem>>[vector<16xi32>], vector<16xf32>,
      %add3A_299 = vector.broadcast %scan3A_295 : i32 to vector<16xi32>
      %add3A_300 = arith.addi %mul3A_99, %add3A_299 : vector<16xi32>
      %gather3A_301 = tpu.vector_load_idx %arg8[%add3A_300] : memref<2080xf32, #tpu.memory_space<vmem>>[vector<16xi32>], vector<16xf32>,
      %add3A_302 = vector.broadcast %scan3A_295 : i32 to vector<16xi32>
      %add3A_303 = arith.addi %mul3A_89, %add3A_302 : vector<16xi32>
      %gather3A_304 = tpu.vector_load_idx %arg7[%add3A_303] : memref<4160xf32, #tpu.memory_space<vmem>>[vector<16xi32>], vector<16xf32>,
      %mul3A_305 = arith.mulf %gather3A_298, %gather3A_304 : vector<16xf32>
      %add3A_306 = arith.addf %add3A_289, %mul3A_305 : vector<16xf32>
      %mul3A_307 = arith.mulf %gather3A_301, %gather3A_304 : vector<16xf32>
      %add3A_308 = arith.addf %add3A_291, %mul3A_307 : vector<16xf32>
      %mul3A_309 = arith.mulf %gather3A_298, %gather3A_301 : vector<16xf32>
      %add3A_310 = arith.addf %add3A_293, %mul3A_309 : vector<16xf32>
      %scan3A_311 = arith.constant 5 : i32
      %scan3A_312 = arith.addi %scan3A_224, %scan3A_311 : i32
      %add3A_313 = vector.broadcast %scan3A_312 : i32 to vector<16xi32>
      %add3A_314 = arith.addi %mul3A_96, %add3A_313 : vector<16xi32>
      %gather3A_315 = tpu.vector_load_idx %arg8[%add3A_314] : memref<2080xf32, #tpu.memory_space<vmem>>[vector<16xi32>], vector<16xf32>,
      %add3A_316 = vector.broadcast %scan3A_312 : i32 to vector<16xi32>
      %add3A_317 = arith.addi %mul3A_99, %add3A_316 : vector<16xi32>
      %gather3A_318 = tpu.vector_load_idx %arg8[%add3A_317] : memref<2080xf32, #tpu.memory_space<vmem>>[vector<16xi32>], vector<16xf32>,
      %add3A_319 = vector.broadcast %scan3A_312 : i32 to vector<16xi32>
      %add3A_320 = arith.addi %mul3A_89, %add3A_319 : vector<16xi32>
      %gather3A_321 = tpu.vector_load_idx %arg7[%add3A_320] : memref<4160xf32, #tpu.memory_space<vmem>>[vector<16xi32>], vector<16xf32>,
      %mul3A_322 = arith.mulf %gather3A_315, %gather3A_321 : vector<16xf32>
      %add3A_323 = arith.addf %add3A_306, %mul3A_322 : vector<16xf32>
      %mul3A_324 = arith.mulf %gather3A_318, %gather3A_321 : vector<16xf32>
      %add3A_325 = arith.addf %add3A_308, %mul3A_324 : vector<16xf32>
      %mul3A_326 = arith.mulf %gather3A_315, %gather3A_318 : vector<16xf32>
      %add3A_327 = arith.addf %add3A_310, %mul3A_326 : vector<16xf32>
      %scan3A_328 = arith.constant 6 : i32
      %scan3A_329 = arith.addi %scan3A_224, %scan3A_328 : i32
      %add3A_330 = vector.broadcast %scan3A_329 : i32 to vector<16xi32>
      %add3A_331 = arith.addi %mul3A_96, %add3A_330 : vector<16xi32>
      %gather3A_332 = tpu.vector_load_idx %arg8[%add3A_331] : memref<2080xf32, #tpu.memory_space<vmem>>[vector<16xi32>], vector<16xf32>,
      %add3A_333 = vector.broadcast %scan3A_329 : i32 to vector<16xi32>
      %add3A_334 = arith.addi %mul3A_99, %add3A_333 : vector<16xi32>
      %gather3A_335 = tpu.vector_load_idx %arg8[%add3A_334] : memref<2080xf32, #tpu.memory_space<vmem>>[vector<16xi32>], vector<16xf32>,
      %add3A_336 = vector.broadcast %scan3A_329 : i32 to vector<16xi32>
      %add3A_337 = arith.addi %mul3A_89, %add3A_336 : vector<16xi32>
      %gather3A_338 = tpu.vector_load_idx %arg7[%add3A_337] : memref<4160xf32, #tpu.memory_space<vmem>>[vector<16xi32>], vector<16xf32>,
      %mul3A_339 = arith.mulf %gather3A_332, %gather3A_338 : vector<16xf32>
      %add3A_340 = arith.addf %add3A_323, %mul3A_339 : vector<16xf32>
      %mul3A_341 = arith.mulf %gather3A_335, %gather3A_338 : vector<16xf32>
      %add3A_342 = arith.addf %add3A_325, %mul3A_341 : vector<16xf32>
      %mul3A_343 = arith.mulf %gather3A_332, %gather3A_335 : vector<16xf32>
      %add3A_344 = arith.addf %add3A_327, %mul3A_343 : vector<16xf32>
      %scan3A_345 = arith.constant 7 : i32
      %scan3A_346 = arith.addi %scan3A_224, %scan3A_345 : i32
      %add3A_347 = vector.broadcast %scan3A_346 : i32 to vector<16xi32>
      %add3A_348 = arith.addi %mul3A_96, %add3A_347 : vector<16xi32>
      %gather3A_349 = tpu.vector_load_idx %arg8[%add3A_348] : memref<2080xf32, #tpu.memory_space<vmem>>[vector<16xi32>], vector<16xf32>,
      %add3A_350 = vector.broadcast %scan3A_346 : i32 to vector<16xi32>
      %add3A_351 = arith.addi %mul3A_99, %add3A_350 : vector<16xi32>
      %gather3A_352 = tpu.vector_load_idx %arg8[%add3A_351] : memref<2080xf32, #tpu.memory_space<vmem>>[vector<16xi32>], vector<16xf32>,
      %add3A_353 = vector.broadcast %scan3A_346 : i32 to vector<16xi32>
      %add3A_354 = arith.addi %mul3A_89, %add3A_353 : vector<16xi32>
      %gather3A_355 = tpu.vector_load_idx %arg7[%add3A_354] : memref<4160xf32, #tpu.memory_space<vmem>>[vector<16xi32>], vector<16xf32>,
      %mul3A_356 = arith.mulf %gather3A_349, %gather3A_355 : vector<16xf32>
      %add3A_357 = arith.addf %add3A_340, %mul3A_356 : vector<16xf32>
      %mul3A_358 = arith.mulf %gather3A_352, %gather3A_355 : vector<16xf32>
      %add3A_359 = arith.addf %add3A_342, %mul3A_358 : vector<16xf32>
      %mul3A_360 = arith.mulf %gather3A_349, %gather3A_352 : vector<16xf32>
      %add3A_361 = arith.addf %add3A_344, %mul3A_360 : vector<16xf32>
      scf.yield %add3A_357, %add3A_359, %add3A_361 : vector<16xf32>, vector<16xf32>, vector<16xf32>
    }
    %scan3A_113 = arith.constant 64 : i32
    %mul3A_114 = arith.constant 2.000000e+00 : f32
    %mul3A_115 = vector.broadcast %mul3A_114 : f32 to vector<16xf32>
    %mul3A_116 = arith.mulf %mul3A_115, %scan3A_112#0 : vector<16xf32>
    %div3A_117 = arith.divf %mul3A_116, %add3A_103 : vector<16xf32>
    %mul3A_118 = arith.mulf %div3A_117, %scan3A_112#2 : vector<16xf32>
    %sub3A_119 = arith.subf %scan3A_112#1, %mul3A_118 : vector<16xf32>
    %mul3A_120 = arith.constant 2.000000e+00 : f32
    %mul3A_121 = vector.broadcast %mul3A_120 : f32 to vector<16xf32>
    %mul3A_122 = arith.mulf %mul3A_121, %sub3A_119 : vector<16xf32>
    %div3A_123 = arith.divf %mul3A_122, %add3A_107 : vector<16xf32>
    %scan3A_124 = arith.constant 0 : i32
    %scan3A_125 = arith.constant 0 : i32
    %scan3A_126 = arith.constant 64 : i32
    %scan3A_127 = arith.addi %scan3A_125, %scan3A_126 : i32
    %scan3A_128 = arith.constant 8 : i32
    scf.for %scan3A_224 = %scan3A_125 to %scan3A_127 step %scan3A_128  : i32 {
      %add3A_225 = vector.broadcast %scan3A_224 : i32 to vector<16xi32>
      %add3A_226 = arith.addi %mul3A_96, %add3A_225 : vector<16xi32>
      %gather3A_227 = tpu.vector_load_idx %arg8[%add3A_226] : memref<2080xf32, #tpu.memory_space<vmem>>[vector<16xi32>], vector<16xf32>,
      %add3A_228 = vector.broadcast %scan3A_224 : i32 to vector<16xi32>
      %add3A_229 = arith.addi %mul3A_99, %add3A_228 : vector<16xi32>
      %gather3A_230 = tpu.vector_load_idx %arg8[%add3A_229] : memref<2080xf32, #tpu.memory_space<vmem>>[vector<16xi32>], vector<16xf32>,
      %add3A_231 = vector.broadcast %scan3A_224 : i32 to vector<16xi32>
      %add3A_232 = arith.addi %mul3A_89, %add3A_231 : vector<16xi32>
      %gather3A_233 = tpu.vector_load_idx %arg7[%add3A_232] : memref<4160xf32, #tpu.memory_space<vmem>>[vector<16xi32>], vector<16xf32>,
      %add3A_234 = vector.broadcast %scan3A_224 : i32 to vector<16xi32>
      %add3A_235 = arith.addi %mul3A_89, %add3A_234 : vector<16xi32>
      %mul3A_236 = arith.mulf %div3A_117, %gather3A_227 : vector<16xf32>
      %sub3A_237 = arith.subf %gather3A_233, %mul3A_236 : vector<16xf32>
      %mul3A_238 = arith.mulf %div3A_123, %gather3A_230 : vector<16xf32>
      %sub3A_239 = arith.subf %sub3A_237, %mul3A_238 : vector<16xf32>
      tpu.vector_store_idx %arg7[%add3A_235], %sub3A_239 : memref<4160xf32, #tpu.memory_space<vmem>>[vector<16xi32>], vector<16xf32>,
      %scan3A_240 = arith.constant 1 : i32
      %scan3A_241 = arith.addi %scan3A_224, %scan3A_240 : i32
      %add3A_242 = vector.broadcast %scan3A_241 : i32 to vector<16xi32>
      %add3A_243 = arith.addi %mul3A_96, %add3A_242 : vector<16xi32>
      %gather3A_244 = tpu.vector_load_idx %arg8[%add3A_243] : memref<2080xf32, #tpu.memory_space<vmem>>[vector<16xi32>], vector<16xf32>,
      %add3A_245 = vector.broadcast %scan3A_241 : i32 to vector<16xi32>
      %add3A_246 = arith.addi %mul3A_99, %add3A_245 : vector<16xi32>
      %gather3A_247 = tpu.vector_load_idx %arg8[%add3A_246] : memref<2080xf32, #tpu.memory_space<vmem>>[vector<16xi32>], vector<16xf32>,
      %add3A_248 = vector.broadcast %scan3A_241 : i32 to vector<16xi32>
      %add3A_249 = arith.addi %mul3A_89, %add3A_248 : vector<16xi32>
      %gather3A_250 = tpu.vector_load_idx %arg7[%add3A_249] : memref<4160xf32, #tpu.memory_space<vmem>>[vector<16xi32>], vector<16xf32>,
      %add3A_251 = vector.broadcast %scan3A_241 : i32 to vector<16xi32>
      %add3A_252 = arith.addi %mul3A_89, %add3A_251 : vector<16xi32>
      %mul3A_253 = arith.mulf %div3A_117, %gather3A_244 : vector<16xf32>
      %sub3A_254 = arith.subf %gather3A_250, %mul3A_253 : vector<16xf32>
      %mul3A_255 = arith.mulf %div3A_123, %gather3A_247 : vector<16xf32>
      %sub3A_256 = arith.subf %sub3A_254, %mul3A_255 : vector<16xf32>
      tpu.vector_store_idx %arg7[%add3A_252], %sub3A_256 : memref<4160xf32, #tpu.memory_space<vmem>>[vector<16xi32>], vector<16xf32>,
      %scan3A_257 = arith.constant 2 : i32
      %scan3A_258 = arith.addi %scan3A_224, %scan3A_257 : i32
      %add3A_259 = vector.broadcast %scan3A_258 : i32 to vector<16xi32>
      %add3A_260 = arith.addi %mul3A_96, %add3A_259 : vector<16xi32>
      %gather3A_261 = tpu.vector_load_idx %arg8[%add3A_260] : memref<2080xf32, #tpu.memory_space<vmem>>[vector<16xi32>], vector<16xf32>,
      %add3A_262 = vector.broadcast %scan3A_258 : i32 to vector<16xi32>
      %add3A_263 = arith.addi %mul3A_99, %add3A_262 : vector<16xi32>
      %gather3A_264 = tpu.vector_load_idx %arg8[%add3A_263] : memref<2080xf32, #tpu.memory_space<vmem>>[vector<16xi32>], vector<16xf32>,
      %add3A_265 = vector.broadcast %scan3A_258 : i32 to vector<16xi32>
      %add3A_266 = arith.addi %mul3A_89, %add3A_265 : vector<16xi32>
      %gather3A_267 = tpu.vector_load_idx %arg7[%add3A_266] : memref<4160xf32, #tpu.memory_space<vmem>>[vector<16xi32>], vector<16xf32>,
      %add3A_268 = vector.broadcast %scan3A_258 : i32 to vector<16xi32>
      %add3A_269 = arith.addi %mul3A_89, %add3A_268 : vector<16xi32>
      %mul3A_270 = arith.mulf %div3A_117, %gather3A_261 : vector<16xf32>
      %sub3A_271 = arith.subf %gather3A_267, %mul3A_270 : vector<16xf32>
      %mul3A_272 = arith.mulf %div3A_123, %gather3A_264 : vector<16xf32>
      %sub3A_273 = arith.subf %sub3A_271, %mul3A_272 : vector<16xf32>
      tpu.vector_store_idx %arg7[%add3A_269], %sub3A_273 : memref<4160xf32, #tpu.memory_space<vmem>>[vector<16xi32>], vector<16xf32>,
      %scan3A_274 = arith.constant 3 : i32
      %scan3A_275 = arith.addi %scan3A_224, %scan3A_274 : i32
      %add3A_276 = vector.broadcast %scan3A_275 : i32 to vector<16xi32>
      %add3A_277 = arith.addi %mul3A_96, %add3A_276 : vector<16xi32>
      %gather3A_278 = tpu.vector_load_idx %arg8[%add3A_277] : memref<2080xf32, #tpu.memory_space<vmem>>[vector<16xi32>], vector<16xf32>,
      %add3A_279 = vector.broadcast %scan3A_275 : i32 to vector<16xi32>
      %add3A_280 = arith.addi %mul3A_99, %add3A_279 : vector<16xi32>
      %gather3A_281 = tpu.vector_load_idx %arg8[%add3A_280] : memref<2080xf32, #tpu.memory_space<vmem>>[vector<16xi32>], vector<16xf32>,
      %add3A_282 = vector.broadcast %scan3A_275 : i32 to vector<16xi32>
      %add3A_283 = arith.addi %mul3A_89, %add3A_282 : vector<16xi32>
      %gather3A_284 = tpu.vector_load_idx %arg7[%add3A_283] : memref<4160xf32, #tpu.memory_space<vmem>>[vector<16xi32>], vector<16xf32>,
      %add3A_285 = vector.broadcast %scan3A_275 : i32 to vector<16xi32>
      %add3A_286 = arith.addi %mul3A_89, %add3A_285 : vector<16xi32>
      %mul3A_287 = arith.mulf %div3A_117, %gather3A_278 : vector<16xf32>
      %sub3A_288 = arith.subf %gather3A_284, %mul3A_287 : vector<16xf32>
      %mul3A_289 = arith.mulf %div3A_123, %gather3A_281 : vector<16xf32>
      %sub3A_290 = arith.subf %sub3A_288, %mul3A_289 : vector<16xf32>
      tpu.vector_store_idx %arg7[%add3A_286], %sub3A_290 : memref<4160xf32, #tpu.memory_space<vmem>>[vector<16xi32>], vector<16xf32>,
      %scan3A_291 = arith.constant 4 : i32
      %scan3A_292 = arith.addi %scan3A_224, %scan3A_291 : i32
      %add3A_293 = vector.broadcast %scan3A_292 : i32 to vector<16xi32>
      %add3A_294 = arith.addi %mul3A_96, %add3A_293 : vector<16xi32>
      %gather3A_295 = tpu.vector_load_idx %arg8[%add3A_294] : memref<2080xf32, #tpu.memory_space<vmem>>[vector<16xi32>], vector<16xf32>,
      %add3A_296 = vector.broadcast %scan3A_292 : i32 to vector<16xi32>
      %add3A_297 = arith.addi %mul3A_99, %add3A_296 : vector<16xi32>
      %gather3A_298 = tpu.vector_load_idx %arg8[%add3A_297] : memref<2080xf32, #tpu.memory_space<vmem>>[vector<16xi32>], vector<16xf32>,
      %add3A_299 = vector.broadcast %scan3A_292 : i32 to vector<16xi32>
      %add3A_300 = arith.addi %mul3A_89, %add3A_299 : vector<16xi32>
      %gather3A_301 = tpu.vector_load_idx %arg7[%add3A_300] : memref<4160xf32, #tpu.memory_space<vmem>>[vector<16xi32>], vector<16xf32>,
      %add3A_302 = vector.broadcast %scan3A_292 : i32 to vector<16xi32>
      %add3A_303 = arith.addi %mul3A_89, %add3A_302 : vector<16xi32>
      %mul3A_304 = arith.mulf %div3A_117, %gather3A_295 : vector<16xf32>
      %sub3A_305 = arith.subf %gather3A_301, %mul3A_304 : vector<16xf32>
      %mul3A_306 = arith.mulf %div3A_123, %gather3A_298 : vector<16xf32>
      %sub3A_307 = arith.subf %sub3A_305, %mul3A_306 : vector<16xf32>
      tpu.vector_store_idx %arg7[%add3A_303], %sub3A_307 : memref<4160xf32, #tpu.memory_space<vmem>>[vector<16xi32>], vector<16xf32>,
      %scan3A_308 = arith.constant 5 : i32
      %scan3A_309 = arith.addi %scan3A_224, %scan3A_308 : i32
      %add3A_310 = vector.broadcast %scan3A_309 : i32 to vector<16xi32>
      %add3A_311 = arith.addi %mul3A_96, %add3A_310 : vector<16xi32>
      %gather3A_312 = tpu.vector_load_idx %arg8[%add3A_311] : memref<2080xf32, #tpu.memory_space<vmem>>[vector<16xi32>], vector<16xf32>,
      %add3A_313 = vector.broadcast %scan3A_309 : i32 to vector<16xi32>
      %add3A_314 = arith.addi %mul3A_99, %add3A_313 : vector<16xi32>
      %gather3A_315 = tpu.vector_load_idx %arg8[%add3A_314] : memref<2080xf32, #tpu.memory_space<vmem>>[vector<16xi32>], vector<16xf32>,
      %add3A_316 = vector.broadcast %scan3A_309 : i32 to vector<16xi32>
      %add3A_317 = arith.addi %mul3A_89, %add3A_316 : vector<16xi32>
      %gather3A_318 = tpu.vector_load_idx %arg7[%add3A_317] : memref<4160xf32, #tpu.memory_space<vmem>>[vector<16xi32>], vector<16xf32>,
      %add3A_319 = vector.broadcast %scan3A_309 : i32 to vector<16xi32>
      %add3A_320 = arith.addi %mul3A_89, %add3A_319 : vector<16xi32>
      %mul3A_321 = arith.mulf %div3A_117, %gather3A_312 : vector<16xf32>
      %sub3A_322 = arith.subf %gather3A_318, %mul3A_321 : vector<16xf32>
      %mul3A_323 = arith.mulf %div3A_123, %gather3A_315 : vector<16xf32>
      %sub3A_324 = arith.subf %sub3A_322, %mul3A_323 : vector<16xf32>
      tpu.vector_store_idx %arg7[%add3A_320], %sub3A_324 : memref<4160xf32, #tpu.memory_space<vmem>>[vector<16xi32>], vector<16xf32>,
      %scan3A_325 = arith.constant 6 : i32
      %scan3A_326 = arith.addi %scan3A_224, %scan3A_325 : i32
      %add3A_327 = vector.broadcast %scan3A_326 : i32 to vector<16xi32>
      %add3A_328 = arith.addi %mul3A_96, %add3A_327 : vector<16xi32>
      %gather3A_329 = tpu.vector_load_idx %arg8[%add3A_328] : memref<2080xf32, #tpu.memory_space<vmem>>[vector<16xi32>], vector<16xf32>,
      %add3A_330 = vector.broadcast %scan3A_326 : i32 to vector<16xi32>
      %add3A_331 = arith.addi %mul3A_99, %add3A_330 : vector<16xi32>
      %gather3A_332 = tpu.vector_load_idx %arg8[%add3A_331] : memref<2080xf32, #tpu.memory_space<vmem>>[vector<16xi32>], vector<16xf32>,
      %add3A_333 = vector.broadcast %scan3A_326 : i32 to vector<16xi32>
      %add3A_334 = arith.addi %mul3A_89, %add3A_333 : vector<16xi32>
      %gather3A_335 = tpu.vector_load_idx %arg7[%add3A_334] : memref<4160xf32, #tpu.memory_space<vmem>>[vector<16xi32>], vector<16xf32>,
      %add3A_336 = vector.broadcast %scan3A_326 : i32 to vector<16xi32>
      %add3A_337 = arith.addi %mul3A_89, %add3A_336 : vector<16xi32>
      %mul3A_338 = arith.mulf %div3A_117, %gather3A_329 : vector<16xf32>
      %sub3A_339 = arith.subf %gather3A_335, %mul3A_338 : vector<16xf32>
      %mul3A_340 = arith.mulf %div3A_123, %gather3A_332 : vector<16xf32>
      %sub3A_341 = arith.subf %sub3A_339, %mul3A_340 : vector<16xf32>
      tpu.vector_store_idx %arg7[%add3A_337], %sub3A_341 : memref<4160xf32, #tpu.memory_space<vmem>>[vector<16xi32>], vector<16xf32>,
      %scan3A_342 = arith.constant 7 : i32
      %scan3A_343 = arith.addi %scan3A_224, %scan3A_342 : i32
      %add3A_344 = vector.broadcast %scan3A_343 : i32 to vector<16xi32>
      %add3A_345 = arith.addi %mul3A_96, %add3A_344 : vector<16xi32>
      %gather3A_346 = tpu.vector_load_idx %arg8[%add3A_345] : memref<2080xf32, #tpu.memory_space<vmem>>[vector<16xi32>], vector<16xf32>,
      %add3A_347 = vector.broadcast %scan3A_343 : i32 to vector<16xi32>
      %add3A_348 = arith.addi %mul3A_99, %add3A_347 : vector<16xi32>
      %gather3A_349 = tpu.vector_load_idx %arg8[%add3A_348] : memref<2080xf32, #tpu.memory_space<vmem>>[vector<16xi32>], vector<16xf32>,
      %add3A_350 = vector.broadcast %scan3A_343 : i32 to vector<16xi32>
      %add3A_351 = arith.addi %mul3A_89, %add3A_350 : vector<16xi32>
      %gather3A_352 = tpu.vector_load_idx %arg7[%add3A_351] : memref<4160xf32, #tpu.memory_space<vmem>>[vector<16xi32>], vector<16xf32>,
      %add3A_353 = vector.broadcast %scan3A_343 : i32 to vector<16xi32>
      %add3A_354 = arith.addi %mul3A_89, %add3A_353 : vector<16xi32>
      %mul3A_355 = arith.mulf %div3A_117, %gather3A_346 : vector<16xf32>
      %sub3A_356 = arith.subf %gather3A_352, %mul3A_355 : vector<16xf32>
      %mul3A_357 = arith.mulf %div3A_123, %gather3A_349 : vector<16xf32>
      %sub3A_358 = arith.subf %sub3A_356, %mul3A_357 : vector<16xf32>
      tpu.vector_store_idx %arg7[%add3A_354], %sub3A_358 : memref<4160xf32, #tpu.memory_space<vmem>>[vector<16xi32>], vector<16xf32>,
    }
    %scan3A_129 = arith.constant 64 : i32
    %add3A_130 = arith.constant 32 : i32
    %add3A_131 = vector.broadcast %add3A_130 : i32 to vector<16xi32>
    %add3A_132 = arith.addi %iota3A, %add3A_131 : vector<16xi32>
    %mul3A_133 = arith.constant 65 : i32
    %mul3A_134 = vector.broadcast %mul3A_133 : i32 to vector<16xi32>
    %mul3A_135 = arith.muli %add3A_132, %mul3A_134 : vector<16xi32>
    %get3A_136 = arith.constant 32 : index
    %get3A_137 = tpu.vector_load %arg9[%get3A_136] {strides = array<i32>} : memref<64xi32, #tpu.memory_space<vmem>>, vector<16xi32>,
    %get3A_138 = arith.constant 32 : index
    %get3A_139 = tpu.vector_load %arg10[%get3A_138] {strides = array<i32>} : memref<64xi32, #tpu.memory_space<vmem>>, vector<16xi32>,
    %mul3A_140 = arith.constant 65 : i32
    %mul3A_141 = vector.broadcast %mul3A_140 : i32 to vector<16xi32>
    %mul3A_142 = arith.muli %get3A_137, %mul3A_141 : vector<16xi32>
    %mul3A_143 = arith.constant 65 : i32
    %mul3A_144 = vector.broadcast %mul3A_143 : i32 to vector<16xi32>
    %mul3A_145 = arith.muli %get3A_139, %mul3A_144 : vector<16xi32>
    %gather3A_146 = tpu.vector_load_idx %arg11[%get3A_137] : memref<32xf32, #tpu.memory_space<vmem>>[vector<16xi32>], vector<16xf32>,
    %add3A_147 = arith.constant 9.99999993E-9 : f32
    %add3A_148 = vector.broadcast %add3A_147 : f32 to vector<16xf32>
    %add3A_149 = arith.addf %gather3A_146, %add3A_148 : vector<16xf32>
    %gather3A_150 = tpu.vector_load_idx %arg11[%get3A_139] : memref<32xf32, #tpu.memory_space<vmem>>[vector<16xi32>], vector<16xf32>,
    %add3A_151 = arith.constant 9.99999993E-9 : f32
    %add3A_152 = vector.broadcast %add3A_151 : f32 to vector<16xf32>
    %add3A_153 = arith.addf %gather3A_150, %add3A_152 : vector<16xf32>
    %scan3A_154 = arith.constant 0 : i32
    %scan3A_155 = arith.constant 64 : i32
    %scan3A_156 = arith.addi %scan3A_154, %scan3A_155 : i32
    %scan3A_157 = arith.constant 8 : i32
    %scan3A_158:3 = scf.for %scan3A_224 = %scan3A_154 to %scan3A_156 step %scan3A_157 iter_args(%scan3A_225 = %broadcast_in_dim3A_10, %scan3A_226 = %broadcast_in_dim3A_10, %scan3A_227 = %broadcast_in_dim3A_10) -> (vector<16xf32>, vector<16xf32>, vector<16xf32>)  : i32 {
      %add3A_228 = vector.broadcast %scan3A_224 : i32 to vector<16xi32>
      %add3A_229 = arith.addi %mul3A_142, %add3A_228 : vector<16xi32>
      %gather3A_230 = tpu.vector_load_idx %arg8[%add3A_229] : memref<2080xf32, #tpu.memory_space<vmem>>[vector<16xi32>], vector<16xf32>,
      %add3A_231 = vector.broadcast %scan3A_224 : i32 to vector<16xi32>
      %add3A_232 = arith.addi %mul3A_145, %add3A_231 : vector<16xi32>
      %gather3A_233 = tpu.vector_load_idx %arg8[%add3A_232] : memref<2080xf32, #tpu.memory_space<vmem>>[vector<16xi32>], vector<16xf32>,
      %add3A_234 = vector.broadcast %scan3A_224 : i32 to vector<16xi32>
      %add3A_235 = arith.addi %mul3A_135, %add3A_234 : vector<16xi32>
      %gather3A_236 = tpu.vector_load_idx %arg7[%add3A_235] : memref<4160xf32, #tpu.memory_space<vmem>>[vector<16xi32>], vector<16xf32>,
      %mul3A_237 = arith.mulf %gather3A_230, %gather3A_236 : vector<16xf32>
      %add3A_238 = arith.addf %scan3A_225, %mul3A_237 : vector<16xf32>
      %mul3A_239 = arith.mulf %gather3A_233, %gather3A_236 : vector<16xf32>
      %add3A_240 = arith.addf %scan3A_226, %mul3A_239 : vector<16xf32>
      %mul3A_241 = arith.mulf %gather3A_230, %gather3A_233 : vector<16xf32>
      %add3A_242 = arith.addf %scan3A_227, %mul3A_241 : vector<16xf32>
      %scan3A_243 = arith.constant 1 : i32
      %scan3A_244 = arith.addi %scan3A_224, %scan3A_243 : i32
      %add3A_245 = vector.broadcast %scan3A_244 : i32 to vector<16xi32>
      %add3A_246 = arith.addi %mul3A_142, %add3A_245 : vector<16xi32>
      %gather3A_247 = tpu.vector_load_idx %arg8[%add3A_246] : memref<2080xf32, #tpu.memory_space<vmem>>[vector<16xi32>], vector<16xf32>,
      %add3A_248 = vector.broadcast %scan3A_244 : i32 to vector<16xi32>
      %add3A_249 = arith.addi %mul3A_145, %add3A_248 : vector<16xi32>
      %gather3A_250 = tpu.vector_load_idx %arg8[%add3A_249] : memref<2080xf32, #tpu.memory_space<vmem>>[vector<16xi32>], vector<16xf32>,
      %add3A_251 = vector.broadcast %scan3A_244 : i32 to vector<16xi32>
      %add3A_252 = arith.addi %mul3A_135, %add3A_251 : vector<16xi32>
      %gather3A_253 = tpu.vector_load_idx %arg7[%add3A_252] : memref<4160xf32, #tpu.memory_space<vmem>>[vector<16xi32>], vector<16xf32>,
      %mul3A_254 = arith.mulf %gather3A_247, %gather3A_253 : vector<16xf32>
      %add3A_255 = arith.addf %add3A_238, %mul3A_254 : vector<16xf32>
      %mul3A_256 = arith.mulf %gather3A_250, %gather3A_253 : vector<16xf32>
      %add3A_257 = arith.addf %add3A_240, %mul3A_256 : vector<16xf32>
      %mul3A_258 = arith.mulf %gather3A_247, %gather3A_250 : vector<16xf32>
      %add3A_259 = arith.addf %add3A_242, %mul3A_258 : vector<16xf32>
      %scan3A_260 = arith.constant 2 : i32
      %scan3A_261 = arith.addi %scan3A_224, %scan3A_260 : i32
      %add3A_262 = vector.broadcast %scan3A_261 : i32 to vector<16xi32>
      %add3A_263 = arith.addi %mul3A_142, %add3A_262 : vector<16xi32>
      %gather3A_264 = tpu.vector_load_idx %arg8[%add3A_263] : memref<2080xf32, #tpu.memory_space<vmem>>[vector<16xi32>], vector<16xf32>,
      %add3A_265 = vector.broadcast %scan3A_261 : i32 to vector<16xi32>
      %add3A_266 = arith.addi %mul3A_145, %add3A_265 : vector<16xi32>
      %gather3A_267 = tpu.vector_load_idx %arg8[%add3A_266] : memref<2080xf32, #tpu.memory_space<vmem>>[vector<16xi32>], vector<16xf32>,
      %add3A_268 = vector.broadcast %scan3A_261 : i32 to vector<16xi32>
      %add3A_269 = arith.addi %mul3A_135, %add3A_268 : vector<16xi32>
      %gather3A_270 = tpu.vector_load_idx %arg7[%add3A_269] : memref<4160xf32, #tpu.memory_space<vmem>>[vector<16xi32>], vector<16xf32>,
      %mul3A_271 = arith.mulf %gather3A_264, %gather3A_270 : vector<16xf32>
      %add3A_272 = arith.addf %add3A_255, %mul3A_271 : vector<16xf32>
      %mul3A_273 = arith.mulf %gather3A_267, %gather3A_270 : vector<16xf32>
      %add3A_274 = arith.addf %add3A_257, %mul3A_273 : vector<16xf32>
      %mul3A_275 = arith.mulf %gather3A_264, %gather3A_267 : vector<16xf32>
      %add3A_276 = arith.addf %add3A_259, %mul3A_275 : vector<16xf32>
      %scan3A_277 = arith.constant 3 : i32
      %scan3A_278 = arith.addi %scan3A_224, %scan3A_277 : i32
      %add3A_279 = vector.broadcast %scan3A_278 : i32 to vector<16xi32>
      %add3A_280 = arith.addi %mul3A_142, %add3A_279 : vector<16xi32>
      %gather3A_281 = tpu.vector_load_idx %arg8[%add3A_280] : memref<2080xf32, #tpu.memory_space<vmem>>[vector<16xi32>], vector<16xf32>,
      %add3A_282 = vector.broadcast %scan3A_278 : i32 to vector<16xi32>
      %add3A_283 = arith.addi %mul3A_145, %add3A_282 : vector<16xi32>
      %gather3A_284 = tpu.vector_load_idx %arg8[%add3A_283] : memref<2080xf32, #tpu.memory_space<vmem>>[vector<16xi32>], vector<16xf32>,
      %add3A_285 = vector.broadcast %scan3A_278 : i32 to vector<16xi32>
      %add3A_286 = arith.addi %mul3A_135, %add3A_285 : vector<16xi32>
      %gather3A_287 = tpu.vector_load_idx %arg7[%add3A_286] : memref<4160xf32, #tpu.memory_space<vmem>>[vector<16xi32>], vector<16xf32>,
      %mul3A_288 = arith.mulf %gather3A_281, %gather3A_287 : vector<16xf32>
      %add3A_289 = arith.addf %add3A_272, %mul3A_288 : vector<16xf32>
      %mul3A_290 = arith.mulf %gather3A_284, %gather3A_287 : vector<16xf32>
      %add3A_291 = arith.addf %add3A_274, %mul3A_290 : vector<16xf32>
      %mul3A_292 = arith.mulf %gather3A_281, %gather3A_284 : vector<16xf32>
      %add3A_293 = arith.addf %add3A_276, %mul3A_292 : vector<16xf32>
      %scan3A_294 = arith.constant 4 : i32
      %scan3A_295 = arith.addi %scan3A_224, %scan3A_294 : i32
      %add3A_296 = vector.broadcast %scan3A_295 : i32 to vector<16xi32>
      %add3A_297 = arith.addi %mul3A_142, %add3A_296 : vector<16xi32>
      %gather3A_298 = tpu.vector_load_idx %arg8[%add3A_297] : memref<2080xf32, #tpu.memory_space<vmem>>[vector<16xi32>], vector<16xf32>,
      %add3A_299 = vector.broadcast %scan3A_295 : i32 to vector<16xi32>
      %add3A_300 = arith.addi %mul3A_145, %add3A_299 : vector<16xi32>
      %gather3A_301 = tpu.vector_load_idx %arg8[%add3A_300] : memref<2080xf32, #tpu.memory_space<vmem>>[vector<16xi32>], vector<16xf32>,
      %add3A_302 = vector.broadcast %scan3A_295 : i32 to vector<16xi32>
      %add3A_303 = arith.addi %mul3A_135, %add3A_302 : vector<16xi32>
      %gather3A_304 = tpu.vector_load_idx %arg7[%add3A_303] : memref<4160xf32, #tpu.memory_space<vmem>>[vector<16xi32>], vector<16xf32>,
      %mul3A_305 = arith.mulf %gather3A_298, %gather3A_304 : vector<16xf32>
      %add3A_306 = arith.addf %add3A_289, %mul3A_305 : vector<16xf32>
      %mul3A_307 = arith.mulf %gather3A_301, %gather3A_304 : vector<16xf32>
      %add3A_308 = arith.addf %add3A_291, %mul3A_307 : vector<16xf32>
      %mul3A_309 = arith.mulf %gather3A_298, %gather3A_301 : vector<16xf32>
      %add3A_310 = arith.addf %add3A_293, %mul3A_309 : vector<16xf32>
      %scan3A_311 = arith.constant 5 : i32
      %scan3A_312 = arith.addi %scan3A_224, %scan3A_311 : i32
      %add3A_313 = vector.broadcast %scan3A_312 : i32 to vector<16xi32>
      %add3A_314 = arith.addi %mul3A_142, %add3A_313 : vector<16xi32>
      %gather3A_315 = tpu.vector_load_idx %arg8[%add3A_314] : memref<2080xf32, #tpu.memory_space<vmem>>[vector<16xi32>], vector<16xf32>,
      %add3A_316 = vector.broadcast %scan3A_312 : i32 to vector<16xi32>
      %add3A_317 = arith.addi %mul3A_145, %add3A_316 : vector<16xi32>
      %gather3A_318 = tpu.vector_load_idx %arg8[%add3A_317] : memref<2080xf32, #tpu.memory_space<vmem>>[vector<16xi32>], vector<16xf32>,
      %add3A_319 = vector.broadcast %scan3A_312 : i32 to vector<16xi32>
      %add3A_320 = arith.addi %mul3A_135, %add3A_319 : vector<16xi32>
      %gather3A_321 = tpu.vector_load_idx %arg7[%add3A_320] : memref<4160xf32, #tpu.memory_space<vmem>>[vector<16xi32>], vector<16xf32>,
      %mul3A_322 = arith.mulf %gather3A_315, %gather3A_321 : vector<16xf32>
      %add3A_323 = arith.addf %add3A_306, %mul3A_322 : vector<16xf32>
      %mul3A_324 = arith.mulf %gather3A_318, %gather3A_321 : vector<16xf32>
      %add3A_325 = arith.addf %add3A_308, %mul3A_324 : vector<16xf32>
      %mul3A_326 = arith.mulf %gather3A_315, %gather3A_318 : vector<16xf32>
      %add3A_327 = arith.addf %add3A_310, %mul3A_326 : vector<16xf32>
      %scan3A_328 = arith.constant 6 : i32
      %scan3A_329 = arith.addi %scan3A_224, %scan3A_328 : i32
      %add3A_330 = vector.broadcast %scan3A_329 : i32 to vector<16xi32>
      %add3A_331 = arith.addi %mul3A_142, %add3A_330 : vector<16xi32>
      %gather3A_332 = tpu.vector_load_idx %arg8[%add3A_331] : memref<2080xf32, #tpu.memory_space<vmem>>[vector<16xi32>], vector<16xf32>,
      %add3A_333 = vector.broadcast %scan3A_329 : i32 to vector<16xi32>
      %add3A_334 = arith.addi %mul3A_145, %add3A_333 : vector<16xi32>
      %gather3A_335 = tpu.vector_load_idx %arg8[%add3A_334] : memref<2080xf32, #tpu.memory_space<vmem>>[vector<16xi32>], vector<16xf32>,
      %add3A_336 = vector.broadcast %scan3A_329 : i32 to vector<16xi32>
      %add3A_337 = arith.addi %mul3A_135, %add3A_336 : vector<16xi32>
      %gather3A_338 = tpu.vector_load_idx %arg7[%add3A_337] : memref<4160xf32, #tpu.memory_space<vmem>>[vector<16xi32>], vector<16xf32>,
      %mul3A_339 = arith.mulf %gather3A_332, %gather3A_338 : vector<16xf32>
      %add3A_340 = arith.addf %add3A_323, %mul3A_339 : vector<16xf32>
      %mul3A_341 = arith.mulf %gather3A_335, %gather3A_338 : vector<16xf32>
      %add3A_342 = arith.addf %add3A_325, %mul3A_341 : vector<16xf32>
      %mul3A_343 = arith.mulf %gather3A_332, %gather3A_335 : vector<16xf32>
      %add3A_344 = arith.addf %add3A_327, %mul3A_343 : vector<16xf32>
      %scan3A_345 = arith.constant 7 : i32
      %scan3A_346 = arith.addi %scan3A_224, %scan3A_345 : i32
      %add3A_347 = vector.broadcast %scan3A_346 : i32 to vector<16xi32>
      %add3A_348 = arith.addi %mul3A_142, %add3A_347 : vector<16xi32>
      %gather3A_349 = tpu.vector_load_idx %arg8[%add3A_348] : memref<2080xf32, #tpu.memory_space<vmem>>[vector<16xi32>], vector<16xf32>,
      %add3A_350 = vector.broadcast %scan3A_346 : i32 to vector<16xi32>
      %add3A_351 = arith.addi %mul3A_145, %add3A_350 : vector<16xi32>
      %gather3A_352 = tpu.vector_load_idx %arg8[%add3A_351] : memref<2080xf32, #tpu.memory_space<vmem>>[vector<16xi32>], vector<16xf32>,
      %add3A_353 = vector.broadcast %scan3A_346 : i32 to vector<16xi32>
      %add3A_354 = arith.addi %mul3A_135, %add3A_353 : vector<16xi32>
      %gather3A_355 = tpu.vector_load_idx %arg7[%add3A_354] : memref<4160xf32, #tpu.memory_space<vmem>>[vector<16xi32>], vector<16xf32>,
      %mul3A_356 = arith.mulf %gather3A_349, %gather3A_355 : vector<16xf32>
      %add3A_357 = arith.addf %add3A_340, %mul3A_356 : vector<16xf32>
      %mul3A_358 = arith.mulf %gather3A_352, %gather3A_355 : vector<16xf32>
      %add3A_359 = arith.addf %add3A_342, %mul3A_358 : vector<16xf32>
      %mul3A_360 = arith.mulf %gather3A_349, %gather3A_352 : vector<16xf32>
      %add3A_361 = arith.addf %add3A_344, %mul3A_360 : vector<16xf32>
      scf.yield %add3A_357, %add3A_359, %add3A_361 : vector<16xf32>, vector<16xf32>, vector<16xf32>
    }
    %scan3A_159 = arith.constant 64 : i32
    %mul3A_160 = arith.constant 2.000000e+00 : f32
    %mul3A_161 = vector.broadcast %mul3A_160 : f32 to vector<16xf32>
    %mul3A_162 = arith.mulf %mul3A_161, %scan3A_158#0 : vector<16xf32>
    %div3A_163 = arith.divf %mul3A_162, %add3A_149 : vector<16xf32>
    %mul3A_164 = arith.mulf %div3A_163, %scan3A_158#2 : vector<16xf32>
    %sub3A_165 = arith.subf %scan3A_158#1, %mul3A_164 : vector<16xf32>
    %mul3A_166 = arith.constant 2.000000e+00 : f32
    %mul3A_167 = vector.broadcast %mul3A_166 : f32 to vector<16xf32>
    %mul3A_168 = arith.mulf %mul3A_167, %sub3A_165 : vector<16xf32>
    %div3A_169 = arith.divf %mul3A_168, %add3A_153 : vector<16xf32>
    %scan3A_170 = arith.constant 0 : i32
    %scan3A_171 = arith.constant 0 : i32
    %scan3A_172 = arith.constant 64 : i32
    %scan3A_173 = arith.addi %scan3A_171, %scan3A_172 : i32
    %scan3A_174 = arith.constant 8 : i32
    scf.for %scan3A_224 = %scan3A_171 to %scan3A_173 step %scan3A_174  : i32 {
      %add3A_225 = vector.broadcast %scan3A_224 : i32 to vector<16xi32>
      %add3A_226 = arith.addi %mul3A_142, %add3A_225 : vector<16xi32>
      %gather3A_227 = tpu.vector_load_idx %arg8[%add3A_226] : memref<2080xf32, #tpu.memory_space<vmem>>[vector<16xi32>], vector<16xf32>,
      %add3A_228 = vector.broadcast %scan3A_224 : i32 to vector<16xi32>
      %add3A_229 = arith.addi %mul3A_145, %add3A_228 : vector<16xi32>
      %gather3A_230 = tpu.vector_load_idx %arg8[%add3A_229] : memref<2080xf32, #tpu.memory_space<vmem>>[vector<16xi32>], vector<16xf32>,
      %add3A_231 = vector.broadcast %scan3A_224 : i32 to vector<16xi32>
      %add3A_232 = arith.addi %mul3A_135, %add3A_231 : vector<16xi32>
      %gather3A_233 = tpu.vector_load_idx %arg7[%add3A_232] : memref<4160xf32, #tpu.memory_space<vmem>>[vector<16xi32>], vector<16xf32>,
      %add3A_234 = vector.broadcast %scan3A_224 : i32 to vector<16xi32>
      %add3A_235 = arith.addi %mul3A_135, %add3A_234 : vector<16xi32>
      %mul3A_236 = arith.mulf %div3A_163, %gather3A_227 : vector<16xf32>
      %sub3A_237 = arith.subf %gather3A_233, %mul3A_236 : vector<16xf32>
      %mul3A_238 = arith.mulf %div3A_169, %gather3A_230 : vector<16xf32>
      %sub3A_239 = arith.subf %sub3A_237, %mul3A_238 : vector<16xf32>
      tpu.vector_store_idx %arg7[%add3A_235], %sub3A_239 : memref<4160xf32, #tpu.memory_space<vmem>>[vector<16xi32>], vector<16xf32>,
      %scan3A_240 = arith.constant 1 : i32
      %scan3A_241 = arith.addi %scan3A_224, %scan3A_240 : i32
      %add3A_242 = vector.broadcast %scan3A_241 : i32 to vector<16xi32>
      %add3A_243 = arith.addi %mul3A_142, %add3A_242 : vector<16xi32>
      %gather3A_244 = tpu.vector_load_idx %arg8[%add3A_243] : memref<2080xf32, #tpu.memory_space<vmem>>[vector<16xi32>], vector<16xf32>,
      %add3A_245 = vector.broadcast %scan3A_241 : i32 to vector<16xi32>
      %add3A_246 = arith.addi %mul3A_145, %add3A_245 : vector<16xi32>
      %gather3A_247 = tpu.vector_load_idx %arg8[%add3A_246] : memref<2080xf32, #tpu.memory_space<vmem>>[vector<16xi32>], vector<16xf32>,
      %add3A_248 = vector.broadcast %scan3A_241 : i32 to vector<16xi32>
      %add3A_249 = arith.addi %mul3A_135, %add3A_248 : vector<16xi32>
      %gather3A_250 = tpu.vector_load_idx %arg7[%add3A_249] : memref<4160xf32, #tpu.memory_space<vmem>>[vector<16xi32>], vector<16xf32>,
      %add3A_251 = vector.broadcast %scan3A_241 : i32 to vector<16xi32>
      %add3A_252 = arith.addi %mul3A_135, %add3A_251 : vector<16xi32>
      %mul3A_253 = arith.mulf %div3A_163, %gather3A_244 : vector<16xf32>
      %sub3A_254 = arith.subf %gather3A_250, %mul3A_253 : vector<16xf32>
      %mul3A_255 = arith.mulf %div3A_169, %gather3A_247 : vector<16xf32>
      %sub3A_256 = arith.subf %sub3A_254, %mul3A_255 : vector<16xf32>
      tpu.vector_store_idx %arg7[%add3A_252], %sub3A_256 : memref<4160xf32, #tpu.memory_space<vmem>>[vector<16xi32>], vector<16xf32>,
      %scan3A_257 = arith.constant 2 : i32
      %scan3A_258 = arith.addi %scan3A_224, %scan3A_257 : i32
      %add3A_259 = vector.broadcast %scan3A_258 : i32 to vector<16xi32>
      %add3A_260 = arith.addi %mul3A_142, %add3A_259 : vector<16xi32>
      %gather3A_261 = tpu.vector_load_idx %arg8[%add3A_260] : memref<2080xf32, #tpu.memory_space<vmem>>[vector<16xi32>], vector<16xf32>,
      %add3A_262 = vector.broadcast %scan3A_258 : i32 to vector<16xi32>
      %add3A_263 = arith.addi %mul3A_145, %add3A_262 : vector<16xi32>
      %gather3A_264 = tpu.vector_load_idx %arg8[%add3A_263] : memref<2080xf32, #tpu.memory_space<vmem>>[vector<16xi32>], vector<16xf32>,
      %add3A_265 = vector.broadcast %scan3A_258 : i32 to vector<16xi32>
      %add3A_266 = arith.addi %mul3A_135, %add3A_265 : vector<16xi32>
      %gather3A_267 = tpu.vector_load_idx %arg7[%add3A_266] : memref<4160xf32, #tpu.memory_space<vmem>>[vector<16xi32>], vector<16xf32>,
      %add3A_268 = vector.broadcast %scan3A_258 : i32 to vector<16xi32>
      %add3A_269 = arith.addi %mul3A_135, %add3A_268 : vector<16xi32>
      %mul3A_270 = arith.mulf %div3A_163, %gather3A_261 : vector<16xf32>
      %sub3A_271 = arith.subf %gather3A_267, %mul3A_270 : vector<16xf32>
      %mul3A_272 = arith.mulf %div3A_169, %gather3A_264 : vector<16xf32>
      %sub3A_273 = arith.subf %sub3A_271, %mul3A_272 : vector<16xf32>
      tpu.vector_store_idx %arg7[%add3A_269], %sub3A_273 : memref<4160xf32, #tpu.memory_space<vmem>>[vector<16xi32>], vector<16xf32>,
      %scan3A_274 = arith.constant 3 : i32
      %scan3A_275 = arith.addi %scan3A_224, %scan3A_274 : i32
      %add3A_276 = vector.broadcast %scan3A_275 : i32 to vector<16xi32>
      %add3A_277 = arith.addi %mul3A_142, %add3A_276 : vector<16xi32>
      %gather3A_278 = tpu.vector_load_idx %arg8[%add3A_277] : memref<2080xf32, #tpu.memory_space<vmem>>[vector<16xi32>], vector<16xf32>,
      %add3A_279 = vector.broadcast %scan3A_275 : i32 to vector<16xi32>
      %add3A_280 = arith.addi %mul3A_145, %add3A_279 : vector<16xi32>
      %gather3A_281 = tpu.vector_load_idx %arg8[%add3A_280] : memref<2080xf32, #tpu.memory_space<vmem>>[vector<16xi32>], vector<16xf32>,
      %add3A_282 = vector.broadcast %scan3A_275 : i32 to vector<16xi32>
      %add3A_283 = arith.addi %mul3A_135, %add3A_282 : vector<16xi32>
      %gather3A_284 = tpu.vector_load_idx %arg7[%add3A_283] : memref<4160xf32, #tpu.memory_space<vmem>>[vector<16xi32>], vector<16xf32>,
      %add3A_285 = vector.broadcast %scan3A_275 : i32 to vector<16xi32>
      %add3A_286 = arith.addi %mul3A_135, %add3A_285 : vector<16xi32>
      %mul3A_287 = arith.mulf %div3A_163, %gather3A_278 : vector<16xf32>
      %sub3A_288 = arith.subf %gather3A_284, %mul3A_287 : vector<16xf32>
      %mul3A_289 = arith.mulf %div3A_169, %gather3A_281 : vector<16xf32>
      %sub3A_290 = arith.subf %sub3A_288, %mul3A_289 : vector<16xf32>
      tpu.vector_store_idx %arg7[%add3A_286], %sub3A_290 : memref<4160xf32, #tpu.memory_space<vmem>>[vector<16xi32>], vector<16xf32>,
      %scan3A_291 = arith.constant 4 : i32
      %scan3A_292 = arith.addi %scan3A_224, %scan3A_291 : i32
      %add3A_293 = vector.broadcast %scan3A_292 : i32 to vector<16xi32>
      %add3A_294 = arith.addi %mul3A_142, %add3A_293 : vector<16xi32>
      %gather3A_295 = tpu.vector_load_idx %arg8[%add3A_294] : memref<2080xf32, #tpu.memory_space<vmem>>[vector<16xi32>], vector<16xf32>,
      %add3A_296 = vector.broadcast %scan3A_292 : i32 to vector<16xi32>
      %add3A_297 = arith.addi %mul3A_145, %add3A_296 : vector<16xi32>
      %gather3A_298 = tpu.vector_load_idx %arg8[%add3A_297] : memref<2080xf32, #tpu.memory_space<vmem>>[vector<16xi32>], vector<16xf32>,
      %add3A_299 = vector.broadcast %scan3A_292 : i32 to vector<16xi32>
      %add3A_300 = arith.addi %mul3A_135, %add3A_299 : vector<16xi32>
      %gather3A_301 = tpu.vector_load_idx %arg7[%add3A_300] : memref<4160xf32, #tpu.memory_space<vmem>>[vector<16xi32>], vector<16xf32>,
      %add3A_302 = vector.broadcast %scan3A_292 : i32 to vector<16xi32>
      %add3A_303 = arith.addi %mul3A_135, %add3A_302 : vector<16xi32>
      %mul3A_304 = arith.mulf %div3A_163, %gather3A_295 : vector<16xf32>
      %sub3A_305 = arith.subf %gather3A_301, %mul3A_304 : vector<16xf32>
      %mul3A_306 = arith.mulf %div3A_169, %gather3A_298 : vector<16xf32>
      %sub3A_307 = arith.subf %sub3A_305, %mul3A_306 : vector<16xf32>
      tpu.vector_store_idx %arg7[%add3A_303], %sub3A_307 : memref<4160xf32, #tpu.memory_space<vmem>>[vector<16xi32>], vector<16xf32>,
      %scan3A_308 = arith.constant 5 : i32
      %scan3A_309 = arith.addi %scan3A_224, %scan3A_308 : i32
      %add3A_310 = vector.broadcast %scan3A_309 : i32 to vector<16xi32>
      %add3A_311 = arith.addi %mul3A_142, %add3A_310 : vector<16xi32>
      %gather3A_312 = tpu.vector_load_idx %arg8[%add3A_311] : memref<2080xf32, #tpu.memory_space<vmem>>[vector<16xi32>], vector<16xf32>,
      %add3A_313 = vector.broadcast %scan3A_309 : i32 to vector<16xi32>
      %add3A_314 = arith.addi %mul3A_145, %add3A_313 : vector<16xi32>
      %gather3A_315 = tpu.vector_load_idx %arg8[%add3A_314] : memref<2080xf32, #tpu.memory_space<vmem>>[vector<16xi32>], vector<16xf32>,
      %add3A_316 = vector.broadcast %scan3A_309 : i32 to vector<16xi32>
      %add3A_317 = arith.addi %mul3A_135, %add3A_316 : vector<16xi32>
      %gather3A_318 = tpu.vector_load_idx %arg7[%add3A_317] : memref<4160xf32, #tpu.memory_space<vmem>>[vector<16xi32>], vector<16xf32>,
      %add3A_319 = vector.broadcast %scan3A_309 : i32 to vector<16xi32>
      %add3A_320 = arith.addi %mul3A_135, %add3A_319 : vector<16xi32>
      %mul3A_321 = arith.mulf %div3A_163, %gather3A_312 : vector<16xf32>
      %sub3A_322 = arith.subf %gather3A_318, %mul3A_321 : vector<16xf32>
      %mul3A_323 = arith.mulf %div3A_169, %gather3A_315 : vector<16xf32>
      %sub3A_324 = arith.subf %sub3A_322, %mul3A_323 : vector<16xf32>
      tpu.vector_store_idx %arg7[%add3A_320], %sub3A_324 : memref<4160xf32, #tpu.memory_space<vmem>>[vector<16xi32>], vector<16xf32>,
      %scan3A_325 = arith.constant 6 : i32
      %scan3A_326 = arith.addi %scan3A_224, %scan3A_325 : i32
      %add3A_327 = vector.broadcast %scan3A_326 : i32 to vector<16xi32>
      %add3A_328 = arith.addi %mul3A_142, %add3A_327 : vector<16xi32>
      %gather3A_329 = tpu.vector_load_idx %arg8[%add3A_328] : memref<2080xf32, #tpu.memory_space<vmem>>[vector<16xi32>], vector<16xf32>,
      %add3A_330 = vector.broadcast %scan3A_326 : i32 to vector<16xi32>
      %add3A_331 = arith.addi %mul3A_145, %add3A_330 : vector<16xi32>
      %gather3A_332 = tpu.vector_load_idx %arg8[%add3A_331] : memref<2080xf32, #tpu.memory_space<vmem>>[vector<16xi32>], vector<16xf32>,
      %add3A_333 = vector.broadcast %scan3A_326 : i32 to vector<16xi32>
      %add3A_334 = arith.addi %mul3A_135, %add3A_333 : vector<16xi32>
      %gather3A_335 = tpu.vector_load_idx %arg7[%add3A_334] : memref<4160xf32, #tpu.memory_space<vmem>>[vector<16xi32>], vector<16xf32>,
      %add3A_336 = vector.broadcast %scan3A_326 : i32 to vector<16xi32>
      %add3A_337 = arith.addi %mul3A_135, %add3A_336 : vector<16xi32>
      %mul3A_338 = arith.mulf %div3A_163, %gather3A_329 : vector<16xf32>
      %sub3A_339 = arith.subf %gather3A_335, %mul3A_338 : vector<16xf32>
      %mul3A_340 = arith.mulf %div3A_169, %gather3A_332 : vector<16xf32>
      %sub3A_341 = arith.subf %sub3A_339, %mul3A_340 : vector<16xf32>
      tpu.vector_store_idx %arg7[%add3A_337], %sub3A_341 : memref<4160xf32, #tpu.memory_space<vmem>>[vector<16xi32>], vector<16xf32>,
      %scan3A_342 = arith.constant 7 : i32
      %scan3A_343 = arith.addi %scan3A_224, %scan3A_342 : i32
      %add3A_344 = vector.broadcast %scan3A_343 : i32 to vector<16xi32>
      %add3A_345 = arith.addi %mul3A_142, %add3A_344 : vector<16xi32>
      %gather3A_346 = tpu.vector_load_idx %arg8[%add3A_345] : memref<2080xf32, #tpu.memory_space<vmem>>[vector<16xi32>], vector<16xf32>,
      %add3A_347 = vector.broadcast %scan3A_343 : i32 to vector<16xi32>
      %add3A_348 = arith.addi %mul3A_145, %add3A_347 : vector<16xi32>
      %gather3A_349 = tpu.vector_load_idx %arg8[%add3A_348] : memref<2080xf32, #tpu.memory_space<vmem>>[vector<16xi32>], vector<16xf32>,
      %add3A_350 = vector.broadcast %scan3A_343 : i32 to vector<16xi32>
      %add3A_351 = arith.addi %mul3A_135, %add3A_350 : vector<16xi32>
      %gather3A_352 = tpu.vector_load_idx %arg7[%add3A_351] : memref<4160xf32, #tpu.memory_space<vmem>>[vector<16xi32>], vector<16xf32>,
      %add3A_353 = vector.broadcast %scan3A_343 : i32 to vector<16xi32>
      %add3A_354 = arith.addi %mul3A_135, %add3A_353 : vector<16xi32>
      %mul3A_355 = arith.mulf %div3A_163, %gather3A_346 : vector<16xf32>
      %sub3A_356 = arith.subf %gather3A_352, %mul3A_355 : vector<16xf32>
      %mul3A_357 = arith.mulf %div3A_169, %gather3A_349 : vector<16xf32>
      %sub3A_358 = arith.subf %sub3A_356, %mul3A_357 : vector<16xf32>
      tpu.vector_store_idx %arg7[%add3A_354], %sub3A_358 : memref<4160xf32, #tpu.memory_space<vmem>>[vector<16xi32>], vector<16xf32>,
    }
    %scan3A_175 = arith.constant 64 : i32
    %add3A_176 = arith.constant 48 : i32
    %add3A_177 = vector.broadcast %add3A_176 : i32 to vector<16xi32>
    %add3A_178 = arith.addi %iota3A, %add3A_177 : vector<16xi32>
    %mul3A_179 = arith.constant 65 : i32
    %mul3A_180 = vector.broadcast %mul3A_179 : i32 to vector<16xi32>
    %mul3A_181 = arith.muli %add3A_178, %mul3A_180 : vector<16xi32>
    %get3A_182 = arith.constant 48 : index
    %get3A_183 = tpu.vector_load %arg9[%get3A_182] {strides = array<i32>} : memref<64xi32, #tpu.memory_space<vmem>>, vector<16xi32>,
    %get3A_184 = arith.constant 48 : index
    %get3A_185 = tpu.vector_load %arg10[%get3A_184] {strides = array<i32>} : memref<64xi32, #tpu.memory_space<vmem>>, vector<16xi32>,
    %mul3A_186 = arith.constant 65 : i32
    %mul3A_187 = vector.broadcast %mul3A_186 : i32 to vector<16xi32>
    %mul3A_188 = arith.muli %get3A_183, %mul3A_187 : vector<16xi32>
    %mul3A_189 = arith.constant 65 : i32
    %mul3A_190 = vector.broadcast %mul3A_189 : i32 to vector<16xi32>
    %mul3A_191 = arith.muli %get3A_185, %mul3A_190 : vector<16xi32>
    %gather3A_192 = tpu.vector_load_idx %arg11[%get3A_183] : memref<32xf32, #tpu.memory_space<vmem>>[vector<16xi32>], vector<16xf32>,
    %add3A_193 = arith.constant 9.99999993E-9 : f32
    %add3A_194 = vector.broadcast %add3A_193 : f32 to vector<16xf32>
    %add3A_195 = arith.addf %gather3A_192, %add3A_194 : vector<16xf32>
    %gather3A_196 = tpu.vector_load_idx %arg11[%get3A_185] : memref<32xf32, #tpu.memory_space<vmem>>[vector<16xi32>], vector<16xf32>,
    %add3A_197 = arith.constant 9.99999993E-9 : f32
    %add3A_198 = vector.broadcast %add3A_197 : f32 to vector<16xf32>
    %add3A_199 = arith.addf %gather3A_196, %add3A_198 : vector<16xf32>
    %scan3A_200 = arith.constant 0 : i32
    %scan3A_201 = arith.constant 64 : i32
    %scan3A_202 = arith.addi %scan3A_200, %scan3A_201 : i32
    %scan3A_203 = arith.constant 8 : i32
    %scan3A_204:3 = scf.for %scan3A_224 = %scan3A_200 to %scan3A_202 step %scan3A_203 iter_args(%scan3A_225 = %broadcast_in_dim3A_10, %scan3A_226 = %broadcast_in_dim3A_10, %scan3A_227 = %broadcast_in_dim3A_10) -> (vector<16xf32>, vector<16xf32>, vector<16xf32>)  : i32 {
      %add3A_228 = vector.broadcast %scan3A_224 : i32 to vector<16xi32>
      %add3A_229 = arith.addi %mul3A_188, %add3A_228 : vector<16xi32>
      %gather3A_230 = tpu.vector_load_idx %arg8[%add3A_229] : memref<2080xf32, #tpu.memory_space<vmem>>[vector<16xi32>], vector<16xf32>,
      %add3A_231 = vector.broadcast %scan3A_224 : i32 to vector<16xi32>
      %add3A_232 = arith.addi %mul3A_191, %add3A_231 : vector<16xi32>
      %gather3A_233 = tpu.vector_load_idx %arg8[%add3A_232] : memref<2080xf32, #tpu.memory_space<vmem>>[vector<16xi32>], vector<16xf32>,
      %add3A_234 = vector.broadcast %scan3A_224 : i32 to vector<16xi32>
      %add3A_235 = arith.addi %mul3A_181, %add3A_234 : vector<16xi32>
      %gather3A_236 = tpu.vector_load_idx %arg7[%add3A_235] : memref<4160xf32, #tpu.memory_space<vmem>>[vector<16xi32>], vector<16xf32>,
      %mul3A_237 = arith.mulf %gather3A_230, %gather3A_236 : vector<16xf32>
      %add3A_238 = arith.addf %scan3A_225, %mul3A_237 : vector<16xf32>
      %mul3A_239 = arith.mulf %gather3A_233, %gather3A_236 : vector<16xf32>
      %add3A_240 = arith.addf %scan3A_226, %mul3A_239 : vector<16xf32>
      %mul3A_241 = arith.mulf %gather3A_230, %gather3A_233 : vector<16xf32>
      %add3A_242 = arith.addf %scan3A_227, %mul3A_241 : vector<16xf32>
      %scan3A_243 = arith.constant 1 : i32
      %scan3A_244 = arith.addi %scan3A_224, %scan3A_243 : i32
      %add3A_245 = vector.broadcast %scan3A_244 : i32 to vector<16xi32>
      %add3A_246 = arith.addi %mul3A_188, %add3A_245 : vector<16xi32>
      %gather3A_247 = tpu.vector_load_idx %arg8[%add3A_246] : memref<2080xf32, #tpu.memory_space<vmem>>[vector<16xi32>], vector<16xf32>,
      %add3A_248 = vector.broadcast %scan3A_244 : i32 to vector<16xi32>
      %add3A_249 = arith.addi %mul3A_191, %add3A_248 : vector<16xi32>
      %gather3A_250 = tpu.vector_load_idx %arg8[%add3A_249] : memref<2080xf32, #tpu.memory_space<vmem>>[vector<16xi32>], vector<16xf32>,
      %add3A_251 = vector.broadcast %scan3A_244 : i32 to vector<16xi32>
      %add3A_252 = arith.addi %mul3A_181, %add3A_251 : vector<16xi32>
      %gather3A_253 = tpu.vector_load_idx %arg7[%add3A_252] : memref<4160xf32, #tpu.memory_space<vmem>>[vector<16xi32>], vector<16xf32>,
      %mul3A_254 = arith.mulf %gather3A_247, %gather3A_253 : vector<16xf32>
      %add3A_255 = arith.addf %add3A_238, %mul3A_254 : vector<16xf32>
      %mul3A_256 = arith.mulf %gather3A_250, %gather3A_253 : vector<16xf32>
      %add3A_257 = arith.addf %add3A_240, %mul3A_256 : vector<16xf32>
      %mul3A_258 = arith.mulf %gather3A_247, %gather3A_250 : vector<16xf32>
      %add3A_259 = arith.addf %add3A_242, %mul3A_258 : vector<16xf32>
      %scan3A_260 = arith.constant 2 : i32
      %scan3A_261 = arith.addi %scan3A_224, %scan3A_260 : i32
      %add3A_262 = vector.broadcast %scan3A_261 : i32 to vector<16xi32>
      %add3A_263 = arith.addi %mul3A_188, %add3A_262 : vector<16xi32>
      %gather3A_264 = tpu.vector_load_idx %arg8[%add3A_263] : memref<2080xf32, #tpu.memory_space<vmem>>[vector<16xi32>], vector<16xf32>,
      %add3A_265 = vector.broadcast %scan3A_261 : i32 to vector<16xi32>
      %add3A_266 = arith.addi %mul3A_191, %add3A_265 : vector<16xi32>
      %gather3A_267 = tpu.vector_load_idx %arg8[%add3A_266] : memref<2080xf32, #tpu.memory_space<vmem>>[vector<16xi32>], vector<16xf32>,
      %add3A_268 = vector.broadcast %scan3A_261 : i32 to vector<16xi32>
      %add3A_269 = arith.addi %mul3A_181, %add3A_268 : vector<16xi32>
      %gather3A_270 = tpu.vector_load_idx %arg7[%add3A_269] : memref<4160xf32, #tpu.memory_space<vmem>>[vector<16xi32>], vector<16xf32>,
      %mul3A_271 = arith.mulf %gather3A_264, %gather3A_270 : vector<16xf32>
      %add3A_272 = arith.addf %add3A_255, %mul3A_271 : vector<16xf32>
      %mul3A_273 = arith.mulf %gather3A_267, %gather3A_270 : vector<16xf32>
      %add3A_274 = arith.addf %add3A_257, %mul3A_273 : vector<16xf32>
      %mul3A_275 = arith.mulf %gather3A_264, %gather3A_267 : vector<16xf32>
      %add3A_276 = arith.addf %add3A_259, %mul3A_275 : vector<16xf32>
      %scan3A_277 = arith.constant 3 : i32
      %scan3A_278 = arith.addi %scan3A_224, %scan3A_277 : i32
      %add3A_279 = vector.broadcast %scan3A_278 : i32 to vector<16xi32>
      %add3A_280 = arith.addi %mul3A_188, %add3A_279 : vector<16xi32>
      %gather3A_281 = tpu.vector_load_idx %arg8[%add3A_280] : memref<2080xf32, #tpu.memory_space<vmem>>[vector<16xi32>], vector<16xf32>,
      %add3A_282 = vector.broadcast %scan3A_278 : i32 to vector<16xi32>
      %add3A_283 = arith.addi %mul3A_191, %add3A_282 : vector<16xi32>
      %gather3A_284 = tpu.vector_load_idx %arg8[%add3A_283] : memref<2080xf32, #tpu.memory_space<vmem>>[vector<16xi32>], vector<16xf32>,
      %add3A_285 = vector.broadcast %scan3A_278 : i32 to vector<16xi32>
      %add3A_286 = arith.addi %mul3A_181, %add3A_285 : vector<16xi32>
      %gather3A_287 = tpu.vector_load_idx %arg7[%add3A_286] : memref<4160xf32, #tpu.memory_space<vmem>>[vector<16xi32>], vector<16xf32>,
      %mul3A_288 = arith.mulf %gather3A_281, %gather3A_287 : vector<16xf32>
      %add3A_289 = arith.addf %add3A_272, %mul3A_288 : vector<16xf32>
      %mul3A_290 = arith.mulf %gather3A_284, %gather3A_287 : vector<16xf32>
      %add3A_291 = arith.addf %add3A_274, %mul3A_290 : vector<16xf32>
      %mul3A_292 = arith.mulf %gather3A_281, %gather3A_284 : vector<16xf32>
      %add3A_293 = arith.addf %add3A_276, %mul3A_292 : vector<16xf32>
      %scan3A_294 = arith.constant 4 : i32
      %scan3A_295 = arith.addi %scan3A_224, %scan3A_294 : i32
      %add3A_296 = vector.broadcast %scan3A_295 : i32 to vector<16xi32>
      %add3A_297 = arith.addi %mul3A_188, %add3A_296 : vector<16xi32>
      %gather3A_298 = tpu.vector_load_idx %arg8[%add3A_297] : memref<2080xf32, #tpu.memory_space<vmem>>[vector<16xi32>], vector<16xf32>,
      %add3A_299 = vector.broadcast %scan3A_295 : i32 to vector<16xi32>
      %add3A_300 = arith.addi %mul3A_191, %add3A_299 : vector<16xi32>
      %gather3A_301 = tpu.vector_load_idx %arg8[%add3A_300] : memref<2080xf32, #tpu.memory_space<vmem>>[vector<16xi32>], vector<16xf32>,
      %add3A_302 = vector.broadcast %scan3A_295 : i32 to vector<16xi32>
      %add3A_303 = arith.addi %mul3A_181, %add3A_302 : vector<16xi32>
      %gather3A_304 = tpu.vector_load_idx %arg7[%add3A_303] : memref<4160xf32, #tpu.memory_space<vmem>>[vector<16xi32>], vector<16xf32>,
      %mul3A_305 = arith.mulf %gather3A_298, %gather3A_304 : vector<16xf32>
      %add3A_306 = arith.addf %add3A_289, %mul3A_305 : vector<16xf32>
      %mul3A_307 = arith.mulf %gather3A_301, %gather3A_304 : vector<16xf32>
      %add3A_308 = arith.addf %add3A_291, %mul3A_307 : vector<16xf32>
      %mul3A_309 = arith.mulf %gather3A_298, %gather3A_301 : vector<16xf32>
      %add3A_310 = arith.addf %add3A_293, %mul3A_309 : vector<16xf32>
      %scan3A_311 = arith.constant 5 : i32
      %scan3A_312 = arith.addi %scan3A_224, %scan3A_311 : i32
      %add3A_313 = vector.broadcast %scan3A_312 : i32 to vector<16xi32>
      %add3A_314 = arith.addi %mul3A_188, %add3A_313 : vector<16xi32>
      %gather3A_315 = tpu.vector_load_idx %arg8[%add3A_314] : memref<2080xf32, #tpu.memory_space<vmem>>[vector<16xi32>], vector<16xf32>,
      %add3A_316 = vector.broadcast %scan3A_312 : i32 to vector<16xi32>
      %add3A_317 = arith.addi %mul3A_191, %add3A_316 : vector<16xi32>
      %gather3A_318 = tpu.vector_load_idx %arg8[%add3A_317] : memref<2080xf32, #tpu.memory_space<vmem>>[vector<16xi32>], vector<16xf32>,
      %add3A_319 = vector.broadcast %scan3A_312 : i32 to vector<16xi32>
      %add3A_320 = arith.addi %mul3A_181, %add3A_319 : vector<16xi32>
      %gather3A_321 = tpu.vector_load_idx %arg7[%add3A_320] : memref<4160xf32, #tpu.memory_space<vmem>>[vector<16xi32>], vector<16xf32>,
      %mul3A_322 = arith.mulf %gather3A_315, %gather3A_321 : vector<16xf32>
      %add3A_323 = arith.addf %add3A_306, %mul3A_322 : vector<16xf32>
      %mul3A_324 = arith.mulf %gather3A_318, %gather3A_321 : vector<16xf32>
      %add3A_325 = arith.addf %add3A_308, %mul3A_324 : vector<16xf32>
      %mul3A_326 = arith.mulf %gather3A_315, %gather3A_318 : vector<16xf32>
      %add3A_327 = arith.addf %add3A_310, %mul3A_326 : vector<16xf32>
      %scan3A_328 = arith.constant 6 : i32
      %scan3A_329 = arith.addi %scan3A_224, %scan3A_328 : i32
      %add3A_330 = vector.broadcast %scan3A_329 : i32 to vector<16xi32>
      %add3A_331 = arith.addi %mul3A_188, %add3A_330 : vector<16xi32>
      %gather3A_332 = tpu.vector_load_idx %arg8[%add3A_331] : memref<2080xf32, #tpu.memory_space<vmem>>[vector<16xi32>], vector<16xf32>,
      %add3A_333 = vector.broadcast %scan3A_329 : i32 to vector<16xi32>
      %add3A_334 = arith.addi %mul3A_191, %add3A_333 : vector<16xi32>
      %gather3A_335 = tpu.vector_load_idx %arg8[%add3A_334] : memref<2080xf32, #tpu.memory_space<vmem>>[vector<16xi32>], vector<16xf32>,
      %add3A_336 = vector.broadcast %scan3A_329 : i32 to vector<16xi32>
      %add3A_337 = arith.addi %mul3A_181, %add3A_336 : vector<16xi32>
      %gather3A_338 = tpu.vector_load_idx %arg7[%add3A_337] : memref<4160xf32, #tpu.memory_space<vmem>>[vector<16xi32>], vector<16xf32>,
      %mul3A_339 = arith.mulf %gather3A_332, %gather3A_338 : vector<16xf32>
      %add3A_340 = arith.addf %add3A_323, %mul3A_339 : vector<16xf32>
      %mul3A_341 = arith.mulf %gather3A_335, %gather3A_338 : vector<16xf32>
      %add3A_342 = arith.addf %add3A_325, %mul3A_341 : vector<16xf32>
      %mul3A_343 = arith.mulf %gather3A_332, %gather3A_335 : vector<16xf32>
      %add3A_344 = arith.addf %add3A_327, %mul3A_343 : vector<16xf32>
      %scan3A_345 = arith.constant 7 : i32
      %scan3A_346 = arith.addi %scan3A_224, %scan3A_345 : i32
      %add3A_347 = vector.broadcast %scan3A_346 : i32 to vector<16xi32>
      %add3A_348 = arith.addi %mul3A_188, %add3A_347 : vector<16xi32>
      %gather3A_349 = tpu.vector_load_idx %arg8[%add3A_348] : memref<2080xf32, #tpu.memory_space<vmem>>[vector<16xi32>], vector<16xf32>,
      %add3A_350 = vector.broadcast %scan3A_346 : i32 to vector<16xi32>
      %add3A_351 = arith.addi %mul3A_191, %add3A_350 : vector<16xi32>
      %gather3A_352 = tpu.vector_load_idx %arg8[%add3A_351] : memref<2080xf32, #tpu.memory_space<vmem>>[vector<16xi32>], vector<16xf32>,
      %add3A_353 = vector.broadcast %scan3A_346 : i32 to vector<16xi32>
      %add3A_354 = arith.addi %mul3A_181, %add3A_353 : vector<16xi32>
      %gather3A_355 = tpu.vector_load_idx %arg7[%add3A_354] : memref<4160xf32, #tpu.memory_space<vmem>>[vector<16xi32>], vector<16xf32>,
      %mul3A_356 = arith.mulf %gather3A_349, %gather3A_355 : vector<16xf32>
      %add3A_357 = arith.addf %add3A_340, %mul3A_356 : vector<16xf32>
      %mul3A_358 = arith.mulf %gather3A_352, %gather3A_355 : vector<16xf32>
      %add3A_359 = arith.addf %add3A_342, %mul3A_358 : vector<16xf32>
      %mul3A_360 = arith.mulf %gather3A_349, %gather3A_352 : vector<16xf32>
      %add3A_361 = arith.addf %add3A_344, %mul3A_360 : vector<16xf32>
      scf.yield %add3A_357, %add3A_359, %add3A_361 : vector<16xf32>, vector<16xf32>, vector<16xf32>
    }
    %scan3A_205 = arith.constant 64 : i32
    %mul3A_206 = arith.constant 2.000000e+00 : f32
    %mul3A_207 = vector.broadcast %mul3A_206 : f32 to vector<16xf32>
    %mul3A_208 = arith.mulf %mul3A_207, %scan3A_204#0 : vector<16xf32>
    %div3A_209 = arith.divf %mul3A_208, %add3A_195 : vector<16xf32>
    %mul3A_210 = arith.mulf %div3A_209, %scan3A_204#2 : vector<16xf32>
    %sub3A_211 = arith.subf %scan3A_204#1, %mul3A_210 : vector<16xf32>
    %mul3A_212 = arith.constant 2.000000e+00 : f32
    %mul3A_213 = vector.broadcast %mul3A_212 : f32 to vector<16xf32>
    %mul3A_214 = arith.mulf %mul3A_213, %sub3A_211 : vector<16xf32>
    %div3A_215 = arith.divf %mul3A_214, %add3A_199 : vector<16xf32>
    %scan3A_216 = arith.constant 0 : i32
    %scan3A_217 = arith.constant 0 : i32
    %scan3A_218 = arith.constant 64 : i32
    %scan3A_219 = arith.addi %scan3A_217, %scan3A_218 : i32
    %scan3A_220 = arith.constant 8 : i32
    scf.for %scan3A_224 = %scan3A_217 to %scan3A_219 step %scan3A_220  : i32 {
      %add3A_225 = vector.broadcast %scan3A_224 : i32 to vector<16xi32>
      %add3A_226 = arith.addi %mul3A_188, %add3A_225 : vector<16xi32>
      %gather3A_227 = tpu.vector_load_idx %arg8[%add3A_226] : memref<2080xf32, #tpu.memory_space<vmem>>[vector<16xi32>], vector<16xf32>,
      %add3A_228 = vector.broadcast %scan3A_224 : i32 to vector<16xi32>
      %add3A_229 = arith.addi %mul3A_191, %add3A_228 : vector<16xi32>
      %gather3A_230 = tpu.vector_load_idx %arg8[%add3A_229] : memref<2080xf32, #tpu.memory_space<vmem>>[vector<16xi32>], vector<16xf32>,
      %add3A_231 = vector.broadcast %scan3A_224 : i32 to vector<16xi32>
      %add3A_232 = arith.addi %mul3A_181, %add3A_231 : vector<16xi32>
      %gather3A_233 = tpu.vector_load_idx %arg7[%add3A_232] : memref<4160xf32, #tpu.memory_space<vmem>>[vector<16xi32>], vector<16xf32>,
      %add3A_234 = vector.broadcast %scan3A_224 : i32 to vector<16xi32>
      %add3A_235 = arith.addi %mul3A_181, %add3A_234 : vector<16xi32>
      %mul3A_236 = arith.mulf %div3A_209, %gather3A_227 : vector<16xf32>
      %sub3A_237 = arith.subf %gather3A_233, %mul3A_236 : vector<16xf32>
      %mul3A_238 = arith.mulf %div3A_215, %gather3A_230 : vector<16xf32>
      %sub3A_239 = arith.subf %sub3A_237, %mul3A_238 : vector<16xf32>
      tpu.vector_store_idx %arg7[%add3A_235], %sub3A_239 : memref<4160xf32, #tpu.memory_space<vmem>>[vector<16xi32>], vector<16xf32>,
      %scan3A_240 = arith.constant 1 : i32
      %scan3A_241 = arith.addi %scan3A_224, %scan3A_240 : i32
      %add3A_242 = vector.broadcast %scan3A_241 : i32 to vector<16xi32>
      %add3A_243 = arith.addi %mul3A_188, %add3A_242 : vector<16xi32>
      %gather3A_244 = tpu.vector_load_idx %arg8[%add3A_243] : memref<2080xf32, #tpu.memory_space<vmem>>[vector<16xi32>], vector<16xf32>,
      %add3A_245 = vector.broadcast %scan3A_241 : i32 to vector<16xi32>
      %add3A_246 = arith.addi %mul3A_191, %add3A_245 : vector<16xi32>
      %gather3A_247 = tpu.vector_load_idx %arg8[%add3A_246] : memref<2080xf32, #tpu.memory_space<vmem>>[vector<16xi32>], vector<16xf32>,
      %add3A_248 = vector.broadcast %scan3A_241 : i32 to vector<16xi32>
      %add3A_249 = arith.addi %mul3A_181, %add3A_248 : vector<16xi32>
      %gather3A_250 = tpu.vector_load_idx %arg7[%add3A_249] : memref<4160xf32, #tpu.memory_space<vmem>>[vector<16xi32>], vector<16xf32>,
      %add3A_251 = vector.broadcast %scan3A_241 : i32 to vector<16xi32>
      %add3A_252 = arith.addi %mul3A_181, %add3A_251 : vector<16xi32>
      %mul3A_253 = arith.mulf %div3A_209, %gather3A_244 : vector<16xf32>
      %sub3A_254 = arith.subf %gather3A_250, %mul3A_253 : vector<16xf32>
      %mul3A_255 = arith.mulf %div3A_215, %gather3A_247 : vector<16xf32>
      %sub3A_256 = arith.subf %sub3A_254, %mul3A_255 : vector<16xf32>
      tpu.vector_store_idx %arg7[%add3A_252], %sub3A_256 : memref<4160xf32, #tpu.memory_space<vmem>>[vector<16xi32>], vector<16xf32>,
      %scan3A_257 = arith.constant 2 : i32
      %scan3A_258 = arith.addi %scan3A_224, %scan3A_257 : i32
      %add3A_259 = vector.broadcast %scan3A_258 : i32 to vector<16xi32>
      %add3A_260 = arith.addi %mul3A_188, %add3A_259 : vector<16xi32>
      %gather3A_261 = tpu.vector_load_idx %arg8[%add3A_260] : memref<2080xf32, #tpu.memory_space<vmem>>[vector<16xi32>], vector<16xf32>,
      %add3A_262 = vector.broadcast %scan3A_258 : i32 to vector<16xi32>
      %add3A_263 = arith.addi %mul3A_191, %add3A_262 : vector<16xi32>
      %gather3A_264 = tpu.vector_load_idx %arg8[%add3A_263] : memref<2080xf32, #tpu.memory_space<vmem>>[vector<16xi32>], vector<16xf32>,
      %add3A_265 = vector.broadcast %scan3A_258 : i32 to vector<16xi32>
      %add3A_266 = arith.addi %mul3A_181, %add3A_265 : vector<16xi32>
      %gather3A_267 = tpu.vector_load_idx %arg7[%add3A_266] : memref<4160xf32, #tpu.memory_space<vmem>>[vector<16xi32>], vector<16xf32>,
      %add3A_268 = vector.broadcast %scan3A_258 : i32 to vector<16xi32>
      %add3A_269 = arith.addi %mul3A_181, %add3A_268 : vector<16xi32>
      %mul3A_270 = arith.mulf %div3A_209, %gather3A_261 : vector<16xf32>
      %sub3A_271 = arith.subf %gather3A_267, %mul3A_270 : vector<16xf32>
      %mul3A_272 = arith.mulf %div3A_215, %gather3A_264 : vector<16xf32>
      %sub3A_273 = arith.subf %sub3A_271, %mul3A_272 : vector<16xf32>
      tpu.vector_store_idx %arg7[%add3A_269], %sub3A_273 : memref<4160xf32, #tpu.memory_space<vmem>>[vector<16xi32>], vector<16xf32>,
      %scan3A_274 = arith.constant 3 : i32
      %scan3A_275 = arith.addi %scan3A_224, %scan3A_274 : i32
      %add3A_276 = vector.broadcast %scan3A_275 : i32 to vector<16xi32>
      %add3A_277 = arith.addi %mul3A_188, %add3A_276 : vector<16xi32>
      %gather3A_278 = tpu.vector_load_idx %arg8[%add3A_277] : memref<2080xf32, #tpu.memory_space<vmem>>[vector<16xi32>], vector<16xf32>,
      %add3A_279 = vector.broadcast %scan3A_275 : i32 to vector<16xi32>
      %add3A_280 = arith.addi %mul3A_191, %add3A_279 : vector<16xi32>
      %gather3A_281 = tpu.vector_load_idx %arg8[%add3A_280] : memref<2080xf32, #tpu.memory_space<vmem>>[vector<16xi32>], vector<16xf32>,
      %add3A_282 = vector.broadcast %scan3A_275 : i32 to vector<16xi32>
      %add3A_283 = arith.addi %mul3A_181, %add3A_282 : vector<16xi32>
      %gather3A_284 = tpu.vector_load_idx %arg7[%add3A_283] : memref<4160xf32, #tpu.memory_space<vmem>>[vector<16xi32>], vector<16xf32>,
      %add3A_285 = vector.broadcast %scan3A_275 : i32 to vector<16xi32>
      %add3A_286 = arith.addi %mul3A_181, %add3A_285 : vector<16xi32>
      %mul3A_287 = arith.mulf %div3A_209, %gather3A_278 : vector<16xf32>
      %sub3A_288 = arith.subf %gather3A_284, %mul3A_287 : vector<16xf32>
      %mul3A_289 = arith.mulf %div3A_215, %gather3A_281 : vector<16xf32>
      %sub3A_290 = arith.subf %sub3A_288, %mul3A_289 : vector<16xf32>
      tpu.vector_store_idx %arg7[%add3A_286], %sub3A_290 : memref<4160xf32, #tpu.memory_space<vmem>>[vector<16xi32>], vector<16xf32>,
      %scan3A_291 = arith.constant 4 : i32
      %scan3A_292 = arith.addi %scan3A_224, %scan3A_291 : i32
      %add3A_293 = vector.broadcast %scan3A_292 : i32 to vector<16xi32>
      %add3A_294 = arith.addi %mul3A_188, %add3A_293 : vector<16xi32>
      %gather3A_295 = tpu.vector_load_idx %arg8[%add3A_294] : memref<2080xf32, #tpu.memory_space<vmem>>[vector<16xi32>], vector<16xf32>,
      %add3A_296 = vector.broadcast %scan3A_292 : i32 to vector<16xi32>
      %add3A_297 = arith.addi %mul3A_191, %add3A_296 : vector<16xi32>
      %gather3A_298 = tpu.vector_load_idx %arg8[%add3A_297] : memref<2080xf32, #tpu.memory_space<vmem>>[vector<16xi32>], vector<16xf32>,
      %add3A_299 = vector.broadcast %scan3A_292 : i32 to vector<16xi32>
      %add3A_300 = arith.addi %mul3A_181, %add3A_299 : vector<16xi32>
      %gather3A_301 = tpu.vector_load_idx %arg7[%add3A_300] : memref<4160xf32, #tpu.memory_space<vmem>>[vector<16xi32>], vector<16xf32>,
      %add3A_302 = vector.broadcast %scan3A_292 : i32 to vector<16xi32>
      %add3A_303 = arith.addi %mul3A_181, %add3A_302 : vector<16xi32>
      %mul3A_304 = arith.mulf %div3A_209, %gather3A_295 : vector<16xf32>
      %sub3A_305 = arith.subf %gather3A_301, %mul3A_304 : vector<16xf32>
      %mul3A_306 = arith.mulf %div3A_215, %gather3A_298 : vector<16xf32>
      %sub3A_307 = arith.subf %sub3A_305, %mul3A_306 : vector<16xf32>
      tpu.vector_store_idx %arg7[%add3A_303], %sub3A_307 : memref<4160xf32, #tpu.memory_space<vmem>>[vector<16xi32>], vector<16xf32>,
      %scan3A_308 = arith.constant 5 : i32
      %scan3A_309 = arith.addi %scan3A_224, %scan3A_308 : i32
      %add3A_310 = vector.broadcast %scan3A_309 : i32 to vector<16xi32>
      %add3A_311 = arith.addi %mul3A_188, %add3A_310 : vector<16xi32>
      %gather3A_312 = tpu.vector_load_idx %arg8[%add3A_311] : memref<2080xf32, #tpu.memory_space<vmem>>[vector<16xi32>], vector<16xf32>,
      %add3A_313 = vector.broadcast %scan3A_309 : i32 to vector<16xi32>
      %add3A_314 = arith.addi %mul3A_191, %add3A_313 : vector<16xi32>
      %gather3A_315 = tpu.vector_load_idx %arg8[%add3A_314] : memref<2080xf32, #tpu.memory_space<vmem>>[vector<16xi32>], vector<16xf32>,
      %add3A_316 = vector.broadcast %scan3A_309 : i32 to vector<16xi32>
      %add3A_317 = arith.addi %mul3A_181, %add3A_316 : vector<16xi32>
      %gather3A_318 = tpu.vector_load_idx %arg7[%add3A_317] : memref<4160xf32, #tpu.memory_space<vmem>>[vector<16xi32>], vector<16xf32>,
      %add3A_319 = vector.broadcast %scan3A_309 : i32 to vector<16xi32>
      %add3A_320 = arith.addi %mul3A_181, %add3A_319 : vector<16xi32>
      %mul3A_321 = arith.mulf %div3A_209, %gather3A_312 : vector<16xf32>
      %sub3A_322 = arith.subf %gather3A_318, %mul3A_321 : vector<16xf32>
      %mul3A_323 = arith.mulf %div3A_215, %gather3A_315 : vector<16xf32>
      %sub3A_324 = arith.subf %sub3A_322, %mul3A_323 : vector<16xf32>
      tpu.vector_store_idx %arg7[%add3A_320], %sub3A_324 : memref<4160xf32, #tpu.memory_space<vmem>>[vector<16xi32>], vector<16xf32>,
      %scan3A_325 = arith.constant 6 : i32
      %scan3A_326 = arith.addi %scan3A_224, %scan3A_325 : i32
      %add3A_327 = vector.broadcast %scan3A_326 : i32 to vector<16xi32>
      %add3A_328 = arith.addi %mul3A_188, %add3A_327 : vector<16xi32>
      %gather3A_329 = tpu.vector_load_idx %arg8[%add3A_328] : memref<2080xf32, #tpu.memory_space<vmem>>[vector<16xi32>], vector<16xf32>,
      %add3A_330 = vector.broadcast %scan3A_326 : i32 to vector<16xi32>
      %add3A_331 = arith.addi %mul3A_191, %add3A_330 : vector<16xi32>
      %gather3A_332 = tpu.vector_load_idx %arg8[%add3A_331] : memref<2080xf32, #tpu.memory_space<vmem>>[vector<16xi32>], vector<16xf32>,
      %add3A_333 = vector.broadcast %scan3A_326 : i32 to vector<16xi32>
      %add3A_334 = arith.addi %mul3A_181, %add3A_333 : vector<16xi32>
      %gather3A_335 = tpu.vector_load_idx %arg7[%add3A_334] : memref<4160xf32, #tpu.memory_space<vmem>>[vector<16xi32>], vector<16xf32>,
      %add3A_336 = vector.broadcast %scan3A_326 : i32 to vector<16xi32>
      %add3A_337 = arith.addi %mul3A_181, %add3A_336 : vector<16xi32>
      %mul3A_338 = arith.mulf %div3A_209, %gather3A_329 : vector<16xf32>
      %sub3A_339 = arith.subf %gather3A_335, %mul3A_338 : vector<16xf32>
      %mul3A_340 = arith.mulf %div3A_215, %gather3A_332 : vector<16xf32>
      %sub3A_341 = arith.subf %sub3A_339, %mul3A_340 : vector<16xf32>
      tpu.vector_store_idx %arg7[%add3A_337], %sub3A_341 : memref<4160xf32, #tpu.memory_space<vmem>>[vector<16xi32>], vector<16xf32>,
      %scan3A_342 = arith.constant 7 : i32
      %scan3A_343 = arith.addi %scan3A_224, %scan3A_342 : i32
      %add3A_344 = vector.broadcast %scan3A_343 : i32 to vector<16xi32>
      %add3A_345 = arith.addi %mul3A_188, %add3A_344 : vector<16xi32>
      %gather3A_346 = tpu.vector_load_idx %arg8[%add3A_345] : memref<2080xf32, #tpu.memory_space<vmem>>[vector<16xi32>], vector<16xf32>,
      %add3A_347 = vector.broadcast %scan3A_343 : i32 to vector<16xi32>
      %add3A_348 = arith.addi %mul3A_191, %add3A_347 : vector<16xi32>
      %gather3A_349 = tpu.vector_load_idx %arg8[%add3A_348] : memref<2080xf32, #tpu.memory_space<vmem>>[vector<16xi32>], vector<16xf32>,
      %add3A_350 = vector.broadcast %scan3A_343 : i32 to vector<16xi32>
      %add3A_351 = arith.addi %mul3A_181, %add3A_350 : vector<16xi32>
      %gather3A_352 = tpu.vector_load_idx %arg7[%add3A_351] : memref<4160xf32, #tpu.memory_space<vmem>>[vector<16xi32>], vector<16xf32>,
      %add3A_353 = vector.broadcast %scan3A_343 : i32 to vector<16xi32>
      %add3A_354 = arith.addi %mul3A_181, %add3A_353 : vector<16xi32>
      %mul3A_355 = arith.mulf %div3A_209, %gather3A_346 : vector<16xf32>
      %sub3A_356 = arith.subf %gather3A_352, %mul3A_355 : vector<16xf32>
      %mul3A_357 = arith.mulf %div3A_215, %gather3A_349 : vector<16xf32>
      %sub3A_358 = arith.subf %sub3A_356, %mul3A_357 : vector<16xf32>
      tpu.vector_store_idx %arg7[%add3A_354], %sub3A_358 : memref<4160xf32, #tpu.memory_space<vmem>>[vector<16xi32>], vector<16xf32>,
    }
    %scan3A_221 = arith.constant 64 : i32
    %mul3A_222 = arith.constant 65 : i32
    %mul3A_223 = arith.muli %mul3A_2, %mul3A_222 : i32
    "tpu.region"() ({
      %run_scoped3A = tpu.sem_alloc : memref<!tpu.dma_semaphore, #tpu.memory_space<semaphore_mem>>
      %dma_start3A_224 = tpu.memref_slice %arg6[%mul3A_223] : memref<133120xf32, #tpu.memory_space<hbm>> -> memref<4160xf32, #tpu.memory_space<hbm>>
      %dma_start3A_225 = tpu.memref_slice %arg6[%mul3A_223] : memref<133120xf32, #tpu.memory_space<hbm>> -> memref<4160xf32, #tpu.memory_space<hbm>>
      tpu.enqueue_dma source(%arg7 : memref<4160xf32, #tpu.memory_space<vmem>>) target(%dma_start3A_225 : memref<4160xf32, #tpu.memory_space<hbm>>) target_semaphore(%run_scoped3A : memref<!tpu.dma_semaphore, #tpu.memory_space<semaphore_mem>>)
      %dma_wait3A_226 = tpu.memref_slice %arg6[%mul3A_223] : memref<133120xf32, #tpu.memory_space<hbm>> -> memref<4160xf32, #tpu.memory_space<hbm>>
      %dma_wait3A_227 = tpu.memref_slice %arg6[%mul3A_223] : memref<133120xf32, #tpu.memory_space<hbm>> -> memref<4160xf32, #tpu.memory_space<hbm>>
      tpu.wait_dma2 semaphore(%run_scoped3A : memref<!tpu.dma_semaphore, #tpu.memory_space<semaphore_mem>>) src(%arg7 : memref<4160xf32, #tpu.memory_space<vmem>>) dst(%dma_wait3A_227 : memref<4160xf32, #tpu.memory_space<hbm>>)
      tpu.yield
    }) : () -> ()
    return
  }
}

module attributes {stable_mosaic.version = 14 : i64} {
  func.func @_tc_proj_body(%arg0: memref<2048x65xf32, #tpu.memory_space<vmem>>, %arg1: memref<2048x1xi32, #tpu.memory_space<vmem>>, %arg2: memref<512x1024xf32, #tpu.memory_space<vmem>>, %arg3: memref<2048x1024xf32, #tpu.memory_space<vmem>>) attributes {dimension_semantics = [], scalar_prefetch = 0 : i64, scratch_operands = 0 : i64, tpu.core_type = #tpu.core_type<tc>} {
    %get3A = arith.constant 0 : index
    %get3A_0 = arith.constant 0 : index
    %get3A_1 = vector.load %arg0[%get3A, %get3A_0] : memref<2048x65xf32, #tpu.memory_space<vmem>>, vector<2048x65xf32>
    %slice3A = vector.extract_strided_slice %get3A_1 {offsets = [0, 0], sizes = [2048, 64], strides = [1, 1]} : vector<2048x65xf32> to vector<2048x64xf32>
    %get3A_2 = arith.constant 0 : index
    %get3A_3 = arith.constant 0 : index
    %get3A_4 = vector.load %arg1[%get3A_2, %get3A_3] : memref<2048x1xi32, #tpu.memory_space<vmem>>, vector<2048x1xi32>
    %iota3A = tpu.iota {dimensions = array<i32: 1>} : vector<2048x8xi32>
    %eq3A = vector.broadcast %get3A_4 : vector<2048x1xi32> to vector<2048x8xi32>
    %eq3A_5 = arith.cmpi eq, %eq3A, %iota3A : vector<2048x8xi32>
    %convert_element_type3A = arith.extui %eq3A_5 : vector<2048x8xi1> to vector<2048x8xi32>
    %convert_element_type3A_6 = arith.sitofp %convert_element_type3A : vector<2048x8xi32> to vector<2048x8xf32>
    %slice3A_7 = vector.extract_strided_slice %convert_element_type3A_6 {offsets = [0, 0], sizes = [2048, 1], strides = [1, 1]} : vector<2048x8xf32> to vector<2048x1xf32>
    %mul3A = vector.broadcast %slice3A_7 : vector<2048x1xf32> to vector<2048x64xf32>
    %mul3A_8 = arith.mulf %slice3A, %mul3A : vector<2048x64xf32>
    %slice3A_9 = vector.extract_strided_slice %convert_element_type3A_6 {offsets = [0, 1], sizes = [2048, 1], strides = [1, 1]} : vector<2048x8xf32> to vector<2048x1xf32>
    %mul3A_10 = vector.broadcast %slice3A_9 : vector<2048x1xf32> to vector<2048x64xf32>
    %mul3A_11 = arith.mulf %slice3A, %mul3A_10 : vector<2048x64xf32>
    %slice3A_12 = vector.extract_strided_slice %convert_element_type3A_6 {offsets = [0, 2], sizes = [2048, 1], strides = [1, 1]} : vector<2048x8xf32> to vector<2048x1xf32>
    %mul3A_13 = vector.broadcast %slice3A_12 : vector<2048x1xf32> to vector<2048x64xf32>
    %mul3A_14 = arith.mulf %slice3A, %mul3A_13 : vector<2048x64xf32>
    %slice3A_15 = vector.extract_strided_slice %convert_element_type3A_6 {offsets = [0, 3], sizes = [2048, 1], strides = [1, 1]} : vector<2048x8xf32> to vector<2048x1xf32>
    %mul3A_16 = vector.broadcast %slice3A_15 : vector<2048x1xf32> to vector<2048x64xf32>
    %mul3A_17 = arith.mulf %slice3A, %mul3A_16 : vector<2048x64xf32>
    %slice3A_18 = vector.extract_strided_slice %convert_element_type3A_6 {offsets = [0, 4], sizes = [2048, 1], strides = [1, 1]} : vector<2048x8xf32> to vector<2048x1xf32>
    %mul3A_19 = vector.broadcast %slice3A_18 : vector<2048x1xf32> to vector<2048x64xf32>
    %mul3A_20 = arith.mulf %slice3A, %mul3A_19 : vector<2048x64xf32>
    %slice3A_21 = vector.extract_strided_slice %convert_element_type3A_6 {offsets = [0, 5], sizes = [2048, 1], strides = [1, 1]} : vector<2048x8xf32> to vector<2048x1xf32>
    %mul3A_22 = vector.broadcast %slice3A_21 : vector<2048x1xf32> to vector<2048x64xf32>
    %mul3A_23 = arith.mulf %slice3A, %mul3A_22 : vector<2048x64xf32>
    %slice3A_24 = vector.extract_strided_slice %convert_element_type3A_6 {offsets = [0, 6], sizes = [2048, 1], strides = [1, 1]} : vector<2048x8xf32> to vector<2048x1xf32>
    %mul3A_25 = vector.broadcast %slice3A_24 : vector<2048x1xf32> to vector<2048x64xf32>
    %mul3A_26 = arith.mulf %slice3A, %mul3A_25 : vector<2048x64xf32>
    %slice3A_27 = vector.extract_strided_slice %convert_element_type3A_6 {offsets = [0, 7], sizes = [2048, 1], strides = [1, 1]} : vector<2048x8xf32> to vector<2048x1xf32>
    %mul3A_28 = vector.broadcast %slice3A_27 : vector<2048x1xf32> to vector<2048x64xf32>
    %mul3A_29 = arith.mulf %slice3A, %mul3A_28 : vector<2048x64xf32>
    %concatenate3A = tpu.concatenate %mul3A_8, %mul3A_11, %mul3A_14, %mul3A_17, %mul3A_20, %mul3A_23, %mul3A_26, %mul3A_29 in 1 : vector<2048x64xf32>, vector<2048x64xf32>, vector<2048x64xf32>, vector<2048x64xf32>, vector<2048x64xf32>, vector<2048x64xf32>, vector<2048x64xf32>, vector<2048x64xf32> -> vector<2048x512xf32>
    %get3A_30 = arith.constant 0 : index
    %get3A_31 = arith.constant 0 : index
    %get3A_32 = vector.load %arg2[%get3A_30, %get3A_31] : memref<512x1024xf32, #tpu.memory_space<vmem>>, vector<512x1024xf32>
    %dot_general3A = arith.constant dense<0.000000e+00> : vector<2048x1024xf32>
    %dot_general3A_33 = tpu.matmul %concatenate3A, %get3A_32, %dot_general3A {dimension_numbers = #tpu.dot_dimension_numbers<[1], [0], [0], [1], [0, 0, 1, 1], [], []>, transpose_lhs_hint = false} : vector<2048x512xf32>, vector<512x1024xf32>, vector<2048x1024xf32> -> vector<2048x1024xf32>
    %swap3A = arith.constant 0 : index
    %swap3A_34 = arith.constant 0 : index
    %swap3A_35 = vector.load %arg3[%swap3A, %swap3A_34] : memref<2048x1024xf32, #tpu.memory_space<vmem>>, vector<2048x1024xf32>
    tpu.vector_store %arg3[%swap3A, %swap3A_34], %dot_general3A_33 {strides = array<i32>} : memref<2048x1024xf32, #tpu.memory_space<vmem>>, vector<2048x1024xf32>,
    return
  }
}

</mosaic_0001>

<sc_bundles>
// kernel: kernel.4.cloned.1.call-start
scs
__scs_entry_jumppad:
0x0: {  	(pc) =	sbr.rel $0x88, $3  }
0x1: {  	(tag) =	ssettag $0x0;
	lr =	simm.s32 $0x1  }
0x2: {  	[smem:$0x3F9C] =	sst lr;
	_ =	strace $0xD0000000  }
0x3: {  	_ = 	snop  }
0x4: {  	_ = 	snop  }
0x5: {  	_ = 	snop  }
0x6: {  	_ = 	snop  }
0x7: {  	_ = 	snop  }
__scs_overlays_trampoline_lowered:
0x8: {  	[smem:$0x3FAB] =	sst s0  }
0x9: {  	[smem:$0x3FAC] =	sst s1  }
0xa: {  	[smem:$0x3FAD] =	sst s2  }
0xb: {  	[smem:$0x3FAE] =	sst s3  }
0xc: {  	[smem:$0x3FAF] =	sst s4  }
0xd: {  	[smem:$0x3FB0] =	sst s5  }
0xe: {  	[smem:$0x3FB1] =	sst s6  }
0xf: {  	[smem:$0x3FB2] =	sst s7  }
0x10: {  	[smem:$0x3FB3] =	sst s8  }
0x11: {  	[smem:$0x3FB4] =	sst s9;
	s0 =	simm.s32 @!p0 $0x0  }
0x12: {  	s1 =	sld [smem:$0x3F9A];
	s0 =	simm.s32 @p0 $0x1  }
0x13: {  	[smem:$0x3FB5] =	sst s0;
	s0 =	simm.s32 @!p1 $0x0  }
0x14: {  	s2 =	sld [smem:$0x3F99];
	s0 =	simm.s32 @p1 $0x1  }
0x15: {  	[smem:$0x3FB6] =	sst s0;
	s0 =	simm.s32 @!p2 $0x0  }
0x16: {  	s3 =	sld [smem:$0x3FDB];
	s0 =	simm.s32 @p2 $0x1  }
0x17: {  	s4 =	simm.s32 $0x1BF5;
	[smem:$0x3FB8] =	sst s0  }
0x18: {  	s0 =	sld [smem:$0x3F9B];
	_ =	swait.ge [sflag:s4], $0x0  }
0x19: {  	s7 =	sld [smem:$0x3F9C]  }
0x1a: {  	s8 =	sadd.s32 $0xFFFFE003, lr  }
0x1b: {  	s9 =	sadd.s32 $0xFFFFFEF7, lr;
	s5 =	simm.s32 $0xFFFFFFFF;
	p2 =	slt.u32 s8, $0xFFFFF086  }
0x1c: {  	p1 =	slt.u32 s9, $0xF7A;
	s5 =	simm.s32 @!p2 $0x0  }
0x1d: {  	s5 =	simm.s32 @p1 $0x1;
	p0 =	seq.s32 s7, s2  }
0x1e: {  	s7 =	smul.u32 @!p0 $0xF7A, s2;
	p2 =	seq.s32 @!p0 s5, $0x0  }
0x1f: {  	s9 =	smul.u32 $0xF7A, s1;
	s8 =	simm.s32 @!p0 $0x1BF5;
	p2 =	por !p2, p0  }
0x20: {  	[sflag:s8] =	ssyncset.s32 @!p0 $0xFFFFF086;
	s6 =	sadd.s32 @!p0 s3, s7;
	s7 =	simm.s32 @!p0 $0x108  }
0x21: {  	s3 =	sadd.s32 s3, s9;
	s6 =	sadd.s32 @!p0 $0x88, s6;
	s7 =	simm.s32 @p2 $0x1082  }
0x22: {  	[simem:s7], [sflag:s8] =	dma.local @!p0 [hbm:s6], $0xF7A  }
0x23: {  	s9 =	sor.u32 $0xD0000000, s2;
	s6 =	simm.s32 $0x108;
	_ =	swait.ge @!p0 [sflag:s8], $0x0  }
0x24: {  	s3 =	sadd.s32 $0x88, s3;
	s6 =	simm.s32 @!p1 $0x1082;
	[sflag:s4] =	ssyncset.s32 $0xFFFFF086  }
0x25: {  	[simem:s6], [sflag:s4] =	dma.local [hbm:s3], $0xF7A  }
0x26: {  	[smem:$0x3F9C] =	sst s1;
	(tag) =	ssettag s2;
	_ =	strace s9  }
0x27: {  	s1 =	sld [smem:$0x3FAC]  }
0x28: {  	s2 =	sld [smem:$0x3FAD]  }
0x29: {  	s4 =	sld [smem:$0x3FAF]  }
0x2a: {  	p0 =	seq.s32 s5, $0x0;
	s5 =	sld [smem:$0x3FB0]  }
0x2b: {  	s6 =	sld [smem:$0x3FB1]  }
0x2c: {  	s7 =	sld [smem:$0x3FB2]  }
0x2d: {  	s3 =	simm.s32 $0x108;
	s8 =	sld [smem:$0x3FB3]  }
0x2e: {  	s3 =	simm.s32 @!p0 $0x1082;
	s9 =	sld [smem:$0x3FB4]  }
0x2f: {  	lr =	sadd.s32 s0, s3;
	s0 =	sld [smem:$0x3FAB]  }
0x30: {  	s3 =	sld [smem:$0x3FAE]  }
0x31: {  	[smem:$0x3FB7] =	sst s10  }
0x32: {  	s10 =	sld [smem:$0x3FB5];
	_ =	sdelay $0x3  }
0x33: {  	p0 =	seq.s32 s10, $0x1;
	s10 =	sld [smem:$0x3FB7];
	_ =	sdelay $0x3  }
0x34: {  	[smem:$0x3FB7] =	sst s10  }
0x35: {  	s10 =	sld [smem:$0x3FB6];
	_ =	sdelay $0x3  }
0x36: {  	p1 =	seq.s32 s10, $0x1;
	s10 =	sld [smem:$0x3FB7];
	_ =	sdelay $0x3  }
0x37: {  	[smem:$0x3FB7] =	sst s10  }
0x38: {  	s10 =	sld [smem:$0x3FB8]  }
0x39: {  	_ = 	snop;
	(pc) =	sbr.ind lr, $3  }
0x3a: {  	_ = 	snop  }
0x3b: {  	_ = 	snop  }
0x3c: {  	p2 =	seq.s32 s10, $0x1;
	s10 =	sld [smem:$0x3FB7]  }
0x3d: {  	_ =	shalt  }
0x3e: {  	_ =	shalt  }
0x3f: {  	_ =	shalt  }
0x40: {  	_ =	shalt  }
0x41: {  	_ =	shalt  }
0x42: {  	_ =	shalt  }
0x43: {  	_ =	shalt  }
0x44: {  	_ =	shalt  }
0x45: {  	_ =	shalt  }
0x46: {  	_ =	shalt  }
0x47: {  	_ =	shalt  }
0x48: {  	_ =	shalt  }
0x49: {  	_ =	shalt  }
0x4a: {  	_ =	shalt  }
0x4b: {  	_ =	shalt  }
0x4c: {  	_ =	shalt  }
0x4d: {  	_ =	shalt  }
0x4e: {  	_ =	shalt  }
0x4f: {  	_ =	shalt  }
0x50: {  	_ =	shalt  }
0x51: {  	_ =	shalt  }
0x52: {  	_ =	shalt  }
0x53: {  	_ =	shalt  }
0x54: {  	_ =	shalt  }
0x55: {  	_ =	shalt  }
0x56: {  	_ =	shalt  }
0x57: {  	_ =	shalt  }
0x58: {  	_ =	shalt  }
0x59: {  	_ =	shalt  }
0x5a: {  	_ =	shalt  }
0x5b: {  	_ =	shalt  }
0x5c: {  	_ =	shalt  }
0x5d: {  	_ =	shalt  }
0x5e: {  	_ =	shalt  }
0x5f: {  	_ =	shalt  }
0x60: {  	_ =	shalt  }
0x61: {  	_ =	shalt  }
0x62: {  	_ =	shalt  }
0x63: {  	_ =	shalt  }
0x64: {  	_ =	shalt  }
0x65: {  	_ =	shalt  }
0x66: {  	_ =	shalt  }
0x67: {  	_ =	shalt  }
0x68: {  	_ =	shalt  }
0x69: {  	_ =	shalt  }
0x6a: {  	_ =	shalt  }
0x6b: {  	_ =	shalt  }
0x6c: {  	_ =	shalt  }
0x6d: {  	_ =	shalt  }
0x6e: {  	_ =	shalt  }
0x6f: {  	_ =	shalt  }
0x70: {  	_ =	shalt  }
0x71: {  	_ =	shalt  }
0x72: {  	_ =	shalt  }
0x73: {  	_ =	shalt  }
0x74: {  	_ =	shalt  }
0x75: {  	_ =	shalt  }
0x76: {  	_ =	shalt  }
0x77: {  	_ =	shalt  }
0x78: {  	_ =	shalt  }
0x79: {  	_ =	shalt  }
0x7a: {  	_ =	shalt  }
0x7b: {  	_ =	shalt  }
0x7c: {  	_ =	shalt  }
0x7d: {  	_ =	shalt  }
0x7e: {  	_ =	shalt  }
0x7f: {  	_ =	shalt  }
0x80: {  	_ =	shalt  }
0x81: {  	_ =	shalt  }
0x82: {  	_ =	shalt  }
0x83: {  	_ =	shalt  }
0x84: {  	_ =	shalt  }
0x85: {  	_ =	shalt  }
0x86: {  	_ =	shalt  }
0x87: {  	_ =	shalt  }
.Lfunc_end0:
.L_simem_size_0:
called_computation_lowered:
.L_overlay_start_0:
0x88: {  	s2 =	sld [smem:$0x3FD9]  }
0x89: {  	s3 =	sld [smem:$0x3FFE];
	_ =	sdelay $0x1  }
0x8a: {  	s1 =	srdreg.scid  }
0x8b: {  	s0 =	sand.u32 $0x1, s1  }
0x8c: {  	s17 =	sshll.u32 s0, $0xA;
	s2 =	sadd.s32 s3, s2  }
0x8d: {  	s2 =	sadd.s32 s2, s17  }
0x8e: {  	[smem:$0x3FC3] =	sst s2  }
0x8f: {  	_ = 	snop  }
0x90: {  	s2 =	sld [smem:$0x3FD0];
	(tm) =	ssettm $0x1  }
0x91: {  	s18 =	sld [smem:$0x3FFB];
	_ =	sdelay $0x3  }
0x92: {  	_ =	strace s18  }
0x93: {  	s3 =	sld [smem:$0x3FFC];
	_ =	sdelay $0x3  }
0x94: {  	_ =	strace s3  }
0x95: {  	s3 =	sld [smem:$0x3FFD];
	_ =	sdelay $0x3  }
0x96: {  	_ =	strace s3  }
0x97: {  	_ =	strace $0x8FFFFFFF  }
0x98: {  	s19 =	sld [smem:$0x3FDB];
	_ =	sdelay $0x1  }
0x99: {  	s4 =	simm.s32 $_scs_section_size  }
0x9a: {  	s5 =	simm.s32 $_size__tile_overlayer_lowered;
	s6 =	simm.s32 $_tile_overlayer_lowered  }
0x9b: {  	s22 =	simm.s32 $0x1BFF;
	s21 =	sshll.u32 s6, $0x1;
	s3 =	sadd.s32 s4, s19  }
0x9c: {  	s7 =	simm.s32 $0x0;
	s20 =	sshll.u32 s5, $0x1;
	s5 =	sadd.s32 s21, s3  }
0x9d: {  	[timem:s7], [sflag:s22] =	dma.local [hbm:s5], s20  }
0x9e: {  	_ =	swait.ge [sflag:s22], s20  }
0x9f: {  	s4 =	ssub.s32 $0x0, s20;
	[sflag:s22] =	ssyncset.done $0x0  }
0xa0: {  	[sflag:s22] =	ssyncadd.s32 s4;
	_ =	sdelay $0x1  }
0xa1: {  	s23 =	simm.s32 $0x1B8B  }
0xa2: {  	_ =	swait.ge [sflag:s23], $0x1  }
0xa3: {  	[sflag:s23] =	ssyncset.done $0x0  }
0xa4: {  	s25 =	simm.s32 $0x1B8E;
	s24 =	sld [smem:$0x3FFE];
	[sflag:s23] =	ssyncadd.s32 $0xFFFFFFFF  }
0xa5: {  	s26 =	simm.s32 $execute0_lowered;
	[smem:$0x3FD2] =	sst s25  }
0xa6: {  	s5 =	sshll.u32 s26, $0x1;
	_ =	strace $0x80000046;
	[dreg:$0x1] =	wrdreg $0xFFFFFFFF  }
0xa7: {  	s28 =	simm.s32 $_size_execute0_lowered;
	s3 =	sadd.s32 s3, s5;
	[dreg:$0x0] =	wrdreg $0x0  }
0xa8: {  	s5 =	sshll.u32 s28, $0x1;
	[dreg:$0x2] =	wrdreg s3  }
0xa9: {  	[dreg:$0x3] =	wrdreg s5  }
0xaa: {  	[dreg:$0x4] =	wrdreg $0xC0  }
0xab: {  	_ =	task [dreg:s7], $0x5FFFF  }
0xac: {  	[dreg:$0x1] =	wrdreg $0xFFFFFFFF  }
0xad: {  	[dreg:$0x0] =	wrdreg $0x60  }
0xae: {  	[dreg:$0x2] =	wrdreg s2  }
0xaf: {  	[dreg:$0x3] =	wrdreg s24  }
0xb0: {  	[dreg:$0x4] =	wrdreg $0x9  }
0xb1: {  	_ =	task.clear_ibuf [dreg:s7], $0x5FFFF;
	_ =	strace $0x90000046  }
0xb2: {  	s29 =	simm.s32 $0x9;
	_ =	strace $0x80000048  }
0xb3: {  	_ =	swait.ge [sflag:s29], $0x1  }
0xb4: {  	[sflag:s29] =	ssyncadd.s32 $0xFFFFFFFF  }
0xb5: {  	_ =	strace $0x90000048  }
0xb6: {  	_ =	sfence  }
0xb7: {  	s30 =	sld [smem:$0x0];
	_ =	sdelay $0x2  }
0xb8: {  	s31 =	sshll.u32 s1, $0xD;
	s1 =	sshrl.u32 s1, $0x2  }
0xb9: {  	s3 =	sand.u32 $0x4000, s31;
	s1 =	sadd.s32 s1, s30  }
0xba: {  	s0 =	sor.u32 s3, s0;
	s1 =	sshll.u32 s1, $0x11  }
0xbb: {  	s0 =	sor.u32 s1, s0  }
0xbc: {  	s0 =	sadd.s32 $0x8F2B, s0  }
0xbd: {  	[sflag:s0] =	ssyncadd.remote.s32 $0x1  }
0xbe: {  	_ =	sfence.sel $0xFFFF  }
0xbf: {  	[dreg:$0x0] =	wrdreg $0xFFFFFFFF;
	(pc) =	sbr.abs _section_cstart, $3  }
0xc0: {  	[dreg:$0x1] =	wrdreg $0xFFFFFFFF  }
0xc1: {  	_ =	task.clear_ibuf [dreg:s7], $0x2FFFF;
	_ =	strace $0x9FFFFFFF  }
0xc2: {  	(tm) =	ssettm $0x7FFFFFFF  }
0xc3: {  	_ =	shalt  }
tec
execute0_lowered:
.L_overlay_start_1:
0x0: {  	(tag) =	ssettag $0x1  }
0x1: {  	s4 =	rddreg [dreg:$0x0]  }
0x2: {  	s5 =	rddreg [dreg:$0x1]  }
0x3: {  	s1 =	srdreg.scid;
	s0 =	rddreg [dreg:$0x2]  }
0x4: {  	s2 =	simm.s32 $0x0;
	s11 =	simm.s32 $0x1980;
	s12 =	simm.s32 $0x1  }
0x5: {  	s13 =	simm.s32 $0x1A00;
	s14 =	simm.s32 $0x2;
	s15 =	simm.s32 $0x0  }
0x6: {  	s3 =	sand.u32 $0x1, s1;
	s1 =	stileid.u32;
	[smem:$0x7FF] =	sst s2  }
0x7: {  	s6 =	sshll.u32 s3, $0x4;
	s8 =	ssub.s32 $0x2, s3;
	_ =	strace $0x80000047  }
0x8: {  	s3 =	sadd.s32 $0xA00, s5;
	s6 =	sor.u32 s1, s6;
	s9 =	sshrl.u32 s8, $0x1  }
0x9: {  	v0 =	vlaneseq.u32;
	s7 =	sshll.u32 s6, $0x3;
	s6 =	smul.u32 $0x208, s6;
	s8 =	ssub.s32 s8, s9  }
0xa: {  	v0 =	vmul.u32 $0x41, v0;
	s9 =	simm.s32 $0x1080;
	s7 =	sadd.s32 s7, s5;
	s8 =	smax.u32 s8, $0x1  }
0xb: {  	s10 =	sadd.s32 s6, s5;
	s4 =	sadd.s32 s4, s6;
	s5 =	sadd.s32 $0xE00, s7  }
0xc: {  	v1 =	vadd.s32 $0x410, v0;
	s6 =	sadd.s32 $0xC00, s7;
	s7 =	sadd.s32 $0x1000, s10;
	s10 =	simm.s32 $0x1900  }
.LBB2_1:
0xd: {  	[tilespmem:s9], [sflag:$0x1] =	stream.linear.gather [hbm4b:s3+s2], $0x880, $0x38;
	[tilespmem:$0x1A80] =	vst v63  }
0xe: {  	_ = 	snop  }
0xf: {  	[tilespmem:s2], [sflag:$0x1] =	stream.linear.gather [hbm4b:s4+s2], $0x1040, $0x38;
	[tilespmem:$0x1A80] =	vst v63  }
0x10: {  	_ = 	snop  }
0x11: {  	[tilespmem:s10], [sflag:$0x1] =	stream.linear.gather [hbm4b:s5+s2], $0x40, $0x38;
	[tilespmem:$0x1A80] =	vst v63  }
0x12: {  	v2 =	vadd.s32 s2, v0  }
0x13: {  	[tilespmem:s11], [sflag:$0x1] =	stream.linear.gather [hbm4b:s6+s2], $0x40, $0x38;
	[tilespmem:$0x1A80] =	vst v63  }
0x14: {  	s16 =	simm.s32 $0x1;
	_ =	swait.ge [sflag:s12], $0x880  }
0x15: {  	v3 =	vadd.s32 s16, v0;
	[sflag:s12] =	ssyncset.done $0x0  }
0x16: {  	s26 =	simm.s32 $0x2;
	[sflag:s12] =	ssyncadd.s32 $0xFFFFF780  }
0x17: {  	v4 =	vadd.s32 s26, v0;
	v2 =	vld.idx.msk [tilespmem:v2+s9+$0x0], $0xffff  }
0x18: {  	s28 =	simm.s32 $0x3  }
0x19: {  	v5 =	vadd.s32 s28, v0  }
0x1a: {  	s29 =	simm.s32 $0x4;
	v3 =	vld.idx.msk [tilespmem:v3+s9+$0x0], $0xffff  }
0x1b: {  	v7 =	vadd.s32 s29, v0  }
0x1c: {  	s30 =	simm.s32 $0x5;
	v9 =	vld.idx.msk [tilespmem:v4+s9+$0x0], $0xffff;
	v4 =	vmul.f32 v2, v2  }
0x1d: {  	v6 =	vimm.f32 $0.0e+00;
	s31 =	simm.s32 $0x6;
	v10 =	vadd.s32 s30, v0  }
0x1e: {  	v2 =	vld.idx.msk [tilespmem:v5+s9+$0x0], $0xffff;
	v8 =	vadd.f32 v4, v6;
	v6 =	vadd.s32 s31, v0  }
0x1f: {  	s17 =	simm.s32 $0x7;
	v3 =	vmul.f32 v3, v3  }
0x20: {  	v5 =	vadd.s32 s17, v0;
	v4 =	vld.idx.msk [tilespmem:v7+s9+$0x0], $0xffff  }
0x21: {  	s16 =	simm.s32 $0x8;
	v9 =	vmul.f32 v9, v9;
	v8 =	vadd.f32 v3, v8  }
0x22: {  	s17 =	simm.s32 $0x10;
	v7 =	vadd.s32 s16, v0;
	v3 =	vld.idx.msk [tilespmem:v10+s9+$0x0], $0xffff  }
.LBB2_2:
0x23: {  	p0 =	slt.u32 s17, $0x38;
	s18 =	sadd.s32 $0x1, s16;
	v8 =	vadd.f32 v9, v8;
	v2 =	vmul.f32 v2, v2;
	v6 =	vld.idx.msk [tilespmem:v6+s9+$0x0], $0xffff  }
0x24: {  	v9 =	vadd.s32 s18, v0  }
0x25: {  	s18 =	sadd.s32 $0x2, s16;
	v4 =	vmul.f32 v4, v4;
	v2 =	vadd.f32 v2, v8;
	v5 =	vld.idx.msk [tilespmem:v5+s9+$0x0], $0xffff  }
0x26: {  	v8 =	vadd.s32 s18, v0  }
0x27: {  	s18 =	sadd.s32 $0x3, s16;
	v3 =	vmul.f32 v3, v3;
	v7 =	vld.idx.msk [tilespmem:v7+s9+$0x0], $0xffff;
	v2 =	vadd.f32 v4, v2  }
0x28: {  	v4 =	vadd.s32 s18, v0  }
0x29: {  	s18 =	sadd.s32 $0x4, s16;
	v9 =	vld.idx.msk [tilespmem:v9+s9+$0x0], $0xffff;
	v2 =	vadd.f32 v3, v2;
	v3 =	vmul.f32 v6, v6  }
0x2a: {  	v10 =	vadd.s32 s18, v0  }
0x2b: {  	s18 =	sadd.s32 $0x5, s16;
	v5 =	vmul.f32 v5, v5;
	v11 =	vld.idx.msk [tilespmem:v8+s9+$0x0], $0xffff;
	v3 =	vadd.f32 v3, v2  }
0x2c: {  	v12 =	vadd.s32 s18, v0  }
0x2d: {  	s18 =	sadd.s32 $0x6, s16;
	v7 =	vmul.f32 v7, v7;
	v2 =	vld.idx.msk [tilespmem:v4+s9+$0x0], $0xffff;
	v3 =	vadd.f32 v5, v3  }
.Ltmp0:
0x2e: {  	v6 =	vadd.s32 s18, v0;
	(pc) =	sbr.rel @p0 .LBB2_2-.Ltmp0, $4  }
0x2f: {  	s18 =	sadd.s32 $0x7, s16;
	s16 =	smov.u32 s17;
	v3 =	vadd.f32 v7, v3;
	v7 =	vmul.f32 v9, v9;
	v4 =	vld.idx.msk [tilespmem:v10+s9+$0x0], $0xffff  }
0x30: {  	v5 =	vadd.s32 s18, v0  }
0x31: {  	v9 =	vmul.f32 v11, v11;
	v8 =	vadd.f32 v7, v3;
	v3 =	vld.idx.msk [tilespmem:v12+s9+$0x0], $0xffff  }
0x32: {  	s17 =	sadd.s32 $0x8, s17;
	v7 =	vadd.s32 s16, v0  }
0x33: {  	_ =	sdelay $0x2  }
0x34: {  	v8 =	vadd.f32 v9, v8;
	v2 =	vmul.f32 v2, v2  }
0x35: {  	s17 =	sadd.s32 $0x1, s16;
	v6 =	vld.idx.msk [tilespmem:v6+s9+$0x0], $0xffff  }
0x36: {  	v9 =	vadd.s32 s17, v0;
	v4 =	vmul.f32 v4, v4;
	v2 =	vadd.f32 v2, v8  }
0x37: {  	s31 =	sadd.s32 $0x2, s16;
	v5 =	vld.idx.msk [tilespmem:v5+s9+$0x0], $0xffff  }
0x38: {  	v8 =	vadd.s32 s31, v0;
	v3 =	vmul.f32 v3, v3;
	v2 =	vadd.f32 v4, v2  }
0x39: {  	s18 =	sadd.s32 $0x3, s16;
	v4 =	vld.idx.msk [tilespmem:v7+s9+$0x0], $0xffff  }
0x3a: {  	v7 =	vadd.s32 s18, v0;
	v2 =	vadd.f32 v3, v2;
	v3 =	vmul.f32 v6, v6  }
0x3b: {  	s19 =	sadd.s32 $0x4, s16;
	v6 =	vld.idx.msk [tilespmem:v9+s9+$0x0], $0xffff  }
0x3c: {  	v9 =	vadd.s32 s19, v0;
	v2 =	vadd.f32 v3, v2;
	v3 =	vmul.f32 v5, v5  }
0x3d: {  	s20 =	sadd.s32 $0x5, s16;
	v5 =	vld.idx.msk [tilespmem:v8+s9+$0x0], $0xffff  }
0x3e: {  	v8 =	vadd.s32 s20, v0;
	v4 =	vmul.f32 v4, v4;
	v2 =	vadd.f32 v3, v2  }
0x3f: {  	s21 =	sadd.s32 $0x6, s16;
	v3 =	vld.idx.msk [tilespmem:v7+s9+$0x0], $0xffff  }
0x40: {  	v7 =	vadd.s32 s21, v0;
	v2 =	vadd.f32 v4, v2;
	v4 =	vmul.f32 v6, v6  }
0x41: {  	s22 =	sadd.s32 $0x7, s16;
	v6 =	vld.idx.msk [tilespmem:v9+s9+$0x0], $0xffff  }
0x42: {  	v9 =	vadd.s32 s22, v0;
	v2 =	vadd.f32 v4, v2;
	v4 =	vmul.f32 v5, v5  }
0x43: {  	v5 =	vld.idx.msk [tilespmem:v8+s9+$0x0], $0xffff  }
0x44: {  	v3 =	vmul.f32 v3, v3;
	v2 =	vadd.f32 v4, v2  }
0x45: {  	v4 =	vld.idx.msk [tilespmem:v7+s9+$0x0], $0xffff  }
0x46: {  	v2 =	vadd.f32 v3, v2;
	v3 =	vmul.f32 v6, v6  }
0x47: {  	v6 =	vld.idx.msk [tilespmem:v9+s9+$0x0], $0xffff  }
0x48: {  	v2 =	vadd.f32 v3, v2;
	v3 =	vmul.f32 v5, v5;
	_ =	sdelay $0x1  }
0x49: {  	v2 =	vadd.f32 v3, v2;
	v3 =	vmul.f32 v4, v4  }
0x4a: {  	s23 =	simm.s32 $0x0  }
0x4b: {  	v4 =	vadd.s32 s23, v1;
	v2 =	vadd.f32 v3, v2;
	v3 =	vmul.f32 v6, v6;
	_ =	sdelay $0x1  }
0x4c: {  	s24 =	simm.s32 $0x1;
	v2 =	vadd.f32 v3, v2  }
0x4d: {  	v3 =	vadd.s32 s24, v1  }
0x4e: {  	s25 =	simm.s32 $0x2;
	[tilespmem:$0x1A00] =	vst v2  }
0x4f: {  	v2 =	vadd.s32 s25, v1;
	v4 =	vld.idx.msk [tilespmem:v4+s9+$0x0], $0xffff  }
0x50: {  	s26 =	simm.s32 $0x3  }
0x51: {  	v5 =	vadd.s32 s26, v1  }
0x52: {  	s28 =	simm.s32 $0x4;
	v3 =	vld.idx.msk [tilespmem:v3+s9+$0x0], $0xffff  }
0x53: {  	v7 =	vadd.s32 s28, v1  }
0x54: {  	s29 =	simm.s32 $0x5;
	v9 =	vld.idx.msk [tilespmem:v2+s9+$0x0], $0xffff;
	v4 =	vmul.f32 v4, v4  }
0x55: {  	s30 =	simm.s32 $0x6;
	v10 =	vadd.s32 s29, v1;
	v6 =	vimm.f32 $0.0e+00  }
0x56: {  	v2 =	vld.idx.msk [tilespmem:v5+s9+$0x0], $0xffff;
	v8 =	vadd.f32 v4, v6;
	v6 =	vadd.s32 s30, v1  }
0x57: {  	s31 =	simm.s32 $0x7;
	v3 =	vmul.f32 v3, v3  }
0x58: {  	v5 =	vadd.s32 s31, v1;
	v4 =	vld.idx.msk [tilespmem:v7+s9+$0x0], $0xffff  }
0x59: {  	s16 =	simm.s32 $0x8;
	v8 =	vadd.f32 v3, v8;
	v9 =	vmul.f32 v9, v9  }
0x5a: {  	s17 =	simm.s32 $0x10;
	v7 =	vadd.s32 s16, v1;
	v3 =	vld.idx.msk [tilespmem:v10+s9+$0x0], $0xffff  }
.LBB2_4:
0x5b: {  	p0 =	slt.u32 s17, $0x38;
	s18 =	sadd.s32 $0x1, s16;
	v8 =	vadd.f32 v9, v8;
	v2 =	vmul.f32 v2, v2;
	v6 =	vld.idx.msk [tilespmem:v6+s9+$0x0], $0xffff  }
0x5c: {  	v9 =	vadd.s32 s18, v1  }
0x5d: {  	s18 =	sadd.s32 $0x2, s16;
	v4 =	vmul.f32 v4, v4;
	v2 =	vadd.f32 v2, v8;
	v5 =	vld.idx.msk [tilespmem:v5+s9+$0x0], $0xffff  }
0x5e: {  	v8 =	vadd.s32 s18, v1  }
0x5f: {  	s18 =	sadd.s32 $0x3, s16;
	v3 =	vmul.f32 v3, v3;
	v7 =	vld.idx.msk [tilespmem:v7+s9+$0x0], $0xffff;
	v2 =	vadd.f32 v4, v2  }
0x60: {  	v4 =	vadd.s32 s18, v1  }
0x61: {  	s18 =	sadd.s32 $0x4, s16;
	v9 =	vld.idx.msk [tilespmem:v9+s9+$0x0], $0xffff;
	v2 =	vadd.f32 v3, v2;
	v3 =	vmul.f32 v6, v6  }
0x62: {  	v10 =	vadd.s32 s18, v1  }
0x63: {  	s18 =	sadd.s32 $0x5, s16;
	v5 =	vmul.f32 v5, v5;
	v11 =	vld.idx.msk [tilespmem:v8+s9+$0x0], $0xffff;
	v3 =	vadd.f32 v3, v2  }
0x64: {  	v12 =	vadd.s32 s18, v1  }
0x65: {  	s18 =	sadd.s32 $0x6, s16;
	v7 =	vmul.f32 v7, v7;
	v2 =	vld.idx.msk [tilespmem:v4+s9+$0x0], $0xffff;
	v3 =	vadd.f32 v5, v3  }
.Ltmp1:
0x66: {  	v6 =	vadd.s32 s18, v1;
	(pc) =	sbr.rel @p0 .LBB2_4-.Ltmp1, $4  }
0x67: {  	s18 =	sadd.s32 $0x7, s16;
	s16 =	smov.u32 s17;
	v3 =	vadd.f32 v7, v3;
	v7 =	vmul.f32 v9, v9;
	v4 =	vld.idx.msk [tilespmem:v10+s9+$0x0], $0xffff  }
0x68: {  	v5 =	vadd.s32 s18, v1  }
0x69: {  	v9 =	vmul.f32 v11, v11;
	v8 =	vadd.f32 v7, v3;
	v3 =	vld.idx.msk [tilespmem:v12+s9+$0x0], $0xffff  }
0x6a: {  	s17 =	sadd.s32 $0x8, s17;
	v7 =	vadd.s32 s16, v1  }
0x6b: {  	_ =	sdelay $0x2  }
0x6c: {  	v8 =	vadd.f32 v9, v8;
	v2 =	vmul.f32 v2, v2  }
0x6d: {  	s17 =	sadd.s32 $0x1, s16;
	v6 =	vld.idx.msk [tilespmem:v6+s9+$0x0], $0xffff  }
0x6e: {  	v9 =	vadd.s32 s17, v1;
	v4 =	vmul.f32 v4, v4;
	v2 =	vadd.f32 v2, v8  }
0x6f: {  	s20 =	sadd.s32 $0x2, s16;
	v5 =	vld.idx.msk [tilespmem:v5+s9+$0x0], $0xffff  }
0x70: {  	v8 =	vadd.s32 s20, v1;
	v3 =	vmul.f32 v3, v3;
	v2 =	vadd.f32 v4, v2  }
0x71: {  	s21 =	sadd.s32 $0x3, s16;
	v4 =	vld.idx.msk [tilespmem:v7+s9+$0x0], $0xffff  }
0x72: {  	v7 =	vadd.s32 s21, v1;
	v2 =	vadd.f32 v3, v2;
	v3 =	vmul.f32 v6, v6  }
0x73: {  	s22 =	sadd.s32 $0x4, s16;
	v6 =	vld.idx.msk [tilespmem:v9+s9+$0x0], $0xffff  }
0x74: {  	v9 =	vadd.s32 s22, v1;
	v2 =	vadd.f32 v3, v2;
	v3 =	vmul.f32 v5, v5  }
0x75: {  	s23 =	sadd.s32 $0x5, s16;
	v5 =	vld.idx.msk [tilespmem:v8+s9+$0x0], $0xffff  }
0x76: {  	v8 =	vadd.s32 s23, v1;
	v4 =	vmul.f32 v4, v4;
	v2 =	vadd.f32 v3, v2  }
0x77: {  	s24 =	sadd.s32 $0x6, s16;
	v3 =	vld.idx.msk [tilespmem:v7+s9+$0x0], $0xffff  }
0x78: {  	v7 =	vadd.s32 s24, v1;
	v2 =	vadd.f32 v4, v2;
	v4 =	vmul.f32 v6, v6  }
0x79: {  	s25 =	sadd.s32 $0x7, s16;
	v6 =	vld.idx.msk [tilespmem:v9+s9+$0x0], $0xffff  }
0x7a: {  	v9 =	vadd.s32 s25, v1;
	v2 =	vadd.f32 v4, v2;
	v4 =	vmul.f32 v5, v5  }
0x7b: {  	v5 =	vld.idx.msk [tilespmem:v8+s9+$0x0], $0xffff  }
0x7c: {  	v3 =	vmul.f32 v3, v3;
	v2 =	vadd.f32 v4, v2  }
0x7d: {  	v4 =	vld.idx.msk [tilespmem:v7+s9+$0x0], $0xffff  }
0x7e: {  	v2 =	vadd.f32 v3, v2;
	v3 =	vmul.f32 v6, v6  }
0x7f: {  	v6 =	vld.idx.msk [tilespmem:v9+s9+$0x0], $0xffff  }
0x80: {  	v2 =	vadd.f32 v3, v2;
	v3 =	vmul.f32 v5, v5;
	_ =	sdelay $0x1  }
0x81: {  	v2 =	vadd.f32 v3, v2;
	v3 =	vmul.f32 v4, v4;
	_ =	sdelay $0x1  }
0x82: {  	v2 =	vadd.f32 v3, v2;
	v3 =	vmul.f32 v6, v6;
	_ =	sdelay $0x1  }
0x83: {  	v2 =	vadd.f32 v3, v2;
	_ =	sdelay $0x1  }
0x84: {  	[tilespmem:$0x1A10] =	vst v2  }
0x85: {  	_ =	swait.ge [sflag:s12], $0x1040  }
0x86: {  	[sflag:s12] =	ssyncset.done $0x0  }
0x87: {  	[sflag:s12] =	ssyncadd.s32 $0xFFFFEFC0  }
0x88: {  	_ =	swait.ge [sflag:s12], $0x40  }
0x89: {  	[sflag:s12] =	ssyncset.done $0x0  }
0x8a: {  	[sflag:s12] =	ssyncadd.s32 $0xFFFFFFC0  }
0x8b: {  	_ =	swait.ge [sflag:s12], $0x40  }
0x8c: {  	[sflag:s12] =	ssyncset.done $0x0  }
0x8d: {  	[sflag:s12] =	ssyncadd.s32 $0xFFFFFFC0  }
0x8e: {  	v4 =	vld [tilespmem:$0x1900]  }
0x8f: {  	v6 =	vld [tilespmem:$0x1980]  }
0x90: {  	s26 =	simm.s32 $0x0  }
0x91: {  	s19 =	simm.s32 $0x6;
	v9 =	vadd.s32 s26, v0  }
0x92: {  	v37 =	vadd.s32 s19, v0  }
0x93: {  	v2 =	vmul.u32 $0x41, v4  }
0x94: {  	v3 =	vmul.u32 $0x41, v6  }
0x95: {  	v7 =	vadd.s32 s26, v2  }
0x96: {  	s18 =	simm.s32 $0x7;
	v15 =	vld.idx.msk [tilespmem:v9+s2+$0x0], $0xffff;
	v8 =	vadd.s32 s26, v3  }
0x97: {  	v59 =	vld.idx.msk [tilespmem:v37+s2+$0x0], $0xffff;
	v10 =	vadd.s32 s18, v2  }
0x98: {  	s22 =	simm.s32 $0x5;
	v11 =	vadd.s32 s19, v2;
	v5 =	vld.idx.msk [tilespmem:v4+s13+$0x0], $0xffff  }
0x99: {  	s20 =	simm.s32 $0x4;
	v12 =	vadd.s32 s22, v2;
	v4 =	vld.idx.msk [tilespmem:v6+s13+$0x0], $0xffff  }
0x9a: {  	s28 =	simm.s32 $0x2;
	v13 =	vadd.s32 s20, v2;
	v7 =	vld.idx.msk [tilespmem:v7+s9+$0x0], $0xffff  }
0x9b: {  	s21 =	simm.s32 $0x3;
	v9 =	vadd.s32 s28, v2;
	v8 =	vld.idx.msk [tilespmem:v8+s9+$0x0], $0xffff  }
0x9c: {  	s29 =	simm.s32 $0x1;
	v14 =	vadd.s32 s21, v2;
	v6 =	vld.idx.msk [tilespmem:v10+s9+$0x0], $0xffff  }
0x9d: {  	v10 =	vadd.s32 s29, v2;
	v21 =	vld.idx.msk [tilespmem:v11+s9+$0x0], $0xffff  }
0x9e: {  	v11 =	vadd.s32 s29, v3;
	v17 =	vld.idx.msk [tilespmem:v12+s9+$0x0], $0xffff  }
0x9f: {  	s30 =	simm.s32 $0x8;
	v12 =	vadd.s32 s29, v0;
	v16 =	vld.idx.msk [tilespmem:v13+s9+$0x0], $0xffff  }
0xa0: {  	v19 =	vimm.f32 $0.0e+00;
	v24 =	vadd.s32 s30, v0;
	v22 =	vld.idx.msk [tilespmem:v9+s9+$0x0], $0xffff;
	v9 =	vadd.s32 s28, v0  }
0xa1: {  	v33 =	vadd.s32 s18, v0;
	v35 =	vadd.s32 s20, v0;
	v13 =	vadd.s32 s28, v3;
	v18 =	vld.idx.msk [tilespmem:v14+s9+$0x0], $0xffff  }
0xa2: {  	s17 =	simm.s32 $0xF;
	v41 =	vadd.s32 s22, v0;
	v20 =	vadd.s32 s30, v2;
	v23 =	vadd.s32 s30, v3;
	v25 =	vld.idx.msk [tilespmem:v10+s9+$0x0], $0xffff  }
0xa3: {  	s16 =	simm.s32 $0xE;
	v26 =	vadd.s32 s21, v3;
	v27 =	vadd.s32 s17, v2;
	v28 =	vld.idx.msk [tilespmem:v11+s9+$0x0], $0xffff;
	v11 =	vadd.s32 s21, v0  }
0xa4: {  	v29 =	vadd.s32 s18, v3;
	v30 =	vadd.s32 s16, v2;
	v32 =	vadd.s32 s20, v3;
	s18 =	simm.s32 $0xD;
	v31 =	vld.idx.msk [tilespmem:v12+s2+$0x0], $0xffff  }
0xa5: {  	v36 =	vadd.s32 s19, v3;
	s20 =	simm.s32 $0xB;
	s19 =	simm.s32 $0xC;
	v40 =	vadd.s32 s22, v3;
	v38 =	vadd.s32 s18, v2;
	v39 =	vld.idx.msk [tilespmem:v9+s2+$0x0], $0xffff  }
0xa6: {  	s31 =	simm.s32 $0x9;
	v14 =	vadd.s32 s20, v2;
	v34 =	vld.idx.msk [tilespmem:v13+s9+$0x0], $0xffff;
	v10 =	vadd.s32 s19, v2;
	v42 =	vmul.f32 v15, v7  }
0xa7: {  	v35 =	vld.idx.msk [tilespmem:v35+s2+$0x0], $0xffff;
	v13 =	vadd.s32 s31, v2;
	v9 =	vadd.s32 s31, v3;
	v15 =	vmul.f32 v15, v8  }
0xa8: {  	v7 =	vmul.f32 v8, v7;
	v63 =	vmul.f32 v59, v21;
	v51 =	vadd.f32 v42, v19;
	v43 =	vld.idx.msk [tilespmem:v11+s2+$0x0], $0xffff  }
0xa9: {  	v26 =	vld.idx.msk [tilespmem:v26+s9+$0x0], $0xffff;
	v15 =	vadd.f32 v15, v19;
	v52 =	vmul.f32 v31, v25;
	v31 =	vmul.f32 v31, v28  }
0xaa: {  	v8 =	vld.idx.msk [tilespmem:v32+s9+$0x0], $0xffff;
	v7 =	vadd.f32 v7, v19;
	v19 =	vmul.f32 v28, v25;
	v54 =	vmul.f32 v39, v22  }
0xab: {  	v55 =	vld.idx.msk [tilespmem:v41+s2+$0x0], $0xffff;
	s21 =	simm.s32 $0xA;
	v39 =	vmul.f32 v39, v34;
	v53 =	vadd.f32 v52, v51;
	v15 =	vadd.f32 v31, v15  }
0xac: {  	v12 =	vadd.s32 s21, v2;
	v25 =	vld.idx.msk [tilespmem:v40+s9+$0x0], $0xffff;
	v7 =	vadd.f32 v19, v7;
	v19 =	vmul.f32 v34, v22  }
0xad: {  	v62 =	vld.idx.msk [tilespmem:v33+s2+$0x0], $0xffff;
	v22 =	vadd.f32 v54, v53;
	v60 =	vadd.f32 v39, v15;
	v57 =	vmul.f32 v43, v18  }
0xae: {  	v56 =	vld.idx.msk [tilespmem:v36+s9+$0x0], $0xffff;
	v7 =	vadd.f32 v19, v7;
	v58 =	vmul.f32 v43, v26;
	v18 =	vmul.f32 v26, v18  }
0xaf: {  	v61 =	vmul.f32 v35, v8;
	v19 =	vld.idx.msk [tilespmem:v29+s9+$0x0], $0xffff;
	v26 =	vmul.f32 v35, v16;
	v22 =	vadd.f32 v57, v22  }
0xb0: {  	v8 =	vmul.f32 v8, v16;
	v15 =	vld.idx.msk [tilespmem:v20+s9+$0x0], $0xffff;
	v20 =	vadd.f32 v58, v60;
	v7 =	vadd.f32 v18, v7  }
0xb1: {  	v16 =	vld.idx.msk [tilespmem:v23+s9+$0x0], $0xffff;
	v23 =	vmul.f32 v55, v17;
	v22 =	vadd.f32 v26, v22;
	v26 =	vmul.f32 v55, v25  }
0xb2: {  	v18 =	vld.idx.msk [tilespmem:v24+s2+$0x0], $0xffff;
	v24 =	vadd.f32 v61, v20;
	v8 =	vadd.f32 v8, v7;
	v25 =	vmul.f32 v25, v17  }
0xb3: {  	v11 =	vadd.s32 s31, v0;
	v17 =	vld.idx.msk [tilespmem:v27+s9+$0x0], $0xffff;
	v20 =	vmul.f32 v59, v56;
	v27 =	vadd.f32 v23, v22  }
0xb4: {  	v7 =	vld.idx.msk [tilespmem:v30+s9+$0x0], $0xffff;
	v22 =	vadd.f32 v26, v24;
	v23 =	vadd.f32 v25, v8;
	v25 =	vmul.f32 v56, v21  }
0xb5: {  	s22 =	simm.s32 $0x10;
	v8 =	vld.idx.msk [tilespmem:v38+s9+$0x0], $0xffff;
	v26 =	vmul.f32 v62, v6;
	v21 =	vmul.f32 v62, v19;
	v24 =	vadd.f32 v63, v27  }
.LBB2_6:
0xb6: {  	p0 =	slt.u32 s22, $0x38;
	v27 =	vld.idx.msk [tilespmem:v10+s9+$0x0], $0xffff;
	v10 =	vadd.f32 v20, v22;
	v20 =	vadd.f32 v25, v23;
	v30 =	vmul.f32 v19, v6  }
0xb7: {  	v22 =	vadd.s32 s22, v2;
	v19 =	vadd.s32 s21, v3;
	v23 =	vld.idx.msk [tilespmem:v14+s9+$0x0], $0xffff;
	v24 =	vadd.f32 v26, v24  }
0xb8: {  	v25 =	vld.idx.msk [tilespmem:v12+s9+$0x0], $0xffff;
	v12 =	vadd.s32 s21, v0;
	v21 =	vadd.f32 v21, v10;
	v20 =	vadd.f32 v30, v20  }
0xb9: {  	v28 =	vadd.s32 s22, v0;
	v26 =	vadd.s32 s22, v3;
	s21 =	sadd.s32 $0x7, s22;
	v6 =	vmovc v17;
	v29 =	vld.idx.msk [tilespmem:v13+s9+$0x0], $0xffff;
	v13 =	vadd.s32 s20, v3  }
0xba: {  	s23 =	sadd.s32 $0x6, s22;
	v31 =	vadd.s32 s20, v0;
	v32 =	vadd.s32 s17, v3;
	v17 =	vadd.s32 s21, v2;
	v30 =	vld.idx.msk [tilespmem:v9+s9+$0x0], $0xffff  }
0xbb: {  	v35 =	vadd.s32 s19, v3;
	v36 =	vadd.s32 s17, v0;
	v33 =	vadd.s32 s23, v2;
	s17 =	smov.u32 s21;
	v34 =	vld.idx.msk [tilespmem:v11+s2+$0x0], $0xffff  }
0xbc: {  	s24 =	sadd.s32 $0x5, s22;
	v37 =	vadd.s32 s19, v0;
	v38 =	vadd.s32 s16, v3;
	v39 =	vadd.s32 s16, v0;
	s16 =	smov.u32 s23;
	v19 =	vld.idx.msk [tilespmem:v19+s9+$0x0], $0xffff  }
0xbd: {  	s19 =	sadd.s32 $0x4, s22;
	v42 =	vadd.s32 s18, v3;
	v43 =	vadd.s32 s18, v0;
	v40 =	vadd.s32 s24, v2;
	s21 =	sadd.s32 $0x2, s22;
	s20 =	sadd.s32 $0x3, s22;
	v41 =	vld.idx.msk [tilespmem:v12+s2+$0x0], $0xffff  }
0xbe: {  	s23 =	sadd.s32 $0x1, s22;
	s18 =	smov.u32 s24;
	v10 =	vadd.s32 s19, v2;
	v14 =	vadd.s32 s20, v2;
	v12 =	vadd.s32 s21, v2;
	v44 =	vld.idx.msk [tilespmem:v13+s9+$0x0], $0xffff  }
0xbf: {  	v45 =	vmul.f32 v18, v15;
	v9 =	vadd.s32 s23, v3;
	v13 =	vadd.s32 s23, v2;
	v31 =	vld.idx.msk [tilespmem:v31+s2+$0x0], $0xffff  }
0xc0: {  	v18 =	vmul.f32 v18, v16;
	v15 =	vmul.f32 v16, v15;
	v11 =	vadd.s32 s23, v0;
	v16 =	vld.idx.msk [tilespmem:v35+s9+$0x0], $0xffff  }
0xc1: {  	v24 =	vadd.f32 v45, v24;
	v35 =	vmul.f32 v34, v29;
	v34 =	vmul.f32 v34, v30;
	v37 =	vld.idx.msk [tilespmem:v37+s2+$0x0], $0xffff  }
0xc2: {  	v18 =	vadd.f32 v18, v21;
	v15 =	vadd.f32 v15, v20;
	v20 =	vmul.f32 v30, v29;
	v21 =	vld.idx.msk [tilespmem:v42+s9+$0x0], $0xffff  }
0xc3: {  	v24 =	vadd.f32 v35, v24;
	v29 =	vmul.f32 v41, v25;
	v30 =	vmul.f32 v41, v19;
	v35 =	vld.idx.msk [tilespmem:v43+s2+$0x0], $0xffff  }
0xc4: {  	v15 =	vadd.f32 v20, v15;
	v18 =	vadd.f32 v34, v18;
	v19 =	vmul.f32 v19, v25;
	v25 =	vld.idx.msk [tilespmem:v38+s9+$0x0], $0xffff  }
0xc5: {  	v20 =	vadd.f32 v29, v24;
	v24 =	vmul.f32 v31, v23;
	v29 =	vmul.f32 v31, v44;
	v31 =	vld.idx.msk [tilespmem:v39+s2+$0x0], $0xffff  }
0xc6: {  	v18 =	vadd.f32 v30, v18;
	v30 =	vadd.f32 v19, v15;
	v23 =	vmul.f32 v44, v23;
	v19 =	vld.idx.msk [tilespmem:v32+s9+$0x0], $0xffff  }
0xc7: {  	v20 =	vadd.f32 v24, v20;
	v24 =	vmul.f32 v37, v27;
	v32 =	vmul.f32 v37, v16;
	v34 =	vld.idx.msk [tilespmem:v36+s2+$0x0], $0xffff  }
0xc8: {  	v23 =	vadd.f32 v23, v30;
	v27 =	vmul.f32 v16, v27;
	v15 =	vld.idx.msk [tilespmem:v22+s9+$0x0], $0xffff;
	v22 =	vadd.f32 v29, v18  }
.Ltmp2:
0xc9: {  	v20 =	vadd.f32 v24, v20;
	v24 =	vmul.f32 v35, v8;
	v16 =	vld.idx.msk [tilespmem:v26+s9+$0x0], $0xffff;
	v26 =	vmul.f32 v35, v21;
	(pc) =	sbr.rel @p0 .LBB2_6-.Ltmp2, $4  }
0xca: {  	v23 =	vadd.f32 v27, v23;
	v8 =	vmul.f32 v21, v8;
	v18 =	vld.idx.msk [tilespmem:v28+s2+$0x0], $0xffff;
	v22 =	vadd.f32 v32, v22  }
0xcb: {  	v21 =	vadd.f32 v24, v20;
	v24 =	vmul.f32 v31, v7;
	v20 =	vmul.f32 v31, v25;
	v17 =	vld.idx.msk [tilespmem:v17+s9+$0x0], $0xffff  }
0xcc: {  	v23 =	vadd.f32 v8, v23;
	v25 =	vmul.f32 v25, v7;
	v22 =	vadd.f32 v26, v22;
	v7 =	vld.idx.msk [tilespmem:v33+s9+$0x0], $0xffff  }
0xcd: {  	s22 =	sadd.s32 $0x8, s22;
	v24 =	vadd.f32 v24, v21;
	v26 =	vmul.f32 v34, v6;
	v21 =	vmul.f32 v34, v19;
	v8 =	vld.idx.msk [tilespmem:v40+s9+$0x0], $0xffff  }
0xce: {  	_ =	sdelay $0x3  }
0xcf: {  	v14 =	vld.idx.msk [tilespmem:v14+s9+$0x0], $0xffff  }
0xd0: {  	v27 =	vadd.s32 s21, v0;
	v12 =	vld.idx.msk [tilespmem:v12+s9+$0x0], $0xffff  }
0xd1: {  	v28 =	vadd.s32 s21, v3;
	v13 =	vld.idx.msk [tilespmem:v13+s9+$0x0], $0xffff  }
0xd2: {  	v29 =	vadd.s32 s20, v0;
	v11 =	vld.idx.msk [tilespmem:v11+s2+$0x0], $0xffff  }
0xd3: {  	v20 =	vadd.f32 v20, v22;
	v9 =	vld.idx.msk [tilespmem:v9+s9+$0x0], $0xffff;
	v36 =	vadd.s32 s19, v0  }
0xd4: {  	v62 =	vadd.f32 v25, v23;
	v6 =	vmul.f32 v19, v6;
	v37 =	vadd.s32 s20, v3;
	v10 =	vld.idx.msk [tilespmem:v10+s9+$0x0], $0xffff  }
0xd5: {  	v39 =	vadd.s32 s17, v3;
	v41 =	vadd.s32 s18, v0;
	v43 =	vadd.s32 s19, v3;
	v38 =	vld.idx.msk [tilespmem:v27+s2+$0x0], $0xffff  }
0xd6: {  	v30 =	vadd.s32 s17, v0;
	v63 =	vadd.f32 v26, v24;
	v42 =	vmul.f32 v18, v15;
	v40 =	vld.idx.msk [tilespmem:v28+s9+$0x0], $0xffff  }
0xd7: {  	v31 =	vadd.s32 s16, v3;
	v32 =	vadd.s32 s16, v0;
	v33 =	vadd.s32 s18, v3;
	v29 =	vld.idx.msk [tilespmem:v29+s2+$0x0], $0xffff  }
0xd8: {  	v5 =	vadd.f32 $9.999999930e-09, v5;
	v19 =	vadd.f32 v42, v63;
	v44 =	vmul.f32 v11, v13;
	v47 =	vld.idx.msk [tilespmem:v36+s2+$0x0], $0xffff  }
0xd9: {  	v46 =	vmul.f32 v16, v15;
	v20 =	vadd.f32 v21, v20;
	v6 =	vadd.f32 v6, v62;
	v21 =	vld.idx.msk [tilespmem:v37+s9+$0x0], $0xffff  }
0xda: {  	v45 =	vmul.f32 v18, v16;
	v49 =	vld.idx.msk [tilespmem:v41+s2+$0x0], $0xffff;
	v19 =	vadd.f32 v44, v19;
	v48 =	vmul.f32 v38, v12  }
0xdb: {  	v6 =	vadd.f32 v46, v6;
	v11 =	vmul.f32 v11, v9;
	v9 =	vmul.f32 v9, v13;
	v50 =	vld.idx.msk [tilespmem:v43+s9+$0x0], $0xffff  }
0xdc: {  	v4 =	vadd.f32 $9.999999930e-09, v4;
	v53 =	vld.idx.msk [tilespmem:v32+s2+$0x0], $0xffff;
	v52 =	vmul.f32 v29, v14;
	v19 =	vadd.f32 v48, v19  }
0xdd: {  	v18 =	vadd.f32 v45, v20;
	v54 =	vld.idx.msk [tilespmem:v33+s9+$0x0], $0xffff;
	v6 =	vadd.f32 v9, v6;
	v9 =	vmul.f32 v40, v12  }
0xde: {  	(erf) = vrcp.f32 v5;
	v57 =	vld.idx.msk [tilespmem:v30+s2+$0x0], $0xffff;
	v55 =	vmul.f32 v47, v10;
	v19 =	vadd.f32 v52, v19  }
0xdf: {  	v11 =	vadd.f32 v11, v18;
	v6 =	vadd.f32 v9, v6;
	v9 =	vmul.f32 v21, v14  }
0xe0: {  	v58 =	vld.idx.msk [tilespmem:v31+s9+$0x0], $0xffff;
	v51 =	vmul.f32 v38, v40;
	v59 =	vmul.f32 v49, v8;
	v19 =	vadd.f32 v55, v19  }
0xe1: {  	v56 =	vmul.f32 v29, v21;
	v6 =	vadd.f32 v9, v6;
	v9 =	vmul.f32 v50, v10  }
0xe2: {  	v61 =	vmul.f32 v53, v7;
	v5 =	vadd.f32 v51, v11;
	v10 =	vld.idx.msk [tilespmem:v39+s9+$0x0], $0xffff;
	v60 =	vadd.f32 v59, v19  }
0xe3: {  	v8 =	vmul.f32 v54, v8;
	v63 =	vmul.f32 v57, v17;
	v6 =	vadd.f32 v9, v6  }
0xe4: {  	v11 =	vmul.f32 v47, v50;
	v5 =	vadd.f32 v56, v5;
	v62 =	vadd.f32 v61, v60  }
0xe5: {  	(erf) = vrcp.f32 v4;
	v7 =	vmul.f32 v58, v7;
	v6 =	vadd.f32 v8, v6  }
0xe6: {  	v9 =	vmul.f32 v49, v54;
	v5 =	vadd.f32 v11, v5;
	v11 =	vadd.f32 v63, v62  }
0xe7: {  	s23 =	simm.s32 $0x0;
	v8 =	vmul.f32 v53, v58;
	v6 =	vadd.f32 v7, v6;
	v7 =	vmul.f32 v10, v17  }
0xe8: {  	v5 =	vadd.f32 v9, v5;
	v9 =	vadd.f32 v11, v11;
	v11 =	vadd.s32 s23, v2  }
0xe9: {  	v4 =	vpop (erf);
	v10 =	vmul.f32 v57, v10;
	v6 =	vadd.f32 v7, v6;
	v7 =	vadd.s32 s23, v3  }
0xea: {  	v5 =	vadd.f32 v8, v5;
	v8 =	vadd.s32 s23, v0;
	v4 =	vmul.f32 v9, v4;
	_ =	sdelay $0x1  }
0xeb: {  	v5 =	vadd.f32 v10, v5;
	v6 =	vmul.f32 v6, v4  }
0xec: {  	v9 =	vld.idx.msk [tilespmem:v11+s9+$0x0], $0xffff  }
0xed: {  	v7 =	vld.idx.msk [tilespmem:v7+s9+$0x0], $0xffff;
	v5 =	vsub.f32 v5, v6  }
0xee: {  	v6 =	vld.idx.msk [tilespmem:v8+s2+$0x0], $0xffff  }
0xef: {  	v5 =	vadd.f32 v5, v5  }
0xf0: {  	v10 =	vpop (erf)  }
0xf1: {  	v5 =	vmul.f32 v5, v10;
	v9 =	vmul.f32 v9, v4  }
0xf2: {  	s24 =	simm.s32 $0x1  }
0xf3: {  	v6 =	vsub.f32 v6, v9;
	v7 =	vmul.f32 v7, v5;
	v9 =	vadd.s32 s24, v2  }
0xf4: {  	v10 =	vadd.s32 s24, v0  }
0xf5: {  	v6 =	vsub.f32 v6, v7;
	v7 =	vadd.s32 s24, v3;
	_ =	sdelay $0x1  }
0xf6: {  	[tilespmem:v8+s2+$0x0] =	vst.idx.msk $0xffff, v6  }
0xf7: {  	v6 =	vld.idx.msk [tilespmem:v9+s9+$0x0], $0xffff  }
0xf8: {  	v8 =	vld.idx.msk [tilespmem:v10+s2+$0x0], $0xffff  }
0xf9: {  	v7 =	vld.idx.msk [tilespmem:v7+s9+$0x0], $0xffff;
	_ =	sdelay $0x2  }
0xfa: {  	v6 =	vmul.f32 v6, v4  }
0xfb: {  	s25 =	simm.s32 $0x2  }
0xfc: {  	v6 =	vsub.f32 v8, v6;
	v7 =	vmul.f32 v7, v5;
	v8 =	vadd.s32 s25, v2  }
0xfd: {  	v9 =	vadd.s32 s25, v0  }
0xfe: {  	v6 =	vsub.f32 v6, v7;
	v7 =	vadd.s32 s25, v3;
	_ =	sdelay $0x1  }
0xff: {  	[tilespmem:v10+s2+$0x0] =	vst.idx.msk $0xffff, v6  }
0x100: {  	v6 =	vld.idx.msk [tilespmem:v8+s9+$0x0], $0xffff  }
0x101: {  	v8 =	vld.idx.msk [tilespmem:v9+s2+$0x0], $0xffff  }
0x102: {  	v7 =	vld.idx.msk [tilespmem:v7+s9+$0x0], $0xffff;
	_ =	sdelay $0x2  }
0x103: {  	v6 =	vmul.f32 v6, v4  }
0x104: {  	s26 =	simm.s32 $0x3  }
0x105: {  	v6 =	vsub.f32 v8, v6;
	v7 =	vmul.f32 v7, v5;
	v8 =	vadd.s32 s26, v2  }
0x106: {  	v10 =	vadd.s32 s26, v0  }
0x107: {  	v6 =	vsub.f32 v6, v7;
	v7 =	vadd.s32 s26, v3;
	_ =	sdelay $0x1  }
0x108: {  	[tilespmem:v9+s2+$0x0] =	vst.idx.msk $0xffff, v6  }
0x109: {  	v6 =	vld.idx.msk [tilespmem:v8+s9+$0x0], $0xffff  }
0x10a: {  	v8 =	vld.idx.msk [tilespmem:v10+s2+$0x0], $0xffff  }
0x10b: {  	v7 =	vld.idx.msk [tilespmem:v7+s9+$0x0], $0xffff;
	_ =	sdelay $0x2  }
0x10c: {  	v6 =	vmul.f32 v6, v4  }
0x10d: {  	s28 =	simm.s32 $0x4  }
0x10e: {  	v6 =	vsub.f32 v8, v6;
	v7 =	vmul.f32 v7, v5;
	v8 =	vadd.s32 s28, v2  }
0x10f: {  	v9 =	vadd.s32 s28, v0  }
0x110: {  	v6 =	vsub.f32 v6, v7;
	v7 =	vadd.s32 s28, v3;
	_ =	sdelay $0x1  }
0x111: {  	[tilespmem:v10+s2+$0x0] =	vst.idx.msk $0xffff, v6  }
0x112: {  	v6 =	vld.idx.msk [tilespmem:v8+s9+$0x0], $0xffff  }
0x113: {  	v8 =	vld.idx.msk [tilespmem:v9+s2+$0x0], $0xffff  }
0x114: {  	v7 =	vld.idx.msk [tilespmem:v7+s9+$0x0], $0xffff;
	_ =	sdelay $0x2  }
0x115: {  	v6 =	vmul.f32 v6, v4  }
0x116: {  	s29 =	simm.s32 $0x5  }
0x117: {  	v6 =	vsub.f32 v8, v6;
	v7 =	vmul.f32 v7, v5;
	v8 =	vadd.s32 s29, v2  }
0x118: {  	v10 =	vadd.s32 s29, v3  }
0x119: {  	v6 =	vsub.f32 v6, v7;
	v7 =	vadd.s32 s29, v0;
	_ =	sdelay $0x1  }
0x11a: {  	[tilespmem:v9+s2+$0x0] =	vst.idx.msk $0xffff, v6  }
0x11b: {  	v6 =	vld.idx.msk [tilespmem:v8+s9+$0x0], $0xffff  }
0x11c: {  	v8 =	vld.idx.msk [tilespmem:v10+s9+$0x0], $0xffff  }
0x11d: {  	v9 =	vld.idx.msk [tilespmem:v7+s2+$0x0], $0xffff;
	_ =	sdelay $0x2  }
0x11e: {  	v6 =	vmul.f32 v6, v4  }
0x11f: {  	s30 =	simm.s32 $0x6  }
0x120: {  	v8 =	vmul.f32 v8, v5;
	v6 =	vsub.f32 v9, v6;
	v9 =	vadd.s32 s30, v2  }
0x121: {  	v10 =	vadd.s32 s30, v3  }
0x122: {  	v6 =	vsub.f32 v6, v8;
	v8 =	vadd.s32 s30, v0;
	_ =	sdelay $0x1  }
0x123: {  	[tilespmem:v7+s2+$0x0] =	vst.idx.msk $0xffff, v6  }
0x124: {  	v6 =	vld.idx.msk [tilespmem:v9+s9+$0x0], $0xffff  }
0x125: {  	v7 =	vld.idx.msk [tilespmem:v10+s9+$0x0], $0xffff  }
0x126: {  	v9 =	vld.idx.msk [tilespmem:v8+s2+$0x0], $0xffff;
	_ =	sdelay $0x2  }
0x127: {  	v6 =	vmul.f32 v6, v4  }
0x128: {  	s31 =	simm.s32 $0x7  }
0x129: {  	v7 =	vmul.f32 v7, v5;
	v6 =	vsub.f32 v9, v6;
	v9 =	vadd.s32 s31, v2  }
0x12a: {  	v10 =	vadd.s32 s31, v3  }
0x12b: {  	v6 =	vsub.f32 v6, v7;
	v7 =	vadd.s32 s31, v0;
	_ =	sdelay $0x1  }
0x12c: {  	[tilespmem:v8+s2+$0x0] =	vst.idx.msk $0xffff, v6  }
0x12d: {  	v6 =	vld.idx.msk [tilespmem:v9+s9+$0x0], $0xffff  }
0x12e: {  	v8 =	vld.idx.msk [tilespmem:v10+s9+$0x0], $0xffff  }
0x12f: {  	v9 =	vld.idx.msk [tilespmem:v7+s2+$0x0], $0xffff;
	_ =	sdelay $0x2  }
0x130: {  	v6 =	vmul.f32 v6, v4  }
0x131: {  	s16 =	simm.s32 $0x8  }
0x132: {  	v11 =	vmul.f32 v8, v5;
	v8 =	vadd.s32 s16, v2;
	v10 =	vsub.f32 v9, v6  }
0x133: {  	v6 =	vadd.s32 s16, v0  }
0x134: {  	s17 =	simm.s32 $0x10;
	v9 =	vadd.s32 s16, v3;
	v10 =	vsub.f32 v10, v11  }
.LBB2_8:
0x135: {  	_ = 	snop  }
0x136: {  	p0 =	slt.u32 s17, $0x38;
	s18 =	smov.u32 s17;
	s17 =	sadd.s32 $0x8, s17;
	[tilespmem:v7+s2+$0x0] =	vst.idx.msk $0xffff, v10  }
0x137: {  	v7 =	vld.idx.msk [tilespmem:v8+s9+$0x0], $0xffff  }
0x138: {  	v8 =	vld.idx.msk [tilespmem:v6+s2+$0x0], $0xffff  }
0x139: {  	v9 =	vld.idx.msk [tilespmem:v9+s9+$0x0], $0xffff;
	_ =	sdelay $0x3  }
0x13a: {  	v7 =	vmul.f32 v7, v4  }
0x13b: {  	s19 =	sadd.s32 $0x1, s16  }
0x13c: {  	v7 =	vsub.f32 v8, v7;
	v8 =	vmul.f32 v9, v5;
	v9 =	vadd.s32 s19, v2  }
0x13d: {  	v10 =	vadd.s32 s19, v0  }
0x13e: {  	v7 =	vsub.f32 v7, v8;
	v8 =	vadd.s32 s19, v3;
	_ =	sdelay $0x1  }
0x13f: {  	[tilespmem:v6+s2+$0x0] =	vst.idx.msk $0xffff, v7  }
0x140: {  	v6 =	vld.idx.msk [tilespmem:v9+s9+$0x0], $0xffff  }
0x141: {  	v7 =	vld.idx.msk [tilespmem:v10+s2+$0x0], $0xffff  }
0x142: {  	v8 =	vld.idx.msk [tilespmem:v8+s9+$0x0], $0xffff;
	_ =	sdelay $0x3  }
0x143: {  	v6 =	vmul.f32 v6, v4  }
0x144: {  	s19 =	sadd.s32 $0x2, s16  }
0x145: {  	v6 =	vsub.f32 v7, v6;
	v7 =	vmul.f32 v8, v5;
	v8 =	vadd.s32 s19, v2  }
0x146: {  	v9 =	vadd.s32 s19, v0  }
0x147: {  	v6 =	vsub.f32 v6, v7;
	v7 =	vadd.s32 s19, v3;
	_ =	sdelay $0x1  }
0x148: {  	[tilespmem:v10+s2+$0x0] =	vst.idx.msk $0xffff, v6  }
0x149: {  	v6 =	vld.idx.msk [tilespmem:v8+s9+$0x0], $0xffff  }
0x14a: {  	v8 =	vld.idx.msk [tilespmem:v9+s2+$0x0], $0xffff  }
0x14b: {  	v7 =	vld.idx.msk [tilespmem:v7+s9+$0x0], $0xffff;
	_ =	sdelay $0x3  }
0x14c: {  	v6 =	vmul.f32 v6, v4  }
0x14d: {  	s19 =	sadd.s32 $0x3, s16  }
0x14e: {  	v6 =	vsub.f32 v8, v6;
	v7 =	vmul.f32 v7, v5;
	v8 =	vadd.s32 s19, v2  }
0x14f: {  	v10 =	vadd.s32 s19, v0  }
0x150: {  	v6 =	vsub.f32 v6, v7;
	v7 =	vadd.s32 s19, v3;
	_ =	sdelay $0x1  }
0x151: {  	[tilespmem:v9+s2+$0x0] =	vst.idx.msk $0xffff, v6  }
0x152: {  	v6 =	vld.idx.msk [tilespmem:v8+s9+$0x0], $0xffff  }
0x153: {  	v8 =	vld.idx.msk [tilespmem:v10+s2+$0x0], $0xffff  }
0x154: {  	v7 =	vld.idx.msk [tilespmem:v7+s9+$0x0], $0xffff;
	_ =	sdelay $0x3  }
0x155: {  	v6 =	vmul.f32 v6, v4  }
0x156: {  	s19 =	sadd.s32 $0x4, s16  }
0x157: {  	v6 =	vsub.f32 v8, v6;
	v7 =	vmul.f32 v7, v5;
	v8 =	vadd.s32 s19, v2  }
0x158: {  	v9 =	vadd.s32 s19, v0  }
0x159: {  	v6 =	vsub.f32 v6, v7;
	v7 =	vadd.s32 s19, v3;
	_ =	sdelay $0x1  }
0x15a: {  	[tilespmem:v10+s2+$0x0] =	vst.idx.msk $0xffff, v6  }
0x15b: {  	v6 =	vld.idx.msk [tilespmem:v8+s9+$0x0], $0xffff  }
0x15c: {  	v8 =	vld.idx.msk [tilespmem:v9+s2+$0x0], $0xffff  }
0x15d: {  	v7 =	vld.idx.msk [tilespmem:v7+s9+$0x0], $0xffff;
	_ =	sdelay $0x3  }
0x15e: {  	v6 =	vmul.f32 v6, v4  }
0x15f: {  	s19 =	sadd.s32 $0x5, s16  }
0x160: {  	v6 =	vsub.f32 v8, v6;
	v7 =	vmul.f32 v7, v5;
	v8 =	vadd.s32 s19, v2  }
0x161: {  	v10 =	vadd.s32 s19, v3  }
0x162: {  	v6 =	vsub.f32 v6, v7;
	v7 =	vadd.s32 s19, v0;
	_ =	sdelay $0x1  }
0x163: {  	[tilespmem:v9+s2+$0x0] =	vst.idx.msk $0xffff, v6  }
0x164: {  	v6 =	vld.idx.msk [tilespmem:v8+s9+$0x0], $0xffff  }
0x165: {  	v8 =	vld.idx.msk [tilespmem:v10+s9+$0x0], $0xffff  }
0x166: {  	v9 =	vld.idx.msk [tilespmem:v7+s2+$0x0], $0xffff;
	_ =	sdelay $0x3  }
0x167: {  	v6 =	vmul.f32 v6, v4  }
0x168: {  	s19 =	sadd.s32 $0x6, s16  }
0x169: {  	v8 =	vmul.f32 v8, v5;
	v6 =	vsub.f32 v9, v6;
	v9 =	vadd.s32 s19, v2  }
0x16a: {  	v10 =	vadd.s32 s19, v3  }
0x16b: {  	v6 =	vsub.f32 v6, v8;
	v8 =	vadd.s32 s19, v0;
	_ =	sdelay $0x1  }
0x16c: {  	[tilespmem:v7+s2+$0x0] =	vst.idx.msk $0xffff, v6  }
0x16d: {  	v6 =	vld.idx.msk [tilespmem:v9+s9+$0x0], $0xffff  }
0x16e: {  	v7 =	vld.idx.msk [tilespmem:v10+s9+$0x0], $0xffff  }
0x16f: {  	v9 =	vld.idx.msk [tilespmem:v8+s2+$0x0], $0xffff;
	_ =	sdelay $0x3  }
0x170: {  	v6 =	vmul.f32 v6, v4  }
0x171: {  	s19 =	sadd.s32 $0x7, s16;
	s16 =	smov.u32 s18  }
0x172: {  	v7 =	vmul.f32 v7, v5;
	v6 =	vsub.f32 v9, v6;
	v9 =	vadd.s32 s19, v2  }
0x173: {  	v10 =	vadd.s32 s19, v3  }
0x174: {  	v6 =	vsub.f32 v6, v7;
	v7 =	vadd.s32 s19, v0;
	_ =	sdelay $0x1  }
0x175: {  	[tilespmem:v8+s2+$0x0] =	vst.idx.msk $0xffff, v6  }
0x176: {  	v6 =	vld.idx.msk [tilespmem:v9+s9+$0x0], $0xffff  }
0x177: {  	v9 =	vld.idx.msk [tilespmem:v10+s9+$0x0], $0xffff  }
0x178: {  	v10 =	vld.idx.msk [tilespmem:v7+s2+$0x0], $0xffff;
	_ =	sdelay $0x3  }
.Ltmp3:
0x179: {  	v6 =	vmul.f32 v6, v4;
	(pc) =	sbr.rel @p0 .LBB2_8-.Ltmp3, $4  }
0x17a: {  	_ = 	snop  }
0x17b: {  	v8 =	vadd.s32 s16, v2;
	v11 =	vmul.f32 v9, v5;
	v10 =	vsub.f32 v10, v6  }
0x17c: {  	v6 =	vadd.s32 s16, v0  }
0x17d: {  	v9 =	vadd.s32 s16, v3;
	v10 =	vsub.f32 v10, v11  }
0x17e: {  	_ =	sdelay $0x3  }
0x17f: {  	[tilespmem:v7+s2+$0x0] =	vst.idx.msk $0xffff, v10  }
0x180: {  	v7 =	vld.idx.msk [tilespmem:v8+s9+$0x0], $0xffff  }
0x181: {  	v8 =	vld.idx.msk [tilespmem:v6+s2+$0x0], $0xffff  }
0x182: {  	v9 =	vld.idx.msk [tilespmem:v9+s9+$0x0], $0xffff;
	_ =	sdelay $0x2  }
0x183: {  	v7 =	vmul.f32 v7, v4  }
0x184: {  	s17 =	sadd.s32 $0x1, s16  }
0x185: {  	v7 =	vsub.f32 v8, v7;
	v8 =	vmul.f32 v9, v5;
	v9 =	vadd.s32 s17, v2  }
0x186: {  	v10 =	vadd.s32 s17, v0  }
0x187: {  	v7 =	vsub.f32 v7, v8;
	v8 =	vadd.s32 s17, v3;
	_ =	sdelay $0x1  }
0x188: {  	[tilespmem:v6+s2+$0x0] =	vst.idx.msk $0xffff, v7  }
0x189: {  	v6 =	vld.idx.msk [tilespmem:v9+s9+$0x0], $0xffff  }
0x18a: {  	v7 =	vld.idx.msk [tilespmem:v10+s2+$0x0], $0xffff  }
0x18b: {  	v8 =	vld.idx.msk [tilespmem:v8+s9+$0x0], $0xffff;
	_ =	sdelay $0x2  }
0x18c: {  	v6 =	vmul.f32 v6, v4  }
0x18d: {  	s20 =	sadd.s32 $0x2, s16  }
0x18e: {  	v6 =	vsub.f32 v7, v6;
	v7 =	vmul.f32 v8, v5;
	v8 =	vadd.s32 s20, v2  }
0x18f: {  	v9 =	vadd.s32 s20, v0  }
0x190: {  	v6 =	vsub.f32 v6, v7;
	v7 =	vadd.s32 s20, v3;
	_ =	sdelay $0x1  }
0x191: {  	[tilespmem:v10+s2+$0x0] =	vst.idx.msk $0xffff, v6  }
0x192: {  	v6 =	vld.idx.msk [tilespmem:v8+s9+$0x0], $0xffff  }
0x193: {  	v8 =	vld.idx.msk [tilespmem:v9+s2+$0x0], $0xffff  }
0x194: {  	v7 =	vld.idx.msk [tilespmem:v7+s9+$0x0], $0xffff;
	_ =	sdelay $0x2  }
0x195: {  	v6 =	vmul.f32 v6, v4  }
0x196: {  	s21 =	sadd.s32 $0x3, s16  }
0x197: {  	v6 =	vsub.f32 v8, v6;
	v7 =	vmul.f32 v7, v5;
	v8 =	vadd.s32 s21, v2  }
0x198: {  	v10 =	vadd.s32 s21, v0  }
0x199: {  	v6 =	vsub.f32 v6, v7;
	v7 =	vadd.s32 s21, v3;
	_ =	sdelay $0x1  }
0x19a: {  	[tilespmem:v9+s2+$0x0] =	vst.idx.msk $0xffff, v6  }
0x19b: {  	v6 =	vld.idx.msk [tilespmem:v8+s9+$0x0], $0xffff  }
0x19c: {  	v8 =	vld.idx.msk [tilespmem:v10+s2+$0x0], $0xffff  }
0x19d: {  	v7 =	vld.idx.msk [tilespmem:v7+s9+$0x0], $0xffff;
	_ =	sdelay $0x2  }
0x19e: {  	v6 =	vmul.f32 v6, v4  }
0x19f: {  	s22 =	sadd.s32 $0x4, s16  }
0x1a0: {  	v6 =	vsub.f32 v8, v6;
	v7 =	vmul.f32 v7, v5;
	v8 =	vadd.s32 s22, v2  }
0x1a1: {  	v9 =	vadd.s32 s22, v0  }
0x1a2: {  	v6 =	vsub.f32 v6, v7;
	v7 =	vadd.s32 s22, v3;
	_ =	sdelay $0x1  }
0x1a3: {  	[tilespmem:v10+s2+$0x0] =	vst.idx.msk $0xffff, v6  }
0x1a4: {  	v6 =	vld.idx.msk [tilespmem:v8+s9+$0x0], $0xffff  }
0x1a5: {  	v8 =	vld.idx.msk [tilespmem:v9+s2+$0x0], $0xffff  }
0x1a6: {  	v7 =	vld.idx.msk [tilespmem:v7+s9+$0x0], $0xffff;
	_ =	sdelay $0x2  }
0x1a7: {  	v6 =	vmul.f32 v6, v4  }
0x1a8: {  	s23 =	sadd.s32 $0x5, s16  }
0x1a9: {  	v6 =	vsub.f32 v8, v6;
	v7 =	vmul.f32 v7, v5;
	v8 =	vadd.s32 s23, v2  }
0x1aa: {  	v10 =	vadd.s32 s23, v3  }
0x1ab: {  	v6 =	vsub.f32 v6, v7;
	v7 =	vadd.s32 s23, v0;
	_ =	sdelay $0x1  }
0x1ac: {  	[tilespmem:v9+s2+$0x0] =	vst.idx.msk $0xffff, v6  }
0x1ad: {  	v6 =	vld.idx.msk [tilespmem:v8+s9+$0x0], $0xffff  }
0x1ae: {  	v8 =	vld.idx.msk [tilespmem:v10+s9+$0x0], $0xffff  }
0x1af: {  	v9 =	vld.idx.msk [tilespmem:v7+s2+$0x0], $0xffff;
	_ =	sdelay $0x2  }
0x1b0: {  	v6 =	vmul.f32 v6, v4  }
0x1b1: {  	s24 =	sadd.s32 $0x6, s16  }
0x1b2: {  	v8 =	vmul.f32 v8, v5;
	v6 =	vsub.f32 v9, v6;
	v9 =	vadd.s32 s24, v2  }
0x1b3: {  	v10 =	vadd.s32 s24, v3  }
0x1b4: {  	v6 =	vsub.f32 v6, v8;
	v8 =	vadd.s32 s24, v0;
	_ =	sdelay $0x1  }
0x1b5: {  	[tilespmem:v7+s2+$0x0] =	vst.idx.msk $0xffff, v6  }
0x1b6: {  	v6 =	vld.idx.msk [tilespmem:v9+s9+$0x0], $0xffff  }
0x1b7: {  	v7 =	vld.idx.msk [tilespmem:v10+s9+$0x0], $0xffff  }
0x1b8: {  	v9 =	vld.idx.msk [tilespmem:v8+s2+$0x0], $0xffff;
	_ =	sdelay $0x2  }
0x1b9: {  	v6 =	vmul.f32 v6, v4  }
0x1ba: {  	s25 =	sadd.s32 $0x7, s16  }
0x1bb: {  	v2 =	vadd.s32 s25, v2;
	v7 =	vmul.f32 v7, v5;
	v6 =	vsub.f32 v9, v6  }
0x1bc: {  	v3 =	vadd.s32 s25, v3  }
0x1bd: {  	v6 =	vsub.f32 v6, v7;
	v7 =	vadd.s32 s25, v0;
	_ =	sdelay $0x1  }
0x1be: {  	[tilespmem:v8+s2+$0x0] =	vst.idx.msk $0xffff, v6  }
0x1bf: {  	v2 =	vld.idx.msk [tilespmem:v2+s9+$0x0], $0xffff  }
0x1c0: {  	v3 =	vld.idx.msk [tilespmem:v3+s9+$0x0], $0xffff  }
0x1c1: {  	v6 =	vld.idx.msk [tilespmem:v7+s2+$0x0], $0xffff;
	_ =	sdelay $0x2  }
0x1c2: {  	v2 =	vmul.f32 v2, v4;
	_ =	sdelay $0x1  }
0x1c3: {  	v3 =	vmul.f32 v3, v5;
	v2 =	vsub.f32 v6, v2;
	_ =	sdelay $0x1  }
0x1c4: {  	v2 =	vsub.f32 v2, v3;
	_ =	sdelay $0x1  }
0x1c5: {  	[tilespmem:v7+s2+$0x0] =	vst.idx.msk $0xffff, v2  }
0x1c6: {  	v4 =	vld [tilespmem:$0x1910]  }
0x1c7: {  	v6 =	vld [tilespmem:$0x1990]  }
0x1c8: {  	s26 =	simm.s32 $0x0  }
0x1c9: {  	s19 =	simm.s32 $0x6;
	v9 =	vadd.s32 s26, v1  }
0x1ca: {  	v37 =	vadd.s32 s19, v1  }
0x1cb: {  	v2 =	vmul.u32 $0x41, v4  }
0x1cc: {  	v3 =	vmul.u32 $0x41, v6  }
0x1cd: {  	v7 =	vadd.s32 s26, v2  }
0x1ce: {  	s18 =	simm.s32 $0x7;
	v15 =	vld.idx.msk [tilespmem:v9+s2+$0x0], $0xffff;
	v8 =	vadd.s32 s26, v3  }
0x1cf: {  	v59 =	vld.idx.msk [tilespmem:v37+s2+$0x0], $0xffff;
	v10 =	vadd.s32 s18, v2  }
0x1d0: {  	s22 =	simm.s32 $0x5;
	v11 =	vadd.s32 s19, v2;
	v5 =	vld.idx.msk [tilespmem:v4+s13+$0x0], $0xffff  }
0x1d1: {  	s20 =	simm.s32 $0x4;
	v12 =	vadd.s32 s22, v2;
	v4 =	vld.idx.msk [tilespmem:v6+s13+$0x0], $0xffff  }
0x1d2: {  	s28 =	simm.s32 $0x2;
	v13 =	vadd.s32 s20, v2;
	v7 =	vld.idx.msk [tilespmem:v7+s9+$0x0], $0xffff  }
0x1d3: {  	s21 =	simm.s32 $0x3;
	v9 =	vadd.s32 s28, v2;
	v8 =	vld.idx.msk [tilespmem:v8+s9+$0x0], $0xffff  }
0x1d4: {  	s29 =	simm.s32 $0x1;
	v14 =	vadd.s32 s21, v2;
	v6 =	vld.idx.msk [tilespmem:v10+s9+$0x0], $0xffff  }
0x1d5: {  	v10 =	vadd.s32 s29, v2;
	v21 =	vld.idx.msk [tilespmem:v11+s9+$0x0], $0xffff  }
0x1d6: {  	v11 =	vadd.s32 s29, v3;
	v17 =	vld.idx.msk [tilespmem:v12+s9+$0x0], $0xffff  }
0x1d7: {  	s30 =	simm.s32 $0x8;
	v12 =	vadd.s32 s29, v1;
	v16 =	vld.idx.msk [tilespmem:v13+s9+$0x0], $0xffff  }
0x1d8: {  	v19 =	vimm.f32 $0.0e+00;
	v24 =	vadd.s32 s30, v1;
	v22 =	vld.idx.msk [tilespmem:v9+s9+$0x0], $0xffff;
	v9 =	vadd.s32 s28, v1  }
0x1d9: {  	v33 =	vadd.s32 s18, v1;
	v35 =	vadd.s32 s20, v1;
	v13 =	vadd.s32 s28, v3;
	v18 =	vld.idx.msk [tilespmem:v14+s9+$0x0], $0xffff  }
0x1da: {  	s17 =	simm.s32 $0xF;
	v41 =	vadd.s32 s22, v1;
	v20 =	vadd.s32 s30, v2;
	v23 =	vadd.s32 s30, v3;
	v25 =	vld.idx.msk [tilespmem:v10+s9+$0x0], $0xffff  }
0x1db: {  	s16 =	simm.s32 $0xE;
	v26 =	vadd.s32 s21, v3;
	v27 =	vadd.s32 s17, v2;
	v28 =	vld.idx.msk [tilespmem:v11+s9+$0x0], $0xffff;
	v11 =	vadd.s32 s21, v1  }
0x1dc: {  	v29 =	vadd.s32 s18, v3;
	v30 =	vadd.s32 s16, v2;
	v32 =	vadd.s32 s20, v3;
	s18 =	simm.s32 $0xD;
	v31 =	vld.idx.msk [tilespmem:v12+s2+$0x0], $0xffff  }
0x1dd: {  	v36 =	vadd.s32 s19, v3;
	s20 =	simm.s32 $0xB;
	s19 =	simm.s32 $0xC;
	v40 =	vadd.s32 s22, v3;
	v38 =	vadd.s32 s18, v2;
	v39 =	vld.idx.msk [tilespmem:v9+s2+$0x0], $0xffff  }
0x1de: {  	s31 =	simm.s32 $0x9;
	v14 =	vadd.s32 s20, v2;
	v34 =	vld.idx.msk [tilespmem:v13+s9+$0x0], $0xffff;
	v10 =	vadd.s32 s19, v2;
	v42 =	vmul.f32 v15, v7  }
0x1df: {  	v35 =	vld.idx.msk [tilespmem:v35+s2+$0x0], $0xffff;
	v13 =	vadd.s32 s31, v2;
	v9 =	vadd.s32 s31, v3;
	v15 =	vmul.f32 v15, v8  }
0x1e0: {  	v7 =	vmul.f32 v8, v7;
	v63 =	vmul.f32 v59, v21;
	v51 =	vadd.f32 v42, v19;
	v43 =	vld.idx.msk [tilespmem:v11+s2+$0x0], $0xffff  }
0x1e1: {  	v26 =	vld.idx.msk [tilespmem:v26+s9+$0x0], $0xffff;
	v15 =	vadd.f32 v15, v19;
	v52 =	vmul.f32 v31, v25;
	v31 =	vmul.f32 v31, v28  }
0x1e2: {  	v8 =	vld.idx.msk [tilespmem:v32+s9+$0x0], $0xffff;
	v7 =	vadd.f32 v7, v19;
	v19 =	vmul.f32 v28, v25;
	v54 =	vmul.f32 v39, v22  }
0x1e3: {  	v55 =	vld.idx.msk [tilespmem:v41+s2+$0x0], $0xffff;
	s21 =	simm.s32 $0xA;
	v39 =	vmul.f32 v39, v34;
	v53 =	vadd.f32 v52, v51;
	v15 =	vadd.f32 v31, v15  }
0x1e4: {  	v12 =	vadd.s32 s21, v2;
	v25 =	vld.idx.msk [tilespmem:v40+s9+$0x0], $0xffff;
	v7 =	vadd.f32 v19, v7;
	v19 =	vmul.f32 v34, v22  }
0x1e5: {  	v62 =	vld.idx.msk [tilespmem:v33+s2+$0x0], $0xffff;
	v22 =	vadd.f32 v54, v53;
	v60 =	vadd.f32 v39, v15;
	v57 =	vmul.f32 v43, v18  }
0x1e6: {  	v56 =	vld.idx.msk [tilespmem:v36+s9+$0x0], $0xffff;
	v7 =	vadd.f32 v19, v7;
	v58 =	vmul.f32 v43, v26;
	v18 =	vmul.f32 v26, v18  }
0x1e7: {  	v61 =	vmul.f32 v35, v8;
	v19 =	vld.idx.msk [tilespmem:v29+s9+$0x0], $0xffff;
	v26 =	vmul.f32 v35, v16;
	v22 =	vadd.f32 v57, v22  }
0x1e8: {  	v8 =	vmul.f32 v8, v16;
	v15 =	vld.idx.msk [tilespmem:v20+s9+$0x0], $0xffff;
	v20 =	vadd.f32 v58, v60;
	v7 =	vadd.f32 v18, v7  }
0x1e9: {  	v16 =	vld.idx.msk [tilespmem:v23+s9+$0x0], $0xffff;
	v23 =	vmul.f32 v55, v17;
	v22 =	vadd.f32 v26, v22;
	v26 =	vmul.f32 v55, v25  }
0x1ea: {  	v18 =	vld.idx.msk [tilespmem:v24+s2+$0x0], $0xffff;
	v24 =	vadd.f32 v61, v20;
	v8 =	vadd.f32 v8, v7;
	v25 =	vmul.f32 v25, v17  }
0x1eb: {  	v11 =	vadd.s32 s31, v1;
	v17 =	vld.idx.msk [tilespmem:v27+s9+$0x0], $0xffff;
	v20 =	vmul.f32 v59, v56;
	v27 =	vadd.f32 v23, v22  }
0x1ec: {  	v7 =	vld.idx.msk [tilespmem:v30+s9+$0x0], $0xffff;
	v22 =	vadd.f32 v26, v24;
	v23 =	vadd.f32 v25, v8;
	v25 =	vmul.f32 v56, v21  }
0x1ed: {  	s22 =	simm.s32 $0x10;
	v8 =	vld.idx.msk [tilespmem:v38+s9+$0x0], $0xffff;
	v26 =	vmul.f32 v62, v6;
	v21 =	vmul.f32 v62, v19;
	v24 =	vadd.f32 v63, v27  }
.LBB2_10:
0x1ee: {  	p0 =	slt.u32 s22, $0x38;
	v27 =	vld.idx.msk [tilespmem:v10+s9+$0x0], $0xffff;
	v10 =	vadd.f32 v20, v22;
	v20 =	vadd.f32 v25, v23;
	v30 =	vmul.f32 v19, v6  }
0x1ef: {  	v22 =	vadd.s32 s22, v2;
	v19 =	vadd.s32 s21, v3;
	v23 =	vld.idx.msk [tilespmem:v14+s9+$0x0], $0xffff;
	v24 =	vadd.f32 v26, v24  }
0x1f0: {  	v25 =	vld.idx.msk [tilespmem:v12+s9+$0x0], $0xffff;
	v12 =	vadd.s32 s21, v1;
	v21 =	vadd.f32 v21, v10;
	v20 =	vadd.f32 v30, v20  }
0x1f1: {  	v28 =	vadd.s32 s22, v1;
	v26 =	vadd.s32 s22, v3;
	s21 =	sadd.s32 $0x7, s22;
	v6 =	vmovc v17;
	v29 =	vld.idx.msk [tilespmem:v13+s9+$0x0], $0xffff;
	v13 =	vadd.s32 s20, v3  }
0x1f2: {  	s23 =	sadd.s32 $0x6, s22;
	v31 =	vadd.s32 s20, v1;
	v32 =	vadd.s32 s17, v3;
	v17 =	vadd.s32 s21, v2;
	v30 =	vld.idx.msk [tilespmem:v9+s9+$0x0], $0xffff  }
0x1f3: {  	v35 =	vadd.s32 s19, v3;
	v36 =	vadd.s32 s17, v1;
	v33 =	vadd.s32 s23, v2;
	s17 =	smov.u32 s21;
	v34 =	vld.idx.msk [tilespmem:v11+s2+$0x0], $0xffff  }
0x1f4: {  	s24 =	sadd.s32 $0x5, s22;
	v37 =	vadd.s32 s19, v1;
	v38 =	vadd.s32 s16, v3;
	v39 =	vadd.s32 s16, v1;
	s16 =	smov.u32 s23;
	v19 =	vld.idx.msk [tilespmem:v19+s9+$0x0], $0xffff  }
0x1f5: {  	s19 =	sadd.s32 $0x4, s22;
	v42 =	vadd.s32 s18, v3;
	v43 =	vadd.s32 s18, v1;
	v40 =	vadd.s32 s24, v2;
	s21 =	sadd.s32 $0x2, s22;
	s20 =	sadd.s32 $0x3, s22;
	v41 =	vld.idx.msk [tilespmem:v12+s2+$0x0], $0xffff  }
0x1f6: {  	s23 =	sadd.s32 $0x1, s22;
	s18 =	smov.u32 s24;
	v10 =	vadd.s32 s19, v2;
	v14 =	vadd.s32 s20, v2;
	v12 =	vadd.s32 s21, v2;
	v44 =	vld.idx.msk [tilespmem:v13+s9+$0x0], $0xffff  }
0x1f7: {  	v45 =	vmul.f32 v18, v15;
	v9 =	vadd.s32 s23, v3;
	v13 =	vadd.s32 s23, v2;
	v31 =	vld.idx.msk [tilespmem:v31+s2+$0x0], $0xffff  }
0x1f8: {  	v18 =	vmul.f32 v18, v16;
	v15 =	vmul.f32 v16, v15;
	v11 =	vadd.s32 s23, v1;
	v16 =	vld.idx.msk [tilespmem:v35+s9+$0x0], $0xffff  }
0x1f9: {  	v24 =	vadd.f32 v45, v24;
	v35 =	vmul.f32 v34, v29;
	v34 =	vmul.f32 v34, v30;
	v37 =	vld.idx.msk [tilespmem:v37+s2+$0x0], $0xffff  }
0x1fa: {  	v18 =	vadd.f32 v18, v21;
	v15 =	vadd.f32 v15, v20;
	v20 =	vmul.f32 v30, v29;
	v21 =	vld.idx.msk [tilespmem:v42+s9+$0x0], $0xffff  }
0x1fb: {  	v24 =	vadd.f32 v35, v24;
	v29 =	vmul.f32 v41, v25;
	v30 =	vmul.f32 v41, v19;
	v35 =	vld.idx.msk [tilespmem:v43+s2+$0x0], $0xffff  }
0x1fc: {  	v15 =	vadd.f32 v20, v15;
	v18 =	vadd.f32 v34, v18;
	v19 =	vmul.f32 v19, v25;
	v25 =	vld.idx.msk [tilespmem:v38+s9+$0x0], $0xffff  }
0x1fd: {  	v20 =	vadd.f32 v29, v24;
	v24 =	vmul.f32 v31, v23;
	v29 =	vmul.f32 v31, v44;
	v31 =	vld.idx.msk [tilespmem:v39+s2+$0x0], $0xffff  }
0x1fe: {  	v18 =	vadd.f32 v30, v18;
	v30 =	vadd.f32 v19, v15;
	v23 =	vmul.f32 v44, v23;
	v19 =	vld.idx.msk [tilespmem:v32+s9+$0x0], $0xffff  }
0x1ff: {  	v20 =	vadd.f32 v24, v20;
	v24 =	vmul.f32 v37, v27;
	v32 =	vmul.f32 v37, v16;
	v34 =	vld.idx.msk [tilespmem:v36+s2+$0x0], $0xffff  }
0x200: {  	v23 =	vadd.f32 v23, v30;
	v27 =	vmul.f32 v16, v27;
	v15 =	vld.idx.msk [tilespmem:v22+s9+$0x0], $0xffff;
	v22 =	vadd.f32 v29, v18  }
.Ltmp4:
0x201: {  	v20 =	vadd.f32 v24, v20;
	v24 =	vmul.f32 v35, v8;
	v16 =	vld.idx.msk [tilespmem:v26+s9+$0x0], $0xffff;
	v26 =	vmul.f32 v35, v21;
	(pc) =	sbr.rel @p0 .LBB2_10-.Ltmp4, $4  }
0x202: {  	v23 =	vadd.f32 v27, v23;
	v8 =	vmul.f32 v21, v8;
	v18 =	vld.idx.msk [tilespmem:v28+s2+$0x0], $0xffff;
	v22 =	vadd.f32 v32, v22  }
0x203: {  	v21 =	vadd.f32 v24, v20;
	v24 =	vmul.f32 v31, v7;
	v20 =	vmul.f32 v31, v25;
	v17 =	vld.idx.msk [tilespmem:v17+s9+$0x0], $0xffff  }
0x204: {  	v23 =	vadd.f32 v8, v23;
	v25 =	vmul.f32 v25, v7;
	v22 =	vadd.f32 v26, v22;
	v7 =	vld.idx.msk [tilespmem:v33+s9+$0x0], $0xffff  }
0x205: {  	s22 =	sadd.s32 $0x8, s22;
	v24 =	vadd.f32 v24, v21;
	v26 =	vmul.f32 v34, v6;
	v21 =	vmul.f32 v34, v19;
	v8 =	vld.idx.msk [tilespmem:v40+s9+$0x0], $0xffff  }
0x206: {  	_ =	sdelay $0x3  }
0x207: {  	v14 =	vld.idx.msk [tilespmem:v14+s9+$0x0], $0xffff  }
0x208: {  	v27 =	vadd.s32 s21, v1;
	v12 =	vld.idx.msk [tilespmem:v12+s9+$0x0], $0xffff  }
0x209: {  	v28 =	vadd.s32 s21, v3;
	v13 =	vld.idx.msk [tilespmem:v13+s9+$0x0], $0xffff  }
0x20a: {  	v29 =	vadd.s32 s20, v1;
	v11 =	vld.idx.msk [tilespmem:v11+s2+$0x0], $0xffff  }
0x20b: {  	v20 =	vadd.f32 v20, v22;
	v9 =	vld.idx.msk [tilespmem:v9+s9+$0x0], $0xffff;
	v36 =	vadd.s32 s19, v1  }
0x20c: {  	v62 =	vadd.f32 v25, v23;
	v6 =	vmul.f32 v19, v6;
	v37 =	vadd.s32 s20, v3;
	v10 =	vld.idx.msk [tilespmem:v10+s9+$0x0], $0xffff  }
0x20d: {  	v39 =	vadd.s32 s17, v3;
	v41 =	vadd.s32 s18, v1;
	v43 =	vadd.s32 s19, v3;
	v38 =	vld.idx.msk [tilespmem:v27+s2+$0x0], $0xffff  }
0x20e: {  	v30 =	vadd.s32 s17, v1;
	v63 =	vadd.f32 v26, v24;
	v42 =	vmul.f32 v18, v15;
	v40 =	vld.idx.msk [tilespmem:v28+s9+$0x0], $0xffff  }
0x20f: {  	v31 =	vadd.s32 s16, v3;
	v32 =	vadd.s32 s16, v1;
	v33 =	vadd.s32 s18, v3;
	v29 =	vld.idx.msk [tilespmem:v29+s2+$0x0], $0xffff  }
0x210: {  	v5 =	vadd.f32 $9.999999930e-09, v5;
	v19 =	vadd.f32 v42, v63;
	v44 =	vmul.f32 v11, v13;
	v47 =	vld.idx.msk [tilespmem:v36+s2+$0x0], $0xffff  }
0x211: {  	v46 =	vmul.f32 v16, v15;
	v20 =	vadd.f32 v21, v20;
	v6 =	vadd.f32 v6, v62;
	v21 =	vld.idx.msk [tilespmem:v37+s9+$0x0], $0xffff  }
0x212: {  	v45 =	vmul.f32 v18, v16;
	v49 =	vld.idx.msk [tilespmem:v41+s2+$0x0], $0xffff;
	v19 =	vadd.f32 v44, v19;
	v48 =	vmul.f32 v38, v12  }
0x213: {  	v6 =	vadd.f32 v46, v6;
	v11 =	vmul.f32 v11, v9;
	v9 =	vmul.f32 v9, v13;
	v50 =	vld.idx.msk [tilespmem:v43+s9+$0x0], $0xffff  }
0x214: {  	v4 =	vadd.f32 $9.999999930e-09, v4;
	v53 =	vld.idx.msk [tilespmem:v32+s2+$0x0], $0xffff;
	v52 =	vmul.f32 v29, v14;
	v19 =	vadd.f32 v48, v19  }
0x215: {  	v18 =	vadd.f32 v45, v20;
	v54 =	vld.idx.msk [tilespmem:v33+s9+$0x0], $0xffff;
	v6 =	vadd.f32 v9, v6;
	v9 =	vmul.f32 v40, v12  }
0x216: {  	(erf) = vrcp.f32 v5;
	v57 =	vld.idx.msk [tilespmem:v30+s2+$0x0], $0xffff;
	v55 =	vmul.f32 v47, v10;
	v19 =	vadd.f32 v52, v19  }
0x217: {  	v11 =	vadd.f32 v11, v18;
	v6 =	vadd.f32 v9, v6;
	v9 =	vmul.f32 v21, v14  }
0x218: {  	v58 =	vld.idx.msk [tilespmem:v31+s9+$0x0], $0xffff;
	v51 =	vmul.f32 v38, v40;
	v59 =	vmul.f32 v49, v8;
	v19 =	vadd.f32 v55, v19  }
0x219: {  	v56 =	vmul.f32 v29, v21;
	v6 =	vadd.f32 v9, v6;
	v9 =	vmul.f32 v50, v10  }
0x21a: {  	v61 =	vmul.f32 v53, v7;
	v5 =	vadd.f32 v51, v11;
	v10 =	vld.idx.msk [tilespmem:v39+s9+$0x0], $0xffff;
	v60 =	vadd.f32 v59, v19  }
0x21b: {  	v8 =	vmul.f32 v54, v8;
	v63 =	vmul.f32 v57, v17;
	v6 =	vadd.f32 v9, v6  }
0x21c: {  	v11 =	vmul.f32 v47, v50;
	v5 =	vadd.f32 v56, v5;
	v62 =	vadd.f32 v61, v60  }
0x21d: {  	(erf) = vrcp.f32 v4;
	v7 =	vmul.f32 v58, v7;
	v6 =	vadd.f32 v8, v6  }
0x21e: {  	v9 =	vmul.f32 v49, v54;
	v5 =	vadd.f32 v11, v5;
	v11 =	vadd.f32 v63, v62  }
0x21f: {  	s23 =	simm.s32 $0x0;
	v8 =	vmul.f32 v53, v58;
	v6 =	vadd.f32 v7, v6;
	v7 =	vmul.f32 v10, v17  }
0x220: {  	v5 =	vadd.f32 v9, v5;
	v9 =	vadd.f32 v11, v11;
	v11 =	vadd.s32 s23, v2  }
0x221: {  	v4 =	vpop (erf);
	v10 =	vmul.f32 v57, v10;
	v6 =	vadd.f32 v7, v6;
	v7 =	vadd.s32 s23, v3  }
0x222: {  	v5 =	vadd.f32 v8, v5;
	v8 =	vadd.s32 s23, v1;
	v4 =	vmul.f32 v9, v4;
	_ =	sdelay $0x1  }
0x223: {  	v5 =	vadd.f32 v10, v5;
	v6 =	vmul.f32 v6, v4  }
0x224: {  	v9 =	vld.idx.msk [tilespmem:v11+s9+$0x0], $0xffff  }
0x225: {  	v7 =	vld.idx.msk [tilespmem:v7+s9+$0x0], $0xffff;
	v5 =	vsub.f32 v5, v6  }
0x226: {  	v6 =	vld.idx.msk [tilespmem:v8+s2+$0x0], $0xffff  }
0x227: {  	v5 =	vadd.f32 v5, v5  }
0x228: {  	v10 =	vpop (erf)  }
0x229: {  	v5 =	vmul.f32 v5, v10;
	v9 =	vmul.f32 v9, v4  }
0x22a: {  	s24 =	simm.s32 $0x1  }
0x22b: {  	v6 =	vsub.f32 v6, v9;
	v7 =	vmul.f32 v7, v5;
	v9 =	vadd.s32 s24, v2  }
0x22c: {  	v10 =	vadd.s32 s24, v1  }
0x22d: {  	v6 =	vsub.f32 v6, v7;
	v7 =	vadd.s32 s24, v3;
	_ =	sdelay $0x1  }
0x22e: {  	[tilespmem:v8+s2+$0x0] =	vst.idx.msk $0xffff, v6  }
0x22f: {  	v6 =	vld.idx.msk [tilespmem:v9+s9+$0x0], $0xffff  }
0x230: {  	v8 =	vld.idx.msk [tilespmem:v10+s2+$0x0], $0xffff  }
0x231: {  	v7 =	vld.idx.msk [tilespmem:v7+s9+$0x0], $0xffff;
	_ =	sdelay $0x2  }
0x232: {  	v6 =	vmul.f32 v6, v4  }
0x233: {  	s25 =	simm.s32 $0x2  }
0x234: {  	v6 =	vsub.f32 v8, v6;
	v7 =	vmul.f32 v7, v5;
	v8 =	vadd.s32 s25, v2  }
0x235: {  	v9 =	vadd.s32 s25, v1  }
0x236: {  	v6 =	vsub.f32 v6, v7;
	v7 =	vadd.s32 s25, v3;
	_ =	sdelay $0x1  }
0x237: {  	[tilespmem:v10+s2+$0x0] =	vst.idx.msk $0xffff, v6  }
0x238: {  	v6 =	vld.idx.msk [tilespmem:v8+s9+$0x0], $0xffff  }
0x239: {  	v8 =	vld.idx.msk [tilespmem:v9+s2+$0x0], $0xffff  }
0x23a: {  	v7 =	vld.idx.msk [tilespmem:v7+s9+$0x0], $0xffff;
	_ =	sdelay $0x2  }
0x23b: {  	v6 =	vmul.f32 v6, v4  }
0x23c: {  	s26 =	simm.s32 $0x3  }
0x23d: {  	v6 =	vsub.f32 v8, v6;
	v7 =	vmul.f32 v7, v5;
	v8 =	vadd.s32 s26, v2  }
0x23e: {  	v10 =	vadd.s32 s26, v1  }
0x23f: {  	v6 =	vsub.f32 v6, v7;
	v7 =	vadd.s32 s26, v3;
	_ =	sdelay $0x1  }
0x240: {  	[tilespmem:v9+s2+$0x0] =	vst.idx.msk $0xffff, v6  }
0x241: {  	v6 =	vld.idx.msk [tilespmem:v8+s9+$0x0], $0xffff  }
0x242: {  	v8 =	vld.idx.msk [tilespmem:v10+s2+$0x0], $0xffff  }
0x243: {  	v7 =	vld.idx.msk [tilespmem:v7+s9+$0x0], $0xffff;
	_ =	sdelay $0x2  }
0x244: {  	v6 =	vmul.f32 v6, v4  }
0x245: {  	s28 =	simm.s32 $0x4  }
0x246: {  	v6 =	vsub.f32 v8, v6;
	v7 =	vmul.f32 v7, v5;
	v8 =	vadd.s32 s28, v2  }
0x247: {  	v9 =	vadd.s32 s28, v1  }
0x248: {  	v6 =	vsub.f32 v6, v7;
	v7 =	vadd.s32 s28, v3;
	_ =	sdelay $0x1  }
0x249: {  	[tilespmem:v10+s2+$0x0] =	vst.idx.msk $0xffff, v6  }
0x24a: {  	v6 =	vld.idx.msk [tilespmem:v8+s9+$0x0], $0xffff  }
0x24b: {  	v8 =	vld.idx.msk [tilespmem:v9+s2+$0x0], $0xffff  }
0x24c: {  	v7 =	vld.idx.msk [tilespmem:v7+s9+$0x0], $0xffff;
	_ =	sdelay $0x2  }
0x24d: {  	v6 =	vmul.f32 v6, v4  }
0x24e: {  	s29 =	simm.s32 $0x5  }
0x24f: {  	v6 =	vsub.f32 v8, v6;
	v7 =	vmul.f32 v7, v5;
	v8 =	vadd.s32 s29, v2  }
0x250: {  	v10 =	vadd.s32 s29, v3  }
0x251: {  	v6 =	vsub.f32 v6, v7;
	v7 =	vadd.s32 s29, v1;
	_ =	sdelay $0x1  }
0x252: {  	[tilespmem:v9+s2+$0x0] =	vst.idx.msk $0xffff, v6  }
0x253: {  	v6 =	vld.idx.msk [tilespmem:v8+s9+$0x0], $0xffff  }
0x254: {  	v8 =	vld.idx.msk [tilespmem:v10+s9+$0x0], $0xffff  }
0x255: {  	v9 =	vld.idx.msk [tilespmem:v7+s2+$0x0], $0xffff;
	_ =	sdelay $0x2  }
0x256: {  	v6 =	vmul.f32 v6, v4  }
0x257: {  	s30 =	simm.s32 $0x6  }
0x258: {  	v8 =	vmul.f32 v8, v5;
	v6 =	vsub.f32 v9, v6;
	v9 =	vadd.s32 s30, v2  }
0x259: {  	v10 =	vadd.s32 s30, v3  }
0x25a: {  	v6 =	vsub.f32 v6, v8;
	v8 =	vadd.s32 s30, v1;
	_ =	sdelay $0x1  }
0x25b: {  	[tilespmem:v7+s2+$0x0] =	vst.idx.msk $0xffff, v6  }
0x25c: {  	v6 =	vld.idx.msk [tilespmem:v9+s9+$0x0], $0xffff  }
0x25d: {  	v7 =	vld.idx.msk [tilespmem:v10+s9+$0x0], $0xffff  }
0x25e: {  	v9 =	vld.idx.msk [tilespmem:v8+s2+$0x0], $0xffff;
	_ =	sdelay $0x2  }
0x25f: {  	v6 =	vmul.f32 v6, v4  }
0x260: {  	s31 =	simm.s32 $0x7  }
0x261: {  	v7 =	vmul.f32 v7, v5;
	v6 =	vsub.f32 v9, v6;
	v9 =	vadd.s32 s31, v2  }
0x262: {  	v10 =	vadd.s32 s31, v3  }
0x263: {  	v6 =	vsub.f32 v6, v7;
	v7 =	vadd.s32 s31, v1;
	_ =	sdelay $0x1  }
0x264: {  	[tilespmem:v8+s2+$0x0] =	vst.idx.msk $0xffff, v6  }
0x265: {  	v6 =	vld.idx.msk [tilespmem:v9+s9+$0x0], $0xffff  }
0x266: {  	v8 =	vld.idx.msk [tilespmem:v10+s9+$0x0], $0xffff  }
0x267: {  	v9 =	vld.idx.msk [tilespmem:v7+s2+$0x0], $0xffff;
	_ =	sdelay $0x2  }
0x268: {  	v6 =	vmul.f32 v6, v4  }
0x269: {  	s16 =	simm.s32 $0x8  }
0x26a: {  	v11 =	vmul.f32 v8, v5;
	v8 =	vadd.s32 s16, v2;
	v10 =	vsub.f32 v9, v6  }
0x26b: {  	v6 =	vadd.s32 s16, v1  }
0x26c: {  	s17 =	simm.s32 $0x10;
	v9 =	vadd.s32 s16, v3;
	v10 =	vsub.f32 v10, v11  }
.LBB2_12:
0x26d: {  	_ = 	snop  }
0x26e: {  	p0 =	slt.u32 s17, $0x38;
	s18 =	smov.u32 s17;
	s17 =	sadd.s32 $0x8, s17;
	[tilespmem:v7+s2+$0x0] =	vst.idx.msk $0xffff, v10  }
0x26f: {  	v7 =	vld.idx.msk [tilespmem:v8+s9+$0x0], $0xffff  }
0x270: {  	v8 =	vld.idx.msk [tilespmem:v6+s2+$0x0], $0xffff  }
0x271: {  	v9 =	vld.idx.msk [tilespmem:v9+s9+$0x0], $0xffff;
	_ =	sdelay $0x3  }
0x272: {  	v7 =	vmul.f32 v7, v4  }
0x273: {  	s19 =	sadd.s32 $0x1, s16  }
0x274: {  	v7 =	vsub.f32 v8, v7;
	v8 =	vmul.f32 v9, v5;
	v9 =	vadd.s32 s19, v2  }
0x275: {  	v10 =	vadd.s32 s19, v1  }
0x276: {  	v7 =	vsub.f32 v7, v8;
	v8 =	vadd.s32 s19, v3;
	_ =	sdelay $0x1  }
0x277: {  	[tilespmem:v6+s2+$0x0] =	vst.idx.msk $0xffff, v7  }
0x278: {  	v6 =	vld.idx.msk [tilespmem:v9+s9+$0x0], $0xffff  }
0x279: {  	v7 =	vld.idx.msk [tilespmem:v10+s2+$0x0], $0xffff  }
0x27a: {  	v8 =	vld.idx.msk [tilespmem:v8+s9+$0x0], $0xffff;
	_ =	sdelay $0x3  }
0x27b: {  	v6 =	vmul.f32 v6, v4  }
0x27c: {  	s19 =	sadd.s32 $0x2, s16  }
0x27d: {  	v6 =	vsub.f32 v7, v6;
	v7 =	vmul.f32 v8, v5;
	v8 =	vadd.s32 s19, v2  }
0x27e: {  	v9 =	vadd.s32 s19, v1  }
0x27f: {  	v6 =	vsub.f32 v6, v7;
	v7 =	vadd.s32 s19, v3;
	_ =	sdelay $0x1  }
0x280: {  	[tilespmem:v10+s2+$0x0] =	vst.idx.msk $0xffff, v6  }
0x281: {  	v6 =	vld.idx.msk [tilespmem:v8+s9+$0x0], $0xffff  }
0x282: {  	v8 =	vld.idx.msk [tilespmem:v9+s2+$0x0], $0xffff  }
0x283: {  	v7 =	vld.idx.msk [tilespmem:v7+s9+$0x0], $0xffff;
	_ =	sdelay $0x3  }
0x284: {  	v6 =	vmul.f32 v6, v4  }
0x285: {  	s19 =	sadd.s32 $0x3, s16  }
0x286: {  	v6 =	vsub.f32 v8, v6;
	v7 =	vmul.f32 v7, v5;
	v8 =	vadd.s32 s19, v2  }
0x287: {  	v10 =	vadd.s32 s19, v1  }
0x288: {  	v6 =	vsub.f32 v6, v7;
	v7 =	vadd.s32 s19, v3;
	_ =	sdelay $0x1  }
0x289: {  	[tilespmem:v9+s2+$0x0] =	vst.idx.msk $0xffff, v6  }
0x28a: {  	v6 =	vld.idx.msk [tilespmem:v8+s9+$0x0], $0xffff  }
0x28b: {  	v8 =	vld.idx.msk [tilespmem:v10+s2+$0x0], $0xffff  }
0x28c: {  	v7 =	vld.idx.msk [tilespmem:v7+s9+$0x0], $0xffff;
	_ =	sdelay $0x3  }
0x28d: {  	v6 =	vmul.f32 v6, v4  }
0x28e: {  	s19 =	sadd.s32 $0x4, s16  }
0x28f: {  	v6 =	vsub.f32 v8, v6;
	v7 =	vmul.f32 v7, v5;
	v8 =	vadd.s32 s19, v2  }
0x290: {  	v9 =	vadd.s32 s19, v1  }
0x291: {  	v6 =	vsub.f32 v6, v7;
	v7 =	vadd.s32 s19, v3;
	_ =	sdelay $0x1  }
0x292: {  	[tilespmem:v10+s2+$0x0] =	vst.idx.msk $0xffff, v6  }
0x293: {  	v6 =	vld.idx.msk [tilespmem:v8+s9+$0x0], $0xffff  }
0x294: {  	v8 =	vld.idx.msk [tilespmem:v9+s2+$0x0], $0xffff  }
0x295: {  	v7 =	vld.idx.msk [tilespmem:v7+s9+$0x0], $0xffff;
	_ =	sdelay $0x3  }
0x296: {  	v6 =	vmul.f32 v6, v4  }
0x297: {  	s19 =	sadd.s32 $0x5, s16  }
0x298: {  	v6 =	vsub.f32 v8, v6;
	v7 =	vmul.f32 v7, v5;
	v8 =	vadd.s32 s19, v2  }
0x299: {  	v10 =	vadd.s32 s19, v3  }
0x29a: {  	v6 =	vsub.f32 v6, v7;
	v7 =	vadd.s32 s19, v1;
	_ =	sdelay $0x1  }
0x29b: {  	[tilespmem:v9+s2+$0x0] =	vst.idx.msk $0xffff, v6  }
0x29c: {  	v6 =	vld.idx.msk [tilespmem:v8+s9+$0x0], $0xffff  }
0x29d: {  	v8 =	vld.idx.msk [tilespmem:v10+s9+$0x0], $0xffff  }
0x29e: {  	v9 =	vld.idx.msk [tilespmem:v7+s2+$0x0], $0xffff;
	_ =	sdelay $0x3  }
0x29f: {  	v6 =	vmul.f32 v6, v4  }
0x2a0: {  	s19 =	sadd.s32 $0x6, s16  }
0x2a1: {  	v8 =	vmul.f32 v8, v5;
	v6 =	vsub.f32 v9, v6;
	v9 =	vadd.s32 s19, v2  }
0x2a2: {  	v10 =	vadd.s32 s19, v3  }
0x2a3: {  	v6 =	vsub.f32 v6, v8;
	v8 =	vadd.s32 s19, v1;
	_ =	sdelay $0x1  }
0x2a4: {  	[tilespmem:v7+s2+$0x0] =	vst.idx.msk $0xffff, v6  }
0x2a5: {  	v6 =	vld.idx.msk [tilespmem:v9+s9+$0x0], $0xffff  }
0x2a6: {  	v7 =	vld.idx.msk [tilespmem:v10+s9+$0x0], $0xffff  }
0x2a7: {  	v9 =	vld.idx.msk [tilespmem:v8+s2+$0x0], $0xffff;
	_ =	sdelay $0x3  }
0x2a8: {  	v6 =	vmul.f32 v6, v4  }
0x2a9: {  	s19 =	sadd.s32 $0x7, s16;
	s16 =	smov.u32 s18  }
0x2aa: {  	v7 =	vmul.f32 v7, v5;
	v6 =	vsub.f32 v9, v6;
	v9 =	vadd.s32 s19, v2  }
0x2ab: {  	v10 =	vadd.s32 s19, v3  }
0x2ac: {  	v6 =	vsub.f32 v6, v7;
	v7 =	vadd.s32 s19, v1;
	_ =	sdelay $0x1  }
0x2ad: {  	[tilespmem:v8+s2+$0x0] =	vst.idx.msk $0xffff, v6  }
0x2ae: {  	v6 =	vld.idx.msk [tilespmem:v9+s9+$0x0], $0xffff  }
0x2af: {  	v9 =	vld.idx.msk [tilespmem:v10+s9+$0x0], $0xffff  }
0x2b0: {  	v10 =	vld.idx.msk [tilespmem:v7+s2+$0x0], $0xffff;
	_ =	sdelay $0x3  }
.Ltmp5:
0x2b1: {  	v6 =	vmul.f32 v6, v4;
	(pc) =	sbr.rel @p0 .LBB2_12-.Ltmp5, $4  }
0x2b2: {  	_ = 	snop  }
0x2b3: {  	v8 =	vadd.s32 s16, v2;
	v11 =	vmul.f32 v9, v5;
	v10 =	vsub.f32 v10, v6  }
0x2b4: {  	v6 =	vadd.s32 s16, v1  }
0x2b5: {  	v9 =	vadd.s32 s16, v3;
	v10 =	vsub.f32 v10, v11  }
0x2b6: {  	_ =	sdelay $0x3  }
0x2b7: {  	[tilespmem:v7+s2+$0x0] =	vst.idx.msk $0xffff, v10  }
0x2b8: {  	v7 =	vld.idx.msk [tilespmem:v8+s9+$0x0], $0xffff  }
0x2b9: {  	v8 =	vld.idx.msk [tilespmem:v6+s2+$0x0], $0xffff  }
0x2ba: {  	v9 =	vld.idx.msk [tilespmem:v9+s9+$0x0], $0xffff;
	_ =	sdelay $0x2  }
0x2bb: {  	v7 =	vmul.f32 v7, v4  }
0x2bc: {  	s17 =	sadd.s32 $0x1, s16  }
0x2bd: {  	v7 =	vsub.f32 v8, v7;
	v8 =	vmul.f32 v9, v5;
	v9 =	vadd.s32 s17, v2  }
0x2be: {  	v10 =	vadd.s32 s17, v1  }
0x2bf: {  	v7 =	vsub.f32 v7, v8;
	v8 =	vadd.s32 s17, v3;
	_ =	sdelay $0x1  }
0x2c0: {  	[tilespmem:v6+s2+$0x0] =	vst.idx.msk $0xffff, v7  }
0x2c1: {  	v6 =	vld.idx.msk [tilespmem:v9+s9+$0x0], $0xffff  }
0x2c2: {  	v7 =	vld.idx.msk [tilespmem:v10+s2+$0x0], $0xffff  }
0x2c3: {  	v8 =	vld.idx.msk [tilespmem:v8+s9+$0x0], $0xffff;
	_ =	sdelay $0x2  }
0x2c4: {  	v6 =	vmul.f32 v6, v4  }
0x2c5: {  	s23 =	sadd.s32 $0x2, s16  }
0x2c6: {  	v6 =	vsub.f32 v7, v6;
	v7 =	vmul.f32 v8, v5;
	v8 =	vadd.s32 s23, v2  }
0x2c7: {  	v9 =	vadd.s32 s23, v1  }
0x2c8: {  	v6 =	vsub.f32 v6, v7;
	v7 =	vadd.s32 s23, v3;
	_ =	sdelay $0x1  }
0x2c9: {  	[tilespmem:v10+s2+$0x0] =	vst.idx.msk $0xffff, v6  }
0x2ca: {  	v6 =	vld.idx.msk [tilespmem:v8+s9+$0x0], $0xffff  }
0x2cb: {  	v8 =	vld.idx.msk [tilespmem:v9+s2+$0x0], $0xffff  }
0x2cc: {  	v7 =	vld.idx.msk [tilespmem:v7+s9+$0x0], $0xffff;
	_ =	sdelay $0x2  }
0x2cd: {  	v6 =	vmul.f32 v6, v4  }
0x2ce: {  	s24 =	sadd.s32 $0x3, s16  }
0x2cf: {  	v6 =	vsub.f32 v8, v6;
	v7 =	vmul.f32 v7, v5;
	v8 =	vadd.s32 s24, v2  }
0x2d0: {  	v10 =	vadd.s32 s24, v1  }
0x2d1: {  	v6 =	vsub.f32 v6, v7;
	v7 =	vadd.s32 s24, v3;
	_ =	sdelay $0x1  }
0x2d2: {  	[tilespmem:v9+s2+$0x0] =	vst.idx.msk $0xffff, v6  }
0x2d3: {  	v6 =	vld.idx.msk [tilespmem:v8+s9+$0x0], $0xffff  }
0x2d4: {  	v8 =	vld.idx.msk [tilespmem:v10+s2+$0x0], $0xffff  }
0x2d5: {  	v7 =	vld.idx.msk [tilespmem:v7+s9+$0x0], $0xffff;
	_ =	sdelay $0x2  }
0x2d6: {  	v6 =	vmul.f32 v6, v4  }
0x2d7: {  	s25 =	sadd.s32 $0x4, s16  }
0x2d8: {  	v6 =	vsub.f32 v8, v6;
	v7 =	vmul.f32 v7, v5;
	v8 =	vadd.s32 s25, v2  }
0x2d9: {  	v9 =	vadd.s32 s25, v1  }
0x2da: {  	v6 =	vsub.f32 v6, v7;
	v7 =	vadd.s32 s25, v3;
	_ =	sdelay $0x1  }
0x2db: {  	[tilespmem:v10+s2+$0x0] =	vst.idx.msk $0xffff, v6  }
0x2dc: {  	v6 =	vld.idx.msk [tilespmem:v8+s9+$0x0], $0xffff  }
0x2dd: {  	v8 =	vld.idx.msk [tilespmem:v9+s2+$0x0], $0xffff  }
0x2de: {  	v7 =	vld.idx.msk [tilespmem:v7+s9+$0x0], $0xffff;
	_ =	sdelay $0x2  }
0x2df: {  	v6 =	vmul.f32 v6, v4  }
0x2e0: {  	s26 =	sadd.s32 $0x5, s16  }
0x2e1: {  	v6 =	vsub.f32 v8, v6;
	v7 =	vmul.f32 v7, v5;
	v8 =	vadd.s32 s26, v2  }
0x2e2: {  	v10 =	vadd.s32 s26, v3  }
0x2e3: {  	v6 =	vsub.f32 v6, v7;
	v7 =	vadd.s32 s26, v1;
	_ =	sdelay $0x1  }
0x2e4: {  	[tilespmem:v9+s2+$0x0] =	vst.idx.msk $0xffff, v6  }
0x2e5: {  	v6 =	vld.idx.msk [tilespmem:v8+s9+$0x0], $0xffff  }
0x2e6: {  	v8 =	vld.idx.msk [tilespmem:v10+s9+$0x0], $0xffff  }
0x2e7: {  	v9 =	vld.idx.msk [tilespmem:v7+s2+$0x0], $0xffff;
	_ =	sdelay $0x2  }
0x2e8: {  	v6 =	vmul.f32 v6, v4  }
0x2e9: {  	s28 =	sadd.s32 $0x6, s16  }
0x2ea: {  	v8 =	vmul.f32 v8, v5;
	v6 =	vsub.f32 v9, v6;
	v9 =	vadd.s32 s28, v2  }
0x2eb: {  	v10 =	vadd.s32 s28, v3  }
0x2ec: {  	v6 =	vsub.f32 v6, v8;
	v8 =	vadd.s32 s28, v1;
	_ =	sdelay $0x1  }
0x2ed: {  	[tilespmem:v7+s2+$0x0] =	vst.idx.msk $0xffff, v6  }
0x2ee: {  	v6 =	vld.idx.msk [tilespmem:v9+s9+$0x0], $0xffff  }
0x2ef: {  	v7 =	vld.idx.msk [tilespmem:v10+s9+$0x0], $0xffff  }
0x2f0: {  	v9 =	vld.idx.msk [tilespmem:v8+s2+$0x0], $0xffff;
	_ =	sdelay $0x2  }
0x2f1: {  	v6 =	vmul.f32 v6, v4  }
0x2f2: {  	s29 =	sadd.s32 $0x7, s16  }
0x2f3: {  	v2 =	vadd.s32 s29, v2;
	v7 =	vmul.f32 v7, v5;
	v6 =	vsub.f32 v9, v6  }
0x2f4: {  	v3 =	vadd.s32 s29, v3  }
0x2f5: {  	v6 =	vsub.f32 v6, v7;
	v7 =	vadd.s32 s29, v1;
	_ =	sdelay $0x1  }
0x2f6: {  	[tilespmem:v8+s2+$0x0] =	vst.idx.msk $0xffff, v6  }
0x2f7: {  	v2 =	vld.idx.msk [tilespmem:v2+s9+$0x0], $0xffff  }
0x2f8: {  	v3 =	vld.idx.msk [tilespmem:v3+s9+$0x0], $0xffff  }
0x2f9: {  	v6 =	vld.idx.msk [tilespmem:v7+s2+$0x0], $0xffff;
	_ =	sdelay $0x2  }
0x2fa: {  	v2 =	vmul.f32 v2, v4;
	_ =	sdelay $0x1  }
0x2fb: {  	v3 =	vmul.f32 v3, v5;
	v2 =	vsub.f32 v6, v2;
	_ =	sdelay $0x1  }
0x2fc: {  	v2 =	vsub.f32 v2, v3;
	_ =	sdelay $0x1  }
0x2fd: {  	[tilespmem:v7+s2+$0x0] =	vst.idx.msk $0xffff, v2  }
0x2fe: {  	v4 =	vld [tilespmem:$0x1920]  }
0x2ff: {  	v5 =	vld [tilespmem:$0x19A0];
	_ =	sdelay $0x3  }
0x300: {  	v2 =	vmul.u32 $0x41, v4  }
0x301: {  	s30 =	simm.s32 $0x0;
	v3 =	vmul.u32 $0x41, v5  }
0x302: {  	v7 =	vadd.s32 s30, v2  }
0x303: {  	s18 =	simm.s32 $0x7;
	v8 =	vadd.s32 s30, v3  }
0x304: {  	s19 =	simm.s32 $0x6;
	v9 =	vadd.s32 s18, v2  }
0x305: {  	s22 =	simm.s32 $0x5;
	v10 =	vadd.s32 s19, v2  }
0x306: {  	s20 =	simm.s32 $0x4;
	v11 =	vadd.s32 s22, v2;
	v6 =	vld.idx.msk [tilespmem:v4+s13+$0x0], $0xffff  }
0x307: {  	s21 =	simm.s32 $0x3;
	v12 =	vadd.s32 s20, v2;
	v17 =	vld.idx.msk [tilespmem:v7+s9+$0x0], $0xffff  }
0x308: {  	s31 =	simm.s32 $0x2;
	v13 =	vadd.s32 s21, v2;
	v8 =	vld.idx.msk [tilespmem:v8+s9+$0x0], $0xffff  }
0x309: {  	s23 =	simm.s32 $0x1;
	v14 =	vadd.s32 s31, v2;
	v4 =	vadd.s32 $0x820, v0;
	v7 =	vld.idx.msk [tilespmem:v9+s9+$0x0], $0xffff  }
0x30a: {  	v15 =	vadd.s32 s23, v4;
	v22 =	vld.idx.msk [tilespmem:v10+s9+$0x0], $0xffff  }
0x30b: {  	v10 =	vadd.s32 s30, v4;
	v19 =	vld.idx.msk [tilespmem:v11+s9+$0x0], $0xffff  }
0x30c: {  	v9 =	vadd.s32 s23, v2;
	v12 =	vld.idx.msk [tilespmem:v12+s9+$0x0], $0xffff  }
0x30d: {  	v11 =	vadd.s32 s23, v3;
	v18 =	vld.idx.msk [tilespmem:v13+s9+$0x0], $0xffff  }
0x30e: {  	v21 =	vld.idx.msk [tilespmem:v14+s9+$0x0], $0xffff;
	v13 =	vadd.s32 s31, v3  }
0x30f: {  	v14 =	vadd.s32 s31, v4;
	v34 =	vld.idx.msk [tilespmem:v15+s2+$0x0], $0xffff  }
0x310: {  	s24 =	simm.s32 $0x8;
	v25 =	vadd.s32 s21, v3;
	v26 =	vld.idx.msk [tilespmem:v10+s2+$0x0], $0xffff  }
0x311: {  	v20 =	vimm.f32 $0.0e+00;
	s17 =	simm.s32 $0xF;
	v23 =	vadd.s32 s24, v2;
	v28 =	vadd.s32 s21, v4;
	v9 =	vld.idx.msk [tilespmem:v9+s9+$0x0], $0xffff  }
0x312: {  	s16 =	simm.s32 $0xE;
	v24 =	vadd.s32 s24, v3;
	v27 =	vadd.s32 s17, v2;
	v40 =	vadd.s32 s22, v3;
	v30 =	vld.idx.msk [tilespmem:v11+s9+$0x0], $0xffff  }
0x313: {  	v29 =	vadd.s32 s18, v3;
	v31 =	vadd.s32 s16, v2;
	v35 =	vadd.s32 s20, v4;
	v38 =	vld.idx.msk [tilespmem:v13+s9+$0x0], $0xffff  }
0x314: {  	v32 =	vadd.s32 s20, v3;
	v36 =	vadd.s32 s19, v3;
	v33 =	vadd.s32 s18, v4;
	v42 =	vld.idx.msk [tilespmem:v14+s2+$0x0], $0xffff  }
0x315: {  	s18 =	simm.s32 $0xD;
	v37 =	vadd.s32 s19, v4;
	v41 =	vadd.s32 s22, v4;
	v25 =	vld.idx.msk [tilespmem:v25+s9+$0x0], $0xffff;
	v43 =	vmul.f32 v26, v17  }
0x316: {  	v39 =	vadd.s32 s18, v2;
	v28 =	vld.idx.msk [tilespmem:v28+s2+$0x0], $0xffff;
	v26 =	vmul.f32 v26, v8;
	v8 =	vmul.f32 v8, v17  }
0x317: {  	v58 =	vld.idx.msk [tilespmem:v40+s9+$0x0], $0xffff;
	v57 =	vmul.f32 v34, v9;
	v34 =	vmul.f32 v34, v30;
	v56 =	vadd.f32 v43, v20  }
0x318: {  	v35 =	vld.idx.msk [tilespmem:v35+s2+$0x0], $0xffff;
	v9 =	vmul.f32 v30, v9;
	v26 =	vadd.f32 v26, v20;
	v8 =	vadd.f32 v8, v20  }
0x319: {  	v17 =	vld.idx.msk [tilespmem:v32+s9+$0x0], $0xffff;
	v59 =	vmul.f32 v42, v21;
	v60 =	vmul.f32 v42, v38;
	v20 =	vadd.f32 v57, v56  }
0x31a: {  	v41 =	vld.idx.msk [tilespmem:v41+s2+$0x0], $0xffff;
	v26 =	vadd.f32 v34, v26;
	v8 =	vadd.f32 v9, v8;
	v9 =	vmul.f32 v38, v21  }
0x31b: {  	v61 =	vld.idx.msk [tilespmem:v36+s9+$0x0], $0xffff;
	v62 =	vmul.f32 v28, v18;
	v28 =	vmul.f32 v28, v25;
	v21 =	vadd.f32 v59, v20  }
0x31c: {  	s20 =	simm.s32 $0xB;
	v63 =	vld.idx.msk [tilespmem:v37+s2+$0x0], $0xffff;
	v26 =	vadd.f32 v60, v26;
	v8 =	vadd.f32 v9, v8;
	v9 =	vmul.f32 v25, v18  }
0x31d: {  	v16 =	vadd.s32 s20, v2;
	v20 =	vld.idx.msk [tilespmem:v29+s9+$0x0], $0xffff;
	v18 =	vadd.f32 v62, v21;
	v21 =	vmul.f32 v35, v12  }
0x31e: {  	v25 =	vmul.f32 v35, v17;
	v29 =	vld.idx.msk [tilespmem:v33+s2+$0x0], $0xffff;
	v26 =	vadd.f32 v28, v26;
	v8 =	vadd.f32 v9, v8  }
0x31f: {  	s21 =	simm.s32 $0xA;
	s19 =	simm.s32 $0xC;
	v9 =	vmul.f32 v17, v12;
	v12 =	vadd.f32 v21, v18;
	v21 =	vmul.f32 v41, v19  }
0x320: {  	v15 =	vadd.s32 s24, v4;
	v13 =	vadd.s32 s21, v2;
	v11 =	vadd.s32 s19, v2;
	v17 =	vld.idx.msk [tilespmem:v23+s9+$0x0], $0xffff  }
0x321: {  	v23 =	vmul.f32 v41, v58;
	v18 =	vld.idx.msk [tilespmem:v24+s9+$0x0], $0xffff;
	v24 =	vadd.f32 v25, v26;
	v12 =	vadd.f32 v21, v12  }
0x322: {  	v5 =	vld.idx.msk [tilespmem:v5+s13+$0x0], $0xffff;
	s22 =	simm.s32 $0x9;
	v9 =	vadd.f32 v9, v8;
	v25 =	vmul.f32 v58, v19;
	v26 =	vmul.f32 v63, v22  }
0x323: {  	v14 =	vadd.s32 s22, v2;
	v19 =	vld.idx.msk [tilespmem:v27+s9+$0x0], $0xffff;
	v27 =	vmul.f32 v29, v7;
	v21 =	vmul.f32 v63, v61  }
0x324: {  	v8 =	vld.idx.msk [tilespmem:v31+s9+$0x0], $0xffff;
	v23 =	vadd.f32 v23, v24;
	v24 =	vadd.f32 v25, v9;
	v25 =	vmul.f32 v61, v22  }
0x325: {  	s23 =	simm.s32 $0x10;
	v10 =	vadd.s32 s22, v3;
	v9 =	vld.idx.msk [tilespmem:v39+s9+$0x0], $0xffff;
	v22 =	vmul.f32 v29, v20;
	v26 =	vadd.f32 v26, v12;
	v12 =	vmovc v4  }
.LBB2_14:
0x326: {  	p0 =	slt.u32 s23, $0x38;
	v28 =	vld.idx.msk [tilespmem:v11+s9+$0x0], $0xffff;
	v11 =	vadd.f32 v21, v23;
	v21 =	vadd.f32 v25, v24;
	v29 =	vmul.f32 v20, v7  }
0x327: {  	v20 =	vadd.s32 s22, v12;
	v23 =	vld.idx.msk [tilespmem:v16+s9+$0x0], $0xffff;
	v24 =	vadd.f32 v27, v26  }
0x328: {  	v25 =	vld.idx.msk [tilespmem:v13+s9+$0x0], $0xffff;
	v13 =	vadd.s32 s21, v3;
	v22 =	vadd.f32 v22, v11;
	v21 =	vadd.f32 v29, v21  }
0x329: {  	v26 =	vadd.s32 s23, v2;
	v11 =	vadd.s32 s21, v12;
	v7 =	vmov v19;
	v27 =	vld.idx.msk [tilespmem:v14+s9+$0x0], $0xffff  }
0x32a: {  	v19 =	vadd.s32 s23, v3;
	s21 =	sadd.s32 $0x7, s23;
	v14 =	vadd.s32 s20, v3;
	v29 =	vld.idx.msk [tilespmem:v15+s2+$0x0], $0xffff  }
0x32b: {  	s22 =	sadd.s32 $0x6, s23;
	v32 =	vadd.s32 s17, v3;
	v30 =	vadd.s32 s21, v2;
	v15 =	vadd.s32 s20, v12;
	v31 =	vld.idx.msk [tilespmem:v10+s9+$0x0], $0xffff  }
0x32c: {  	v34 =	vadd.s32 s19, v3;
	v35 =	vadd.s32 s17, v12;
	v33 =	vadd.s32 s22, v2;
	s17 =	smov.u32 s21;
	v20 =	vld.idx.msk [tilespmem:v20+s2+$0x0], $0xffff  }
0x32d: {  	s24 =	sadd.s32 $0x5, s23;
	v37 =	vadd.s32 s19, v12;
	v38 =	vadd.s32 s16, v3;
	v39 =	vadd.s32 s16, v12;
	s16 =	smov.u32 s22;
	v36 =	vld.idx.msk [tilespmem:v13+s9+$0x0], $0xffff  }
0x32e: {  	s19 =	sadd.s32 $0x4, s23;
	v42 =	vadd.s32 s18, v3;
	v43 =	vadd.s32 s18, v12;
	v40 =	vadd.s32 s24, v2;
	s21 =	sadd.s32 $0x2, s23;
	s20 =	sadd.s32 $0x3, s23;
	v12 =	vmovc v4;
	v41 =	vld.idx.msk [tilespmem:v11+s2+$0x0], $0xffff  }
0x32f: {  	s22 =	sadd.s32 $0x1, s23;
	s18 =	smov.u32 s24;
	v16 =	vadd.s32 s20, v2;
	v13 =	vadd.s32 s21, v2;
	v11 =	vadd.s32 s19, v2;
	v44 =	vld.idx.msk [tilespmem:v14+s9+$0x0], $0xffff  }
0x330: {  	v10 =	vadd.s32 s22, v3;
	v14 =	vadd.s32 s22, v2;
	v45 =	vmul.f32 v29, v17;
	v46 =	vld.idx.msk [tilespmem:v15+s2+$0x0], $0xffff  }
0x331: {  	v29 =	vmul.f32 v29, v18;
	v17 =	vmul.f32 v18, v17;
	v15 =	vadd.s32 s23, v12;
	v18 =	vld.idx.msk [tilespmem:v34+s9+$0x0], $0xffff  }
0x332: {  	v24 =	vadd.f32 v45, v24;
	v34 =	vmul.f32 v20, v27;
	v20 =	vmul.f32 v20, v31;
	v37 =	vld.idx.msk [tilespmem:v37+s2+$0x0], $0xffff  }
0x333: {  	v22 =	vadd.f32 v29, v22;
	v17 =	vadd.f32 v17, v21;
	v21 =	vmul.f32 v31, v27;
	v27 =	vld.idx.msk [tilespmem:v42+s9+$0x0], $0xffff  }
0x334: {  	v24 =	vadd.f32 v34, v24;
	v29 =	vmul.f32 v41, v25;
	v31 =	vmul.f32 v41, v36;
	v34 =	vld.idx.msk [tilespmem:v43+s2+$0x0], $0xffff  }
0x335: {  	v20 =	vadd.f32 v20, v22;
	v17 =	vadd.f32 v21, v17;
	v21 =	vmul.f32 v36, v25;
	v22 =	vld.idx.msk [tilespmem:v38+s9+$0x0], $0xffff  }
0x336: {  	v24 =	vadd.f32 v29, v24;
	v25 =	vmul.f32 v46, v23;
	v29 =	vmul.f32 v46, v44;
	v36 =	vld.idx.msk [tilespmem:v39+s2+$0x0], $0xffff  }
0x337: {  	v31 =	vadd.f32 v31, v20;
	v17 =	vadd.f32 v21, v17;
	v21 =	vmul.f32 v44, v23;
	v20 =	vld.idx.msk [tilespmem:v32+s9+$0x0], $0xffff  }
0x338: {  	v23 =	vadd.f32 v25, v24;
	v24 =	vmul.f32 v37, v28;
	v25 =	vmul.f32 v37, v18;
	v32 =	vld.idx.msk [tilespmem:v35+s2+$0x0], $0xffff  }
0x339: {  	v29 =	vadd.f32 v29, v31;
	v21 =	vadd.f32 v21, v17;
	v28 =	vmul.f32 v18, v28  }
.Ltmp6:
0x33a: {  	v23 =	vadd.f32 v24, v23;
	v24 =	vmul.f32 v34, v9;
	v17 =	vld.idx.msk [tilespmem:v26+s9+$0x0], $0xffff;
	v26 =	vmul.f32 v34, v27;
	(pc) =	sbr.rel @p0 .LBB2_14-.Ltmp6, $4  }
0x33b: {  	v25 =	vadd.f32 v25, v29;
	v28 =	vadd.f32 v28, v21;
	v9 =	vmul.f32 v27, v9;
	v18 =	vld.idx.msk [tilespmem:v19+s9+$0x0], $0xffff  }
0x33c: {  	v27 =	vadd.f32 v24, v23;
	v29 =	vmul.f32 v36, v8;
	v21 =	vmul.f32 v36, v22;
	v19 =	vld.idx.msk [tilespmem:v30+s9+$0x0], $0xffff  }
0x33d: {  	v24 =	vadd.f32 v9, v28;
	v23 =	vadd.f32 v26, v25;
	v25 =	vmul.f32 v22, v8;
	v8 =	vld.idx.msk [tilespmem:v33+s9+$0x0], $0xffff  }
0x33e: {  	s23 =	sadd.s32 $0x8, s23;
	v26 =	vadd.f32 v29, v27;
	v27 =	vmul.f32 v32, v7;
	v22 =	vmul.f32 v32, v20;
	v9 =	vld.idx.msk [tilespmem:v40+s9+$0x0], $0xffff  }
0x33f: {  	_ =	sdelay $0x2  }
0x340: {  	v28 =	vadd.s32 s22, v12  }
0x341: {  	v16 =	vld.idx.msk [tilespmem:v16+s9+$0x0], $0xffff  }
0x342: {  	v13 =	vld.idx.msk [tilespmem:v13+s9+$0x0], $0xffff;
	v29 =	vadd.s32 s21, v12  }
0x343: {  	v15 =	vld.idx.msk [tilespmem:v15+s2+$0x0], $0xffff  }
0x344: {  	v14 =	vld.idx.msk [tilespmem:v14+s9+$0x0], $0xffff;
	v31 =	vadd.s32 s20, v12  }
0x345: {  	v30 =	vadd.s32 s21, v3;
	v21 =	vadd.f32 v21, v23;
	v56 =	vadd.f32 v25, v24;
	v57 =	vld.idx.msk [tilespmem:v28+s2+$0x0], $0xffff  }
0x346: {  	v7 =	vmul.f32 v20, v7;
	v10 =	vld.idx.msk [tilespmem:v10+s9+$0x0], $0xffff;
	v59 =	vadd.s32 s19, v12;
	v60 =	vadd.s32 s20, v3  }
0x347: {  	v62 =	vadd.s32 s17, v3;
	v36 =	vadd.s32 s18, v12;
	v38 =	vadd.s32 s19, v3;
	v61 =	vld.idx.msk [tilespmem:v29+s2+$0x0], $0xffff  }
0x348: {  	v32 =	vadd.s32 s17, v12;
	v11 =	vld.idx.msk [tilespmem:v11+s9+$0x0], $0xffff;
	v58 =	vadd.f32 v27, v26;
	v37 =	vmul.f32 v15, v17  }
0x349: {  	v33 =	vadd.s32 s16, v3;
	v39 =	vadd.s32 s16, v12;
	v34 =	vadd.s32 s18, v3;
	v31 =	vld.idx.msk [tilespmem:v31+s2+$0x0], $0xffff  }
0x34a: {  	v6 =	vadd.f32 $9.999999930e-09, v6;
	v63 =	vld.idx.msk [tilespmem:v30+s9+$0x0], $0xffff;
	v24 =	vadd.f32 v37, v58;
	v40 =	vmul.f32 v57, v14  }
0x34b: {  	v5 =	vadd.f32 $9.999999930e-09, v5;
	v41 =	vmul.f32 v18, v17;
	v7 =	vadd.f32 v7, v56;
	v42 =	vld.idx.msk [tilespmem:v59+s2+$0x0], $0xffff  }
0x34c: {  	v21 =	vadd.f32 v22, v21;
	v22 =	vld.idx.msk [tilespmem:v60+s9+$0x0], $0xffff;
	v43 =	vmul.f32 v61, v13;
	v24 =	vadd.f32 v40, v24  }
0x34d: {  	v7 =	vadd.f32 v41, v7;
	v44 =	vld.idx.msk [tilespmem:v36+s2+$0x0], $0xffff;
	v20 =	vmul.f32 v57, v10;
	v10 =	vmul.f32 v10, v14  }
0x34e: {  	v15 =	vmul.f32 v15, v18;
	v45 =	vld.idx.msk [tilespmem:v38+s9+$0x0], $0xffff;
	v48 =	vmul.f32 v31, v16;
	v47 =	vadd.f32 v43, v24  }
0x34f: {  	(erf) = vrcp.f32 v6;
	v12 =	vld.idx.msk [tilespmem:v39+s2+$0x0], $0xffff;
	v7 =	vadd.f32 v10, v7;
	v10 =	vmul.f32 v63, v13  }
0x350: {  	v49 =	vld.idx.msk [tilespmem:v34+s9+$0x0], $0xffff;
	v15 =	vadd.f32 v15, v21;
	v51 =	vmul.f32 v42, v11;
	v50 =	vadd.f32 v48, v47  }
0x351: {  	v53 =	vld.idx.msk [tilespmem:v32+s2+$0x0], $0xffff;
	v46 =	vmul.f32 v61, v63;
	v7 =	vadd.f32 v10, v7;
	v10 =	vmul.f32 v22, v16  }
0x352: {  	v54 =	vld.idx.msk [tilespmem:v33+s9+$0x0], $0xffff;
	v55 =	vmul.f32 v44, v9;
	v15 =	vadd.f32 v20, v15;
	v20 =	vadd.f32 v51, v50  }
0x353: {  	v52 =	vmul.f32 v31, v22;
	v7 =	vadd.f32 v10, v7;
	v10 =	vmul.f32 v45, v11  }
0x354: {  	v58 =	vmul.f32 v12, v8;
	v6 =	vadd.f32 v46, v15;
	v11 =	vld.idx.msk [tilespmem:v62+s9+$0x0], $0xffff;
	v57 =	vadd.f32 v55, v20  }
0x355: {  	v56 =	vmul.f32 v42, v45;
	v9 =	vmul.f32 v49, v9;
	v7 =	vadd.f32 v10, v7  }
0x356: {  	v60 =	vmul.f32 v53, v19;
	v6 =	vadd.f32 v52, v6;
	v59 =	vadd.f32 v58, v57  }
0x357: {  	(erf) = vrcp.f32 v5;
	v8 =	vmul.f32 v54, v8;
	v7 =	vadd.f32 v9, v7  }
0x358: {  	s23 =	simm.s32 $0x0;
	v10 =	vmul.f32 v44, v49;
	v6 =	vadd.f32 v56, v6;
	v61 =	vadd.f32 v60, v59  }
0x359: {  	v62 =	vadd.s32 s23, v2;
	v7 =	vadd.f32 v8, v7;
	v8 =	vmul.f32 v11, v19  }
0x35a: {  	v9 =	vmul.f32 v12, v54;
	v6 =	vadd.f32 v10, v6;
	v10 =	vadd.f32 v61, v61  }
0x35b: {  	v5 =	vpop (erf);
	v11 =	vmul.f32 v53, v11;
	v7 =	vadd.f32 v8, v7;
	v8 =	vadd.s32 s23, v3  }
0x35c: {  	v6 =	vadd.f32 v9, v6;
	v9 =	vadd.s32 s23, v4;
	v5 =	vmul.f32 v10, v5;
	_ =	sdelay $0x1  }
0x35d: {  	v6 =	vadd.f32 v11, v6;
	v7 =	vmul.f32 v7, v5  }
0x35e: {  	v10 =	vld.idx.msk [tilespmem:v62+s9+$0x0], $0xffff  }
0x35f: {  	v8 =	vld.idx.msk [tilespmem:v8+s9+$0x0], $0xffff;
	v6 =	vsub.f32 v6, v7  }
0x360: {  	v7 =	vld.idx.msk [tilespmem:v9+s2+$0x0], $0xffff  }
0x361: {  	v6 =	vadd.f32 v6, v6  }
0x362: {  	v11 =	vpop (erf)  }
0x363: {  	v10 =	vmul.f32 v10, v5;
	v6 =	vmul.f32 v6, v11  }
0x364: {  	s24 =	simm.s32 $0x1  }
0x365: {  	v7 =	vsub.f32 v7, v10;
	v10 =	vadd.s32 s24, v2;
	v8 =	vmul.f32 v8, v6  }
0x366: {  	v11 =	vadd.s32 s24, v4  }
0x367: {  	v7 =	vsub.f32 v7, v8;
	v8 =	vadd.s32 s24, v3;
	_ =	sdelay $0x1  }
0x368: {  	[tilespmem:v9+s2+$0x0] =	vst.idx.msk $0xffff, v7  }
0x369: {  	v7 =	vld.idx.msk [tilespmem:v10+s9+$0x0], $0xffff  }
0x36a: {  	v9 =	vld.idx.msk [tilespmem:v11+s2+$0x0], $0xffff  }
0x36b: {  	v8 =	vld.idx.msk [tilespmem:v8+s9+$0x0], $0xffff;
	_ =	sdelay $0x2  }
0x36c: {  	v7 =	vmul.f32 v7, v5  }
0x36d: {  	s25 =	simm.s32 $0x2  }
0x36e: {  	v7 =	vsub.f32 v9, v7;
	v8 =	vmul.f32 v8, v6;
	v9 =	vadd.s32 s25, v2  }
0x36f: {  	v10 =	vadd.s32 s25, v4  }
0x370: {  	v7 =	vsub.f32 v7, v8;
	v8 =	vadd.s32 s25, v3;
	_ =	sdelay $0x1  }
0x371: {  	[tilespmem:v11+s2+$0x0] =	vst.idx.msk $0xffff, v7  }
0x372: {  	v7 =	vld.idx.msk [tilespmem:v9+s9+$0x0], $0xffff  }
0x373: {  	v9 =	vld.idx.msk [tilespmem:v10+s2+$0x0], $0xffff  }
0x374: {  	v8 =	vld.idx.msk [tilespmem:v8+s9+$0x0], $0xffff;
	_ =	sdelay $0x2  }
0x375: {  	v7 =	vmul.f32 v7, v5  }
0x376: {  	s26 =	simm.s32 $0x3  }
0x377: {  	v7 =	vsub.f32 v9, v7;
	v8 =	vmul.f32 v8, v6;
	v9 =	vadd.s32 s26, v2  }
0x378: {  	v11 =	vadd.s32 s26, v4  }
0x379: {  	v7 =	vsub.f32 v7, v8;
	v8 =	vadd.s32 s26, v3;
	_ =	sdelay $0x1  }
0x37a: {  	[tilespmem:v10+s2+$0x0] =	vst.idx.msk $0xffff, v7  }
0x37b: {  	v7 =	vld.idx.msk [tilespmem:v9+s9+$0x0], $0xffff  }
0x37c: {  	v9 =	vld.idx.msk [tilespmem:v11+s2+$0x0], $0xffff  }
0x37d: {  	v8 =	vld.idx.msk [tilespmem:v8+s9+$0x0], $0xffff;
	_ =	sdelay $0x2  }
0x37e: {  	v7 =	vmul.f32 v7, v5  }
0x37f: {  	s28 =	simm.s32 $0x4  }
0x380: {  	v7 =	vsub.f32 v9, v7;
	v8 =	vmul.f32 v8, v6;
	v9 =	vadd.s32 s28, v2  }
0x381: {  	v10 =	vadd.s32 s28, v4  }
0x382: {  	v7 =	vsub.f32 v7, v8;
	v8 =	vadd.s32 s28, v3;
	_ =	sdelay $0x1  }
0x383: {  	[tilespmem:v11+s2+$0x0] =	vst.idx.msk $0xffff, v7  }
0x384: {  	v7 =	vld.idx.msk [tilespmem:v9+s9+$0x0], $0xffff  }
0x385: {  	v9 =	vld.idx.msk [tilespmem:v10+s2+$0x0], $0xffff  }
0x386: {  	v8 =	vld.idx.msk [tilespmem:v8+s9+$0x0], $0xffff;
	_ =	sdelay $0x2  }
0x387: {  	v7 =	vmul.f32 v7, v5  }
0x388: {  	s29 =	simm.s32 $0x5  }
0x389: {  	v7 =	vsub.f32 v9, v7;
	v8 =	vmul.f32 v8, v6;
	v9 =	vadd.s32 s29, v2  }
0x38a: {  	v11 =	vadd.s32 s29, v3  }
0x38b: {  	v7 =	vsub.f32 v7, v8;
	v8 =	vadd.s32 s29, v4;
	_ =	sdelay $0x1  }
0x38c: {  	[tilespmem:v10+s2+$0x0] =	vst.idx.msk $0xffff, v7  }
0x38d: {  	v7 =	vld.idx.msk [tilespmem:v9+s9+$0x0], $0xffff  }
0x38e: {  	v9 =	vld.idx.msk [tilespmem:v11+s9+$0x0], $0xffff  }
0x38f: {  	v10 =	vld.idx.msk [tilespmem:v8+s2+$0x0], $0xffff;
	_ =	sdelay $0x2  }
0x390: {  	v7 =	vmul.f32 v7, v5  }
0x391: {  	s30 =	simm.s32 $0x6  }
0x392: {  	v9 =	vmul.f32 v9, v6;
	v7 =	vsub.f32 v10, v7;
	v10 =	vadd.s32 s30, v2  }
0x393: {  	v11 =	vadd.s32 s30, v3  }
0x394: {  	v7 =	vsub.f32 v7, v9;
	v9 =	vadd.s32 s30, v4;
	_ =	sdelay $0x1  }
0x395: {  	[tilespmem:v8+s2+$0x0] =	vst.idx.msk $0xffff, v7  }
0x396: {  	v7 =	vld.idx.msk [tilespmem:v10+s9+$0x0], $0xffff  }
0x397: {  	v8 =	vld.idx.msk [tilespmem:v11+s9+$0x0], $0xffff  }
0x398: {  	v10 =	vld.idx.msk [tilespmem:v9+s2+$0x0], $0xffff;
	_ =	sdelay $0x2  }
0x399: {  	v7 =	vmul.f32 v7, v5  }
0x39a: {  	s31 =	simm.s32 $0x7  }
0x39b: {  	v8 =	vmul.f32 v8, v6;
	v7 =	vsub.f32 v10, v7;
	v10 =	vadd.s32 s31, v2  }
0x39c: {  	v11 =	vadd.s32 s31, v3  }
0x39d: {  	v7 =	vsub.f32 v7, v8;
	v8 =	vadd.s32 s31, v4;
	_ =	sdelay $0x1  }
0x39e: {  	[tilespmem:v9+s2+$0x0] =	vst.idx.msk $0xffff, v7  }
0x39f: {  	v7 =	vld.idx.msk [tilespmem:v10+s9+$0x0], $0xffff  }
0x3a0: {  	v9 =	vld.idx.msk [tilespmem:v11+s9+$0x0], $0xffff  }
0x3a1: {  	v10 =	vld.idx.msk [tilespmem:v8+s2+$0x0], $0xffff;
	_ =	sdelay $0x2  }
0x3a2: {  	v7 =	vmul.f32 v7, v5  }
0x3a3: {  	s16 =	simm.s32 $0x8  }
0x3a4: {  	v63 =	vmul.f32 v9, v6;
	v9 =	vadd.s32 s16, v2;
	v11 =	vsub.f32 v10, v7  }
0x3a5: {  	v7 =	vadd.s32 s16, v4  }
0x3a6: {  	s17 =	simm.s32 $0x10;
	v10 =	vadd.s32 s16, v3;
	v11 =	vsub.f32 v11, v63  }
.LBB2_16:
0x3a7: {  	_ = 	snop  }
0x3a8: {  	p0 =	slt.u32 s17, $0x38;
	s18 =	smov.u32 s17;
	s17 =	sadd.s32 $0x8, s17;
	[tilespmem:v8+s2+$0x0] =	vst.idx.msk $0xffff, v11  }
0x3a9: {  	v8 =	vld.idx.msk [tilespmem:v9+s9+$0x0], $0xffff  }
0x3aa: {  	v9 =	vld.idx.msk [tilespmem:v7+s2+$0x0], $0xffff  }
0x3ab: {  	v10 =	vld.idx.msk [tilespmem:v10+s9+$0x0], $0xffff;
	_ =	sdelay $0x3  }
0x3ac: {  	v8 =	vmul.f32 v8, v5  }
0x3ad: {  	s19 =	sadd.s32 $0x1, s16  }
0x3ae: {  	v8 =	vsub.f32 v9, v8;
	v9 =	vmul.f32 v10, v6;
	v10 =	vadd.s32 s19, v2  }
0x3af: {  	v11 =	vadd.s32 s19, v4  }
0x3b0: {  	v8 =	vsub.f32 v8, v9;
	v9 =	vadd.s32 s19, v3;
	_ =	sdelay $0x1  }
0x3b1: {  	[tilespmem:v7+s2+$0x0] =	vst.idx.msk $0xffff, v8  }
0x3b2: {  	v7 =	vld.idx.msk [tilespmem:v10+s9+$0x0], $0xffff  }
0x3b3: {  	v8 =	vld.idx.msk [tilespmem:v11+s2+$0x0], $0xffff  }
0x3b4: {  	v9 =	vld.idx.msk [tilespmem:v9+s9+$0x0], $0xffff;
	_ =	sdelay $0x3  }
0x3b5: {  	v7 =	vmul.f32 v7, v5  }
0x3b6: {  	s19 =	sadd.s32 $0x2, s16  }
0x3b7: {  	v7 =	vsub.f32 v8, v7;
	v8 =	vmul.f32 v9, v6;
	v9 =	vadd.s32 s19, v2  }
0x3b8: {  	v10 =	vadd.s32 s19, v4  }
0x3b9: {  	v7 =	vsub.f32 v7, v8;
	v8 =	vadd.s32 s19, v3;
	_ =	sdelay $0x1  }
0x3ba: {  	[tilespmem:v11+s2+$0x0] =	vst.idx.msk $0xffff, v7  }
0x3bb: {  	v7 =	vld.idx.msk [tilespmem:v9+s9+$0x0], $0xffff  }
0x3bc: {  	v9 =	vld.idx.msk [tilespmem:v10+s2+$0x0], $0xffff  }
0x3bd: {  	v8 =	vld.idx.msk [tilespmem:v8+s9+$0x0], $0xffff;
	_ =	sdelay $0x3  }
0x3be: {  	v7 =	vmul.f32 v7, v5  }
0x3bf: {  	s19 =	sadd.s32 $0x3, s16  }
0x3c0: {  	v7 =	vsub.f32 v9, v7;
	v8 =	vmul.f32 v8, v6;
	v9 =	vadd.s32 s19, v2  }
0x3c1: {  	v11 =	vadd.s32 s19, v4  }
0x3c2: {  	v7 =	vsub.f32 v7, v8;
	v8 =	vadd.s32 s19, v3;
	_ =	sdelay $0x1  }
0x3c3: {  	[tilespmem:v10+s2+$0x0] =	vst.idx.msk $0xffff, v7  }
0x3c4: {  	v7 =	vld.idx.msk [tilespmem:v9+s9+$0x0], $0xffff  }
0x3c5: {  	v9 =	vld.idx.msk [tilespmem:v11+s2+$0x0], $0xffff  }
0x3c6: {  	v8 =	vld.idx.msk [tilespmem:v8+s9+$0x0], $0xffff;
	_ =	sdelay $0x3  }
0x3c7: {  	v7 =	vmul.f32 v7, v5  }
0x3c8: {  	s19 =	sadd.s32 $0x4, s16  }
0x3c9: {  	v7 =	vsub.f32 v9, v7;
	v8 =	vmul.f32 v8, v6;
	v9 =	vadd.s32 s19, v2  }
0x3ca: {  	v10 =	vadd.s32 s19, v4  }
0x3cb: {  	v7 =	vsub.f32 v7, v8;
	v8 =	vadd.s32 s19, v3;
	_ =	sdelay $0x1  }
0x3cc: {  	[tilespmem:v11+s2+$0x0] =	vst.idx.msk $0xffff, v7  }
0x3cd: {  	v7 =	vld.idx.msk [tilespmem:v9+s9+$0x0], $0xffff  }
0x3ce: {  	v9 =	vld.idx.msk [tilespmem:v10+s2+$0x0], $0xffff  }
0x3cf: {  	v8 =	vld.idx.msk [tilespmem:v8+s9+$0x0], $0xffff;
	_ =	sdelay $0x3  }
0x3d0: {  	v7 =	vmul.f32 v7, v5  }
0x3d1: {  	s19 =	sadd.s32 $0x5, s16  }
0x3d2: {  	v7 =	vsub.f32 v9, v7;
	v8 =	vmul.f32 v8, v6;
	v9 =	vadd.s32 s19, v2  }
0x3d3: {  	v11 =	vadd.s32 s19, v3  }
0x3d4: {  	v7 =	vsub.f32 v7, v8;
	v8 =	vadd.s32 s19, v4;
	_ =	sdelay $0x1  }
0x3d5: {  	[tilespmem:v10+s2+$0x0] =	vst.idx.msk $0xffff, v7  }
0x3d6: {  	v7 =	vld.idx.msk [tilespmem:v9+s9+$0x0], $0xffff  }
0x3d7: {  	v9 =	vld.idx.msk [tilespmem:v11+s9+$0x0], $0xffff  }
0x3d8: {  	v10 =	vld.idx.msk [tilespmem:v8+s2+$0x0], $0xffff;
	_ =	sdelay $0x3  }
0x3d9: {  	v7 =	vmul.f32 v7, v5  }
0x3da: {  	s19 =	sadd.s32 $0x6, s16  }
0x3db: {  	v9 =	vmul.f32 v9, v6;
	v7 =	vsub.f32 v10, v7;
	v10 =	vadd.s32 s19, v2  }
0x3dc: {  	v11 =	vadd.s32 s19, v3  }
0x3dd: {  	v7 =	vsub.f32 v7, v9;
	v9 =	vadd.s32 s19, v4;
	_ =	sdelay $0x1  }
0x3de: {  	[tilespmem:v8+s2+$0x0] =	vst.idx.msk $0xffff, v7  }
0x3df: {  	v7 =	vld.idx.msk [tilespmem:v10+s9+$0x0], $0xffff  }
0x3e0: {  	v8 =	vld.idx.msk [tilespmem:v11+s9+$0x0], $0xffff  }
0x3e1: {  	v10 =	vld.idx.msk [tilespmem:v9+s2+$0x0], $0xffff;
	_ =	sdelay $0x3  }
0x3e2: {  	v7 =	vmul.f32 v7, v5  }
0x3e3: {  	s19 =	sadd.s32 $0x7, s16;
	s16 =	smov.u32 s18  }
0x3e4: {  	v8 =	vmul.f32 v8, v6;
	v7 =	vsub.f32 v10, v7;
	v10 =	vadd.s32 s19, v2  }
0x3e5: {  	v11 =	vadd.s32 s19, v3  }
0x3e6: {  	v7 =	vsub.f32 v7, v8;
	v8 =	vadd.s32 s19, v4;
	_ =	sdelay $0x1  }
0x3e7: {  	[tilespmem:v9+s2+$0x0] =	vst.idx.msk $0xffff, v7  }
0x3e8: {  	v7 =	vld.idx.msk [tilespmem:v10+s9+$0x0], $0xffff  }
0x3e9: {  	v10 =	vld.idx.msk [tilespmem:v11+s9+$0x0], $0xffff  }
0x3ea: {  	v11 =	vld.idx.msk [tilespmem:v8+s2+$0x0], $0xffff;
	_ =	sdelay $0x3  }
.Ltmp7:
0x3eb: {  	v7 =	vmul.f32 v7, v5;
	(pc) =	sbr.rel @p0 .LBB2_16-.Ltmp7, $4  }
0x3ec: {  	_ = 	snop  }
0x3ed: {  	v9 =	vadd.s32 s16, v2;
	v12 =	vmul.f32 v10, v6;
	v11 =	vsub.f32 v11, v7  }
0x3ee: {  	v7 =	vadd.s32 s16, v4  }
0x3ef: {  	v10 =	vadd.s32 s16, v3;
	v11 =	vsub.f32 v11, v12  }
0x3f0: {  	_ =	sdelay $0x3  }
0x3f1: {  	[tilespmem:v8+s2+$0x0] =	vst.idx.msk $0xffff, v11  }
0x3f2: {  	v8 =	vld.idx.msk [tilespmem:v9+s9+$0x0], $0xffff  }
0x3f3: {  	v9 =	vld.idx.msk [tilespmem:v7+s2+$0x0], $0xffff  }
0x3f4: {  	v10 =	vld.idx.msk [tilespmem:v10+s9+$0x0], $0xffff;
	_ =	sdelay $0x2  }
0x3f5: {  	v8 =	vmul.f32 v8, v5  }
0x3f6: {  	s17 =	sadd.s32 $0x1, s16  }
0x3f7: {  	v8 =	vsub.f32 v9, v8;
	v9 =	vmul.f32 v10, v6;
	v10 =	vadd.s32 s17, v2  }
0x3f8: {  	v11 =	vadd.s32 s17, v4  }
0x3f9: {  	v8 =	vsub.f32 v8, v9;
	v9 =	vadd.s32 s17, v3;
	_ =	sdelay $0x1  }
0x3fa: {  	[tilespmem:v7+s2+$0x0] =	vst.idx.msk $0xffff, v8  }
0x3fb: {  	v7 =	vld.idx.msk [tilespmem:v10+s9+$0x0], $0xffff  }
0x3fc: {  	v8 =	vld.idx.msk [tilespmem:v11+s2+$0x0], $0xffff  }
0x3fd: {  	v9 =	vld.idx.msk [tilespmem:v9+s9+$0x0], $0xffff;
	_ =	sdelay $0x2  }
0x3fe: {  	v7 =	vmul.f32 v7, v5  }
0x3ff: {  	s23 =	sadd.s32 $0x2, s16  }
0x400: {  	v7 =	vsub.f32 v8, v7;
	v8 =	vmul.f32 v9, v6;
	v9 =	vadd.s32 s23, v2  }
0x401: {  	v10 =	vadd.s32 s23, v4  }
0x402: {  	v7 =	vsub.f32 v7, v8;
	v8 =	vadd.s32 s23, v3;
	_ =	sdelay $0x1  }
0x403: {  	[tilespmem:v11+s2+$0x0] =	vst.idx.msk $0xffff, v7  }
0x404: {  	v7 =	vld.idx.msk [tilespmem:v9+s9+$0x0], $0xffff  }
0x405: {  	v9 =	vld.idx.msk [tilespmem:v10+s2+$0x0], $0xffff  }
0x406: {  	v8 =	vld.idx.msk [tilespmem:v8+s9+$0x0], $0xffff;
	_ =	sdelay $0x2  }
0x407: {  	v7 =	vmul.f32 v7, v5  }
0x408: {  	s24 =	sadd.s32 $0x3, s16  }
0x409: {  	v7 =	vsub.f32 v9, v7;
	v8 =	vmul.f32 v8, v6;
	v9 =	vadd.s32 s24, v2  }
0x40a: {  	v11 =	vadd.s32 s24, v4  }
0x40b: {  	v7 =	vsub.f32 v7, v8;
	v8 =	vadd.s32 s24, v3;
	_ =	sdelay $0x1  }
0x40c: {  	[tilespmem:v10+s2+$0x0] =	vst.idx.msk $0xffff, v7  }
0x40d: {  	v7 =	vld.idx.msk [tilespmem:v9+s9+$0x0], $0xffff  }
0x40e: {  	v9 =	vld.idx.msk [tilespmem:v11+s2+$0x0], $0xffff  }
0x40f: {  	v8 =	vld.idx.msk [tilespmem:v8+s9+$0x0], $0xffff;
	_ =	sdelay $0x2  }
0x410: {  	v7 =	vmul.f32 v7, v5  }
0x411: {  	s25 =	sadd.s32 $0x4, s16  }
0x412: {  	v7 =	vsub.f32 v9, v7;
	v8 =	vmul.f32 v8, v6;
	v9 =	vadd.s32 s25, v2  }
0x413: {  	v10 =	vadd.s32 s25, v4  }
0x414: {  	v7 =	vsub.f32 v7, v8;
	v8 =	vadd.s32 s25, v3;
	_ =	sdelay $0x1  }
0x415: {  	[tilespmem:v11+s2+$0x0] =	vst.idx.msk $0xffff, v7  }
0x416: {  	v7 =	vld.idx.msk [tilespmem:v9+s9+$0x0], $0xffff  }
0x417: {  	v9 =	vld.idx.msk [tilespmem:v10+s2+$0x0], $0xffff  }
0x418: {  	v8 =	vld.idx.msk [tilespmem:v8+s9+$0x0], $0xffff;
	_ =	sdelay $0x2  }
0x419: {  	v7 =	vmul.f32 v7, v5  }
0x41a: {  	s26 =	sadd.s32 $0x5, s16  }
0x41b: {  	v7 =	vsub.f32 v9, v7;
	v8 =	vmul.f32 v8, v6;
	v9 =	vadd.s32 s26, v2  }
0x41c: {  	v11 =	vadd.s32 s26, v3  }
0x41d: {  	v7 =	vsub.f32 v7, v8;
	v8 =	vadd.s32 s26, v4;
	_ =	sdelay $0x1  }
0x41e: {  	[tilespmem:v10+s2+$0x0] =	vst.idx.msk $0xffff, v7  }
0x41f: {  	v7 =	vld.idx.msk [tilespmem:v9+s9+$0x0], $0xffff  }
0x420: {  	v9 =	vld.idx.msk [tilespmem:v11+s9+$0x0], $0xffff  }
0x421: {  	v10 =	vld.idx.msk [tilespmem:v8+s2+$0x0], $0xffff;
	_ =	sdelay $0x2  }
0x422: {  	v7 =	vmul.f32 v7, v5  }
0x423: {  	s28 =	sadd.s32 $0x6, s16  }
0x424: {  	v9 =	vmul.f32 v9, v6;
	v7 =	vsub.f32 v10, v7;
	v10 =	vadd.s32 s28, v2  }
0x425: {  	v11 =	vadd.s32 s28, v3  }
0x426: {  	v7 =	vsub.f32 v7, v9;
	v9 =	vadd.s32 s28, v4;
	_ =	sdelay $0x1  }
0x427: {  	[tilespmem:v8+s2+$0x0] =	vst.idx.msk $0xffff, v7  }
0x428: {  	v7 =	vld.idx.msk [tilespmem:v10+s9+$0x0], $0xffff  }
0x429: {  	v8 =	vld.idx.msk [tilespmem:v11+s9+$0x0], $0xffff  }
0x42a: {  	v10 =	vld.idx.msk [tilespmem:v9+s2+$0x0], $0xffff;
	_ =	sdelay $0x2  }
0x42b: {  	v7 =	vmul.f32 v7, v5  }
0x42c: {  	s29 =	sadd.s32 $0x7, s16  }
0x42d: {  	v2 =	vadd.s32 s29, v2;
	v8 =	vmul.f32 v8, v6;
	v7 =	vsub.f32 v10, v7  }
0x42e: {  	v3 =	vadd.s32 s29, v3  }
0x42f: {  	v4 =	vadd.s32 s29, v4;
	v7 =	vsub.f32 v7, v8;
	_ =	sdelay $0x1  }
0x430: {  	[tilespmem:v9+s2+$0x0] =	vst.idx.msk $0xffff, v7  }
0x431: {  	v2 =	vld.idx.msk [tilespmem:v2+s9+$0x0], $0xffff  }
0x432: {  	v3 =	vld.idx.msk [tilespmem:v3+s9+$0x0], $0xffff  }
0x433: {  	v7 =	vld.idx.msk [tilespmem:v4+s2+$0x0], $0xffff;
	_ =	sdelay $0x2  }
0x434: {  	v2 =	vmul.f32 v2, v5;
	_ =	sdelay $0x1  }
0x435: {  	v3 =	vmul.f32 v3, v6;
	v2 =	vsub.f32 v7, v2;
	_ =	sdelay $0x1  }
0x436: {  	v2 =	vsub.f32 v2, v3;
	_ =	sdelay $0x1  }
0x437: {  	[tilespmem:v4+s2+$0x0] =	vst.idx.msk $0xffff, v2  }
0x438: {  	v4 =	vld [tilespmem:$0x1930]  }
0x439: {  	v5 =	vld [tilespmem:$0x19B0];
	_ =	sdelay $0x3  }
0x43a: {  	v2 =	vmul.u32 $0x41, v4  }
0x43b: {  	s30 =	simm.s32 $0x0;
	v3 =	vmul.u32 $0x41, v5  }
0x43c: {  	v7 =	vadd.s32 s30, v2  }
0x43d: {  	s18 =	simm.s32 $0x7;
	v8 =	vadd.s32 s30, v3  }
0x43e: {  	s19 =	simm.s32 $0x6;
	v9 =	vadd.s32 s18, v2  }
0x43f: {  	s22 =	simm.s32 $0x5;
	v10 =	vadd.s32 s19, v2  }
0x440: {  	s20 =	simm.s32 $0x4;
	v11 =	vadd.s32 s22, v2;
	v6 =	vld.idx.msk [tilespmem:v4+s13+$0x0], $0xffff  }
0x441: {  	s21 =	simm.s32 $0x3;
	v12 =	vadd.s32 s20, v2;
	v17 =	vld.idx.msk [tilespmem:v7+s9+$0x0], $0xffff  }
0x442: {  	s31 =	simm.s32 $0x2;
	v13 =	vadd.s32 s21, v2;
	v8 =	vld.idx.msk [tilespmem:v8+s9+$0x0], $0xffff  }
0x443: {  	s23 =	simm.s32 $0x1;
	v14 =	vadd.s32 s31, v2;
	v4 =	vadd.s32 $0xC30, v0;
	v7 =	vld.idx.msk [tilespmem:v9+s9+$0x0], $0xffff  }
0x444: {  	v15 =	vadd.s32 s23, v4;
	v22 =	vld.idx.msk [tilespmem:v10+s9+$0x0], $0xffff  }
0x445: {  	v10 =	vadd.s32 s30, v4;
	v19 =	vld.idx.msk [tilespmem:v11+s9+$0x0], $0xffff  }
0x446: {  	v9 =	vadd.s32 s23, v2;
	v12 =	vld.idx.msk [tilespmem:v12+s9+$0x0], $0xffff  }
0x447: {  	v11 =	vadd.s32 s23, v3;
	v18 =	vld.idx.msk [tilespmem:v13+s9+$0x0], $0xffff  }
0x448: {  	v21 =	vld.idx.msk [tilespmem:v14+s9+$0x0], $0xffff;
	v13 =	vadd.s32 s31, v3  }
0x449: {  	v14 =	vadd.s32 s31, v4;
	v34 =	vld.idx.msk [tilespmem:v15+s2+$0x0], $0xffff  }
0x44a: {  	s24 =	simm.s32 $0x8;
	v25 =	vadd.s32 s21, v3;
	v26 =	vld.idx.msk [tilespmem:v10+s2+$0x0], $0xffff  }
0x44b: {  	v20 =	vimm.f32 $0.0e+00;
	s17 =	simm.s32 $0xF;
	v23 =	vadd.s32 s24, v2;
	v28 =	vadd.s32 s21, v4;
	v9 =	vld.idx.msk [tilespmem:v9+s9+$0x0], $0xffff  }
0x44c: {  	s16 =	simm.s32 $0xE;
	v24 =	vadd.s32 s24, v3;
	v27 =	vadd.s32 s17, v2;
	v40 =	vadd.s32 s22, v3;
	v30 =	vld.idx.msk [tilespmem:v11+s9+$0x0], $0xffff  }
0x44d: {  	v29 =	vadd.s32 s18, v3;
	v31 =	vadd.s32 s16, v2;
	v35 =	vadd.s32 s20, v4;
	v38 =	vld.idx.msk [tilespmem:v13+s9+$0x0], $0xffff  }
0x44e: {  	v32 =	vadd.s32 s20, v3;
	v36 =	vadd.s32 s19, v3;
	v33 =	vadd.s32 s18, v4;
	v42 =	vld.idx.msk [tilespmem:v14+s2+$0x0], $0xffff  }
0x44f: {  	s18 =	simm.s32 $0xD;
	v37 =	vadd.s32 s19, v4;
	v41 =	vadd.s32 s22, v4;
	v25 =	vld.idx.msk [tilespmem:v25+s9+$0x0], $0xffff;
	v43 =	vmul.f32 v26, v17  }
0x450: {  	v39 =	vadd.s32 s18, v2;
	v28 =	vld.idx.msk [tilespmem:v28+s2+$0x0], $0xffff;
	v26 =	vmul.f32 v26, v8;
	v8 =	vmul.f32 v8, v17  }
0x451: {  	v58 =	vld.idx.msk [tilespmem:v40+s9+$0x0], $0xffff;
	v57 =	vmul.f32 v34, v9;
	v34 =	vmul.f32 v34, v30;
	v56 =	vadd.f32 v43, v20  }
0x452: {  	v35 =	vld.idx.msk [tilespmem:v35+s2+$0x0], $0xffff;
	v9 =	vmul.f32 v30, v9;
	v26 =	vadd.f32 v26, v20;
	v8 =	vadd.f32 v8, v20  }
0x453: {  	v17 =	vld.idx.msk [tilespmem:v32+s9+$0x0], $0xffff;
	v59 =	vmul.f32 v42, v21;
	v60 =	vmul.f32 v42, v38;
	v20 =	vadd.f32 v57, v56  }
0x454: {  	v41 =	vld.idx.msk [tilespmem:v41+s2+$0x0], $0xffff;
	v26 =	vadd.f32 v34, v26;
	v8 =	vadd.f32 v9, v8;
	v9 =	vmul.f32 v38, v21  }
0x455: {  	v61 =	vld.idx.msk [tilespmem:v36+s9+$0x0], $0xffff;
	v62 =	vmul.f32 v28, v18;
	v28 =	vmul.f32 v28, v25;
	v21 =	vadd.f32 v59, v20  }
0x456: {  	s20 =	simm.s32 $0xB;
	v63 =	vld.idx.msk [tilespmem:v37+s2+$0x0], $0xffff;
	v26 =	vadd.f32 v60, v26;
	v8 =	vadd.f32 v9, v8;
	v9 =	vmul.f32 v25, v18  }
0x457: {  	v16 =	vadd.s32 s20, v2;
	v20 =	vld.idx.msk [tilespmem:v29+s9+$0x0], $0xffff;
	v18 =	vadd.f32 v62, v21;
	v21 =	vmul.f32 v35, v12  }
0x458: {  	v25 =	vmul.f32 v35, v17;
	v29 =	vld.idx.msk [tilespmem:v33+s2+$0x0], $0xffff;
	v26 =	vadd.f32 v28, v26;
	v8 =	vadd.f32 v9, v8  }
0x459: {  	s21 =	simm.s32 $0xA;
	s19 =	simm.s32 $0xC;
	v9 =	vmul.f32 v17, v12;
	v12 =	vadd.f32 v21, v18;
	v21 =	vmul.f32 v41, v19  }
0x45a: {  	v15 =	vadd.s32 s24, v4;
	v13 =	vadd.s32 s21, v2;
	v11 =	vadd.s32 s19, v2;
	v17 =	vld.idx.msk [tilespmem:v23+s9+$0x0], $0xffff  }
0x45b: {  	v23 =	vmul.f32 v41, v58;
	v18 =	vld.idx.msk [tilespmem:v24+s9+$0x0], $0xffff;
	v24 =	vadd.f32 v25, v26;
	v12 =	vadd.f32 v21, v12  }
0x45c: {  	v5 =	vld.idx.msk [tilespmem:v5+s13+$0x0], $0xffff;
	s22 =	simm.s32 $0x9;
	v9 =	vadd.f32 v9, v8;
	v25 =	vmul.f32 v58, v19;
	v26 =	vmul.f32 v63, v22  }
0x45d: {  	v14 =	vadd.s32 s22, v2;
	v19 =	vld.idx.msk [tilespmem:v27+s9+$0x0], $0xffff;
	v27 =	vmul.f32 v29, v7;
	v21 =	vmul.f32 v63, v61  }
0x45e: {  	v8 =	vld.idx.msk [tilespmem:v31+s9+$0x0], $0xffff;
	v23 =	vadd.f32 v23, v24;
	v24 =	vadd.f32 v25, v9;
	v25 =	vmul.f32 v61, v22  }
0x45f: {  	s23 =	simm.s32 $0x10;
	v10 =	vadd.s32 s22, v3;
	v9 =	vld.idx.msk [tilespmem:v39+s9+$0x0], $0xffff;
	v22 =	vmul.f32 v29, v20;
	v26 =	vadd.f32 v26, v12;
	v12 =	vmovc v4  }
.LBB2_18:
0x460: {  	p0 =	slt.u32 s23, $0x38;
	v28 =	vld.idx.msk [tilespmem:v11+s9+$0x0], $0xffff;
	v11 =	vadd.f32 v21, v23;
	v21 =	vadd.f32 v25, v24;
	v29 =	vmul.f32 v20, v7  }
0x461: {  	v20 =	vadd.s32 s22, v12;
	v23 =	vld.idx.msk [tilespmem:v16+s9+$0x0], $0xffff;
	v24 =	vadd.f32 v27, v26  }
0x462: {  	v25 =	vld.idx.msk [tilespmem:v13+s9+$0x0], $0xffff;
	v13 =	vadd.s32 s21, v3;
	v22 =	vadd.f32 v22, v11;
	v21 =	vadd.f32 v29, v21  }
0x463: {  	v26 =	vadd.s32 s23, v2;
	v11 =	vadd.s32 s21, v12;
	v7 =	vmov v19;
	v27 =	vld.idx.msk [tilespmem:v14+s9+$0x0], $0xffff  }
0x464: {  	v19 =	vadd.s32 s23, v3;
	s21 =	sadd.s32 $0x7, s23;
	v14 =	vadd.s32 s20, v3;
	v29 =	vld.idx.msk [tilespmem:v15+s2+$0x0], $0xffff  }
0x465: {  	s22 =	sadd.s32 $0x6, s23;
	v32 =	vadd.s32 s17, v3;
	v30 =	vadd.s32 s21, v2;
	v15 =	vadd.s32 s20, v12;
	v31 =	vld.idx.msk [tilespmem:v10+s9+$0x0], $0xffff  }
0x466: {  	v34 =	vadd.s32 s19, v3;
	v35 =	vadd.s32 s17, v12;
	v33 =	vadd.s32 s22, v2;
	s17 =	smov.u32 s21;
	v20 =	vld.idx.msk [tilespmem:v20+s2+$0x0], $0xffff  }
0x467: {  	s24 =	sadd.s32 $0x5, s23;
	v37 =	vadd.s32 s19, v12;
	v38 =	vadd.s32 s16, v3;
	v39 =	vadd.s32 s16, v12;
	s16 =	smov.u32 s22;
	v36 =	vld.idx.msk [tilespmem:v13+s9+$0x0], $0xffff  }
0x468: {  	s19 =	sadd.s32 $0x4, s23;
	v42 =	vadd.s32 s18, v3;
	v43 =	vadd.s32 s18, v12;
	v40 =	vadd.s32 s24, v2;
	s21 =	sadd.s32 $0x2, s23;
	s20 =	sadd.s32 $0x3, s23;
	v12 =	vmovc v4;
	v41 =	vld.idx.msk [tilespmem:v11+s2+$0x0], $0xffff  }
0x469: {  	s22 =	sadd.s32 $0x1, s23;
	s18 =	smov.u32 s24;
	v16 =	vadd.s32 s20, v2;
	v13 =	vadd.s32 s21, v2;
	v11 =	vadd.s32 s19, v2;
	v44 =	vld.idx.msk [tilespmem:v14+s9+$0x0], $0xffff  }
0x46a: {  	v10 =	vadd.s32 s22, v3;
	v14 =	vadd.s32 s22, v2;
	v45 =	vmul.f32 v29, v17;
	v46 =	vld.idx.msk [tilespmem:v15+s2+$0x0], $0xffff  }
0x46b: {  	v29 =	vmul.f32 v29, v18;
	v17 =	vmul.f32 v18, v17;
	v15 =	vadd.s32 s23, v12;
	v18 =	vld.idx.msk [tilespmem:v34+s9+$0x0], $0xffff  }
0x46c: {  	v24 =	vadd.f32 v45, v24;
	v34 =	vmul.f32 v20, v27;
	v20 =	vmul.f32 v20, v31;
	v37 =	vld.idx.msk [tilespmem:v37+s2+$0x0], $0xffff  }
0x46d: {  	v22 =	vadd.f32 v29, v22;
	v17 =	vadd.f32 v17, v21;
	v21 =	vmul.f32 v31, v27;
	v27 =	vld.idx.msk [tilespmem:v42+s9+$0x0], $0xffff  }
0x46e: {  	v24 =	vadd.f32 v34, v24;
	v29 =	vmul.f32 v41, v25;
	v31 =	vmul.f32 v41, v36;
	v34 =	vld.idx.msk [tilespmem:v43+s2+$0x0], $0xffff  }
0x46f: {  	v20 =	vadd.f32 v20, v22;
	v17 =	vadd.f32 v21, v17;
	v21 =	vmul.f32 v36, v25;
	v22 =	vld.idx.msk [tilespmem:v38+s9+$0x0], $0xffff  }
0x470: {  	v24 =	vadd.f32 v29, v24;
	v25 =	vmul.f32 v46, v23;
	v29 =	vmul.f32 v46, v44;
	v36 =	vld.idx.msk [tilespmem:v39+s2+$0x0], $0xffff  }
0x471: {  	v31 =	vadd.f32 v31, v20;
	v17 =	vadd.f32 v21, v17;
	v21 =	vmul.f32 v44, v23;
	v20 =	vld.idx.msk [tilespmem:v32+s9+$0x0], $0xffff  }
0x472: {  	v23 =	vadd.f32 v25, v24;
	v24 =	vmul.f32 v37, v28;
	v25 =	vmul.f32 v37, v18;
	v32 =	vld.idx.msk [tilespmem:v35+s2+$0x0], $0xffff  }
0x473: {  	v29 =	vadd.f32 v29, v31;
	v21 =	vadd.f32 v21, v17;
	v28 =	vmul.f32 v18, v28  }
.Ltmp8:
0x474: {  	v23 =	vadd.f32 v24, v23;
	v24 =	vmul.f32 v34, v9;
	v17 =	vld.idx.msk [tilespmem:v26+s9+$0x0], $0xffff;
	v26 =	vmul.f32 v34, v27;
	(pc) =	sbr.rel @p0 .LBB2_18-.Ltmp8, $4  }
0x475: {  	v25 =	vadd.f32 v25, v29;
	v28 =	vadd.f32 v28, v21;
	v9 =	vmul.f32 v27, v9;
	v18 =	vld.idx.msk [tilespmem:v19+s9+$0x0], $0xffff  }
0x476: {  	v27 =	vadd.f32 v24, v23;
	v29 =	vmul.f32 v36, v8;
	v21 =	vmul.f32 v36, v22;
	v19 =	vld.idx.msk [tilespmem:v30+s9+$0x0], $0xffff  }
0x477: {  	v24 =	vadd.f32 v9, v28;
	v23 =	vadd.f32 v26, v25;
	v25 =	vmul.f32 v22, v8;
	v8 =	vld.idx.msk [tilespmem:v33+s9+$0x0], $0xffff  }
0x478: {  	s23 =	sadd.s32 $0x8, s23;
	v26 =	vadd.f32 v29, v27;
	v27 =	vmul.f32 v32, v7;
	v22 =	vmul.f32 v32, v20;
	v9 =	vld.idx.msk [tilespmem:v40+s9+$0x0], $0xffff  }
0x479: {  	_ =	sdelay $0x2  }
0x47a: {  	v28 =	vadd.s32 s22, v12  }
0x47b: {  	v16 =	vld.idx.msk [tilespmem:v16+s9+$0x0], $0xffff  }
0x47c: {  	v13 =	vld.idx.msk [tilespmem:v13+s9+$0x0], $0xffff;
	v29 =	vadd.s32 s21, v12  }
0x47d: {  	v15 =	vld.idx.msk [tilespmem:v15+s2+$0x0], $0xffff  }
0x47e: {  	v14 =	vld.idx.msk [tilespmem:v14+s9+$0x0], $0xffff;
	v31 =	vadd.s32 s20, v12  }
0x47f: {  	v30 =	vadd.s32 s21, v3;
	v21 =	vadd.f32 v21, v23;
	v56 =	vadd.f32 v25, v24;
	v57 =	vld.idx.msk [tilespmem:v28+s2+$0x0], $0xffff  }
0x480: {  	v7 =	vmul.f32 v20, v7;
	v10 =	vld.idx.msk [tilespmem:v10+s9+$0x0], $0xffff;
	v59 =	vadd.s32 s19, v12;
	v60 =	vadd.s32 s20, v3  }
0x481: {  	v62 =	vadd.s32 s17, v3;
	v36 =	vadd.s32 s18, v12;
	v38 =	vadd.s32 s19, v3;
	v61 =	vld.idx.msk [tilespmem:v29+s2+$0x0], $0xffff  }
0x482: {  	v32 =	vadd.s32 s17, v12;
	v11 =	vld.idx.msk [tilespmem:v11+s9+$0x0], $0xffff;
	v58 =	vadd.f32 v27, v26;
	v37 =	vmul.f32 v15, v17  }
0x483: {  	v33 =	vadd.s32 s16, v3;
	v39 =	vadd.s32 s16, v12;
	v34 =	vadd.s32 s18, v3;
	v31 =	vld.idx.msk [tilespmem:v31+s2+$0x0], $0xffff  }
0x484: {  	v6 =	vadd.f32 $9.999999930e-09, v6;
	v63 =	vld.idx.msk [tilespmem:v30+s9+$0x0], $0xffff;
	v24 =	vadd.f32 v37, v58;
	v40 =	vmul.f32 v57, v14  }
0x485: {  	v5 =	vadd.f32 $9.999999930e-09, v5;
	v41 =	vmul.f32 v18, v17;
	v7 =	vadd.f32 v7, v56;
	v42 =	vld.idx.msk [tilespmem:v59+s2+$0x0], $0xffff  }
0x486: {  	v21 =	vadd.f32 v22, v21;
	v22 =	vld.idx.msk [tilespmem:v60+s9+$0x0], $0xffff;
	v43 =	vmul.f32 v61, v13;
	v24 =	vadd.f32 v40, v24  }
0x487: {  	v7 =	vadd.f32 v41, v7;
	v44 =	vld.idx.msk [tilespmem:v36+s2+$0x0], $0xffff;
	v20 =	vmul.f32 v57, v10;
	v10 =	vmul.f32 v10, v14  }
0x488: {  	v15 =	vmul.f32 v15, v18;
	v45 =	vld.idx.msk [tilespmem:v38+s9+$0x0], $0xffff;
	v48 =	vmul.f32 v31, v16;
	v47 =	vadd.f32 v43, v24  }
0x489: {  	(erf) = vrcp.f32 v6;
	v12 =	vld.idx.msk [tilespmem:v39+s2+$0x0], $0xffff;
	v7 =	vadd.f32 v10, v7;
	v10 =	vmul.f32 v63, v13  }
0x48a: {  	v49 =	vld.idx.msk [tilespmem:v34+s9+$0x0], $0xffff;
	v15 =	vadd.f32 v15, v21;
	v51 =	vmul.f32 v42, v11;
	v50 =	vadd.f32 v48, v47  }
0x48b: {  	v53 =	vld.idx.msk [tilespmem:v32+s2+$0x0], $0xffff;
	v46 =	vmul.f32 v61, v63;
	v7 =	vadd.f32 v10, v7;
	v10 =	vmul.f32 v22, v16  }
0x48c: {  	v54 =	vld.idx.msk [tilespmem:v33+s9+$0x0], $0xffff;
	v55 =	vmul.f32 v44, v9;
	v15 =	vadd.f32 v20, v15;
	v20 =	vadd.f32 v51, v50  }
0x48d: {  	v52 =	vmul.f32 v31, v22;
	v7 =	vadd.f32 v10, v7;
	v10 =	vmul.f32 v45, v11  }
0x48e: {  	v58 =	vmul.f32 v12, v8;
	v6 =	vadd.f32 v46, v15;
	v11 =	vld.idx.msk [tilespmem:v62+s9+$0x0], $0xffff;
	v57 =	vadd.f32 v55, v20  }
0x48f: {  	v56 =	vmul.f32 v42, v45;
	v9 =	vmul.f32 v49, v9;
	v7 =	vadd.f32 v10, v7  }
0x490: {  	v60 =	vmul.f32 v53, v19;
	v6 =	vadd.f32 v52, v6;
	v59 =	vadd.f32 v58, v57  }
0x491: {  	(erf) = vrcp.f32 v5;
	v8 =	vmul.f32 v54, v8;
	v7 =	vadd.f32 v9, v7  }
0x492: {  	s23 =	simm.s32 $0x0;
	v10 =	vmul.f32 v44, v49;
	v6 =	vadd.f32 v56, v6;
	v61 =	vadd.f32 v60, v59  }
0x493: {  	v62 =	vadd.s32 s23, v2;
	v7 =	vadd.f32 v8, v7;
	v8 =	vmul.f32 v11, v19  }
0x494: {  	v9 =	vmul.f32 v12, v54;
	v6 =	vadd.f32 v10, v6;
	v10 =	vadd.f32 v61, v61  }
0x495: {  	v5 =	vpop (erf);
	v11 =	vmul.f32 v53, v11;
	v7 =	vadd.f32 v8, v7;
	v8 =	vadd.s32 s23, v3  }
0x496: {  	v6 =	vadd.f32 v9, v6;
	v9 =	vadd.s32 s23, v4;
	v5 =	vmul.f32 v10, v5;
	_ =	sdelay $0x1  }
0x497: {  	v6 =	vadd.f32 v11, v6;
	v7 =	vmul.f32 v7, v5  }
0x498: {  	v10 =	vld.idx.msk [tilespmem:v62+s9+$0x0], $0xffff  }
0x499: {  	v8 =	vld.idx.msk [tilespmem:v8+s9+$0x0], $0xffff;
	v6 =	vsub.f32 v6, v7  }
0x49a: {  	v7 =	vld.idx.msk [tilespmem:v9+s2+$0x0], $0xffff  }
0x49b: {  	v6 =	vadd.f32 v6, v6  }
0x49c: {  	v11 =	vpop (erf)  }
0x49d: {  	v10 =	vmul.f32 v10, v5;
	v6 =	vmul.f32 v6, v11  }
0x49e: {  	s24 =	simm.s32 $0x1  }
0x49f: {  	v7 =	vsub.f32 v7, v10;
	v10 =	vadd.s32 s24, v2;
	v8 =	vmul.f32 v8, v6  }
0x4a0: {  	v11 =	vadd.s32 s24, v4  }
0x4a1: {  	v7 =	vsub.f32 v7, v8;
	v8 =	vadd.s32 s24, v3;
	_ =	sdelay $0x1  }
0x4a2: {  	[tilespmem:v9+s2+$0x0] =	vst.idx.msk $0xffff, v7  }
0x4a3: {  	v7 =	vld.idx.msk [tilespmem:v10+s9+$0x0], $0xffff  }
0x4a4: {  	v9 =	vld.idx.msk [tilespmem:v11+s2+$0x0], $0xffff  }
0x4a5: {  	v8 =	vld.idx.msk [tilespmem:v8+s9+$0x0], $0xffff;
	_ =	sdelay $0x2  }
0x4a6: {  	v7 =	vmul.f32 v7, v5  }
0x4a7: {  	s25 =	simm.s32 $0x2  }
0x4a8: {  	v7 =	vsub.f32 v9, v7;
	v8 =	vmul.f32 v8, v6;
	v9 =	vadd.s32 s25, v2  }
0x4a9: {  	v10 =	vadd.s32 s25, v4  }
0x4aa: {  	v7 =	vsub.f32 v7, v8;
	v8 =	vadd.s32 s25, v3;
	_ =	sdelay $0x1  }
0x4ab: {  	[tilespmem:v11+s2+$0x0] =	vst.idx.msk $0xffff, v7  }
0x4ac: {  	v7 =	vld.idx.msk [tilespmem:v9+s9+$0x0], $0xffff  }
0x4ad: {  	v9 =	vld.idx.msk [tilespmem:v10+s2+$0x0], $0xffff  }
0x4ae: {  	v8 =	vld.idx.msk [tilespmem:v8+s9+$0x0], $0xffff;
	_ =	sdelay $0x2  }
0x4af: {  	v7 =	vmul.f32 v7, v5  }
0x4b0: {  	s26 =	simm.s32 $0x3  }
0x4b1: {  	v7 =	vsub.f32 v9, v7;
	v8 =	vmul.f32 v8, v6;
	v9 =	vadd.s32 s26, v2  }
0x4b2: {  	v11 =	vadd.s32 s26, v4  }
0x4b3: {  	v7 =	vsub.f32 v7, v8;
	v8 =	vadd.s32 s26, v3;
	_ =	sdelay $0x1  }
0x4b4: {  	[tilespmem:v10+s2+$0x0] =	vst.idx.msk $0xffff, v7  }
0x4b5: {  	v7 =	vld.idx.msk [tilespmem:v9+s9+$0x0], $0xffff  }
0x4b6: {  	v9 =	vld.idx.msk [tilespmem:v11+s2+$0x0], $0xffff  }
0x4b7: {  	v8 =	vld.idx.msk [tilespmem:v8+s9+$0x0], $0xffff;
	_ =	sdelay $0x2  }
0x4b8: {  	v7 =	vmul.f32 v7, v5  }
0x4b9: {  	s28 =	simm.s32 $0x4  }
0x4ba: {  	v7 =	vsub.f32 v9, v7;
	v8 =	vmul.f32 v8, v6;
	v9 =	vadd.s32 s28, v2  }
0x4bb: {  	v10 =	vadd.s32 s28, v4  }
0x4bc: {  	v7 =	vsub.f32 v7, v8;
	v8 =	vadd.s32 s28, v3;
	_ =	sdelay $0x1  }
0x4bd: {  	[tilespmem:v11+s2+$0x0] =	vst.idx.msk $0xffff, v7  }
0x4be: {  	v7 =	vld.idx.msk [tilespmem:v9+s9+$0x0], $0xffff  }
0x4bf: {  	v9 =	vld.idx.msk [tilespmem:v10+s2+$0x0], $0xffff  }
0x4c0: {  	v8 =	vld.idx.msk [tilespmem:v8+s9+$0x0], $0xffff;
	_ =	sdelay $0x2  }
0x4c1: {  	v7 =	vmul.f32 v7, v5  }
0x4c2: {  	s29 =	simm.s32 $0x5  }
0x4c3: {  	v7 =	vsub.f32 v9, v7;
	v8 =	vmul.f32 v8, v6;
	v9 =	vadd.s32 s29, v2  }
0x4c4: {  	v11 =	vadd.s32 s29, v3  }
0x4c5: {  	v7 =	vsub.f32 v7, v8;
	v8 =	vadd.s32 s29, v4;
	_ =	sdelay $0x1  }
0x4c6: {  	[tilespmem:v10+s2+$0x0] =	vst.idx.msk $0xffff, v7  }
0x4c7: {  	v7 =	vld.idx.msk [tilespmem:v9+s9+$0x0], $0xffff  }
0x4c8: {  	v9 =	vld.idx.msk [tilespmem:v11+s9+$0x0], $0xffff  }
0x4c9: {  	v10 =	vld.idx.msk [tilespmem:v8+s2+$0x0], $0xffff;
	_ =	sdelay $0x2  }
0x4ca: {  	v7 =	vmul.f32 v7, v5  }
0x4cb: {  	s30 =	simm.s32 $0x6  }
0x4cc: {  	v9 =	vmul.f32 v9, v6;
	v7 =	vsub.f32 v10, v7;
	v10 =	vadd.s32 s30, v2  }
0x4cd: {  	v11 =	vadd.s32 s30, v3  }
0x4ce: {  	v7 =	vsub.f32 v7, v9;
	v9 =	vadd.s32 s30, v4;
	_ =	sdelay $0x1  }
0x4cf: {  	[tilespmem:v8+s2+$0x0] =	vst.idx.msk $0xffff, v7  }
0x4d0: {  	v7 =	vld.idx.msk [tilespmem:v10+s9+$0x0], $0xffff  }
0x4d1: {  	v8 =	vld.idx.msk [tilespmem:v11+s9+$0x0], $0xffff  }
0x4d2: {  	v10 =	vld.idx.msk [tilespmem:v9+s2+$0x0], $0xffff;
	_ =	sdelay $0x2  }
0x4d3: {  	v7 =	vmul.f32 v7, v5  }
0x4d4: {  	s31 =	simm.s32 $0x7  }
0x4d5: {  	v8 =	vmul.f32 v8, v6;
	v7 =	vsub.f32 v10, v7;
	v10 =	vadd.s32 s31, v2  }
0x4d6: {  	v11 =	vadd.s32 s31, v3  }
0x4d7: {  	v7 =	vsub.f32 v7, v8;
	v8 =	vadd.s32 s31, v4;
	_ =	sdelay $0x1  }
0x4d8: {  	[tilespmem:v9+s2+$0x0] =	vst.idx.msk $0xffff, v7  }
0x4d9: {  	v7 =	vld.idx.msk [tilespmem:v10+s9+$0x0], $0xffff  }
0x4da: {  	v9 =	vld.idx.msk [tilespmem:v11+s9+$0x0], $0xffff  }
0x4db: {  	v10 =	vld.idx.msk [tilespmem:v8+s2+$0x0], $0xffff;
	_ =	sdelay $0x2  }
0x4dc: {  	v7 =	vmul.f32 v7, v5  }
0x4dd: {  	s16 =	simm.s32 $0x8  }
0x4de: {  	v63 =	vmul.f32 v9, v6;
	v9 =	vadd.s32 s16, v2;
	v11 =	vsub.f32 v10, v7  }
0x4df: {  	v7 =	vadd.s32 s16, v4  }
0x4e0: {  	s17 =	simm.s32 $0x10;
	v10 =	vadd.s32 s16, v3;
	v11 =	vsub.f32 v11, v63  }
.LBB2_20:
0x4e1: {  	_ = 	snop  }
0x4e2: {  	p0 =	slt.u32 s17, $0x38;
	s18 =	smov.u32 s17;
	s17 =	sadd.s32 $0x8, s17;
	[tilespmem:v8+s2+$0x0] =	vst.idx.msk $0xffff, v11  }
0x4e3: {  	v8 =	vld.idx.msk [tilespmem:v9+s9+$0x0], $0xffff  }
0x4e4: {  	v9 =	vld.idx.msk [tilespmem:v7+s2+$0x0], $0xffff  }
0x4e5: {  	v10 =	vld.idx.msk [tilespmem:v10+s9+$0x0], $0xffff;
	_ =	sdelay $0x3  }
0x4e6: {  	v8 =	vmul.f32 v8, v5  }
0x4e7: {  	s19 =	sadd.s32 $0x1, s16  }
0x4e8: {  	v8 =	vsub.f32 v9, v8;
	v9 =	vmul.f32 v10, v6;
	v10 =	vadd.s32 s19, v2  }
0x4e9: {  	v11 =	vadd.s32 s19, v4  }
0x4ea: {  	v8 =	vsub.f32 v8, v9;
	v9 =	vadd.s32 s19, v3;
	_ =	sdelay $0x1  }
0x4eb: {  	[tilespmem:v7+s2+$0x0] =	vst.idx.msk $0xffff, v8  }
0x4ec: {  	v7 =	vld.idx.msk [tilespmem:v10+s9+$0x0], $0xffff  }
0x4ed: {  	v8 =	vld.idx.msk [tilespmem:v11+s2+$0x0], $0xffff  }
0x4ee: {  	v9 =	vld.idx.msk [tilespmem:v9+s9+$0x0], $0xffff;
	_ =	sdelay $0x3  }
0x4ef: {  	v7 =	vmul.f32 v7, v5  }
0x4f0: {  	s19 =	sadd.s32 $0x2, s16  }
0x4f1: {  	v7 =	vsub.f32 v8, v7;
	v8 =	vmul.f32 v9, v6;
	v9 =	vadd.s32 s19, v2  }
0x4f2: {  	v10 =	vadd.s32 s19, v4  }
0x4f3: {  	v7 =	vsub.f32 v7, v8;
	v8 =	vadd.s32 s19, v3;
	_ =	sdelay $0x1  }
0x4f4: {  	[tilespmem:v11+s2+$0x0] =	vst.idx.msk $0xffff, v7  }
0x4f5: {  	v7 =	vld.idx.msk [tilespmem:v9+s9+$0x0], $0xffff  }
0x4f6: {  	v9 =	vld.idx.msk [tilespmem:v10+s2+$0x0], $0xffff  }
0x4f7: {  	v8 =	vld.idx.msk [tilespmem:v8+s9+$0x0], $0xffff;
	_ =	sdelay $0x3  }
0x4f8: {  	v7 =	vmul.f32 v7, v5  }
0x4f9: {  	s19 =	sadd.s32 $0x3, s16  }
0x4fa: {  	v7 =	vsub.f32 v9, v7;
	v8 =	vmul.f32 v8, v6;
	v9 =	vadd.s32 s19, v2  }
0x4fb: {  	v11 =	vadd.s32 s19, v4  }
0x4fc: {  	v7 =	vsub.f32 v7, v8;
	v8 =	vadd.s32 s19, v3;
	_ =	sdelay $0x1  }
0x4fd: {  	[tilespmem:v10+s2+$0x0] =	vst.idx.msk $0xffff, v7  }
0x4fe: {  	v7 =	vld.idx.msk [tilespmem:v9+s9+$0x0], $0xffff  }
0x4ff: {  	v9 =	vld.idx.msk [tilespmem:v11+s2+$0x0], $0xffff  }
0x500: {  	v8 =	vld.idx.msk [tilespmem:v8+s9+$0x0], $0xffff;
	_ =	sdelay $0x3  }
0x501: {  	v7 =	vmul.f32 v7, v5  }
0x502: {  	s19 =	sadd.s32 $0x4, s16  }
0x503: {  	v7 =	vsub.f32 v9, v7;
	v8 =	vmul.f32 v8, v6;
	v9 =	vadd.s32 s19, v2  }
0x504: {  	v10 =	vadd.s32 s19, v4  }
0x505: {  	v7 =	vsub.f32 v7, v8;
	v8 =	vadd.s32 s19, v3;
	_ =	sdelay $0x1  }
0x506: {  	[tilespmem:v11+s2+$0x0] =	vst.idx.msk $0xffff, v7  }
0x507: {  	v7 =	vld.idx.msk [tilespmem:v9+s9+$0x0], $0xffff  }
0x508: {  	v9 =	vld.idx.msk [tilespmem:v10+s2+$0x0], $0xffff  }
0x509: {  	v8 =	vld.idx.msk [tilespmem:v8+s9+$0x0], $0xffff;
	_ =	sdelay $0x3  }
0x50a: {  	v7 =	vmul.f32 v7, v5  }
0x50b: {  	s19 =	sadd.s32 $0x5, s16  }
0x50c: {  	v7 =	vsub.f32 v9, v7;
	v8 =	vmul.f32 v8, v6;
	v9 =	vadd.s32 s19, v2  }
0x50d: {  	v11 =	vadd.s32 s19, v3  }
0x50e: {  	v7 =	vsub.f32 v7, v8;
	v8 =	vadd.s32 s19, v4;
	_ =	sdelay $0x1  }
0x50f: {  	[tilespmem:v10+s2+$0x0] =	vst.idx.msk $0xffff, v7  }
0x510: {  	v7 =	vld.idx.msk [tilespmem:v9+s9+$0x0], $0xffff  }
0x511: {  	v9 =	vld.idx.msk [tilespmem:v11+s9+$0x0], $0xffff  }
0x512: {  	v10 =	vld.idx.msk [tilespmem:v8+s2+$0x0], $0xffff;
	_ =	sdelay $0x3  }
0x513: {  	v7 =	vmul.f32 v7, v5  }
0x514: {  	s19 =	sadd.s32 $0x6, s16  }
0x515: {  	v9 =	vmul.f32 v9, v6;
	v7 =	vsub.f32 v10, v7;
	v10 =	vadd.s32 s19, v2  }
0x516: {  	v11 =	vadd.s32 s19, v3  }
0x517: {  	v7 =	vsub.f32 v7, v9;
	v9 =	vadd.s32 s19, v4;
	_ =	sdelay $0x1  }
0x518: {  	[tilespmem:v8+s2+$0x0] =	vst.idx.msk $0xffff, v7  }
0x519: {  	v7 =	vld.idx.msk [tilespmem:v10+s9+$0x0], $0xffff  }
0x51a: {  	v8 =	vld.idx.msk [tilespmem:v11+s9+$0x0], $0xffff  }
0x51b: {  	v10 =	vld.idx.msk [tilespmem:v9+s2+$0x0], $0xffff;
	_ =	sdelay $0x3  }
0x51c: {  	v7 =	vmul.f32 v7, v5  }
0x51d: {  	s19 =	sadd.s32 $0x7, s16;
	s16 =	smov.u32 s18  }
0x51e: {  	v8 =	vmul.f32 v8, v6;
	v7 =	vsub.f32 v10, v7;
	v10 =	vadd.s32 s19, v2  }
0x51f: {  	v11 =	vadd.s32 s19, v3  }
0x520: {  	v7 =	vsub.f32 v7, v8;
	v8 =	vadd.s32 s19, v4;
	_ =	sdelay $0x1  }
0x521: {  	[tilespmem:v9+s2+$0x0] =	vst.idx.msk $0xffff, v7  }
0x522: {  	v7 =	vld.idx.msk [tilespmem:v10+s9+$0x0], $0xffff  }
0x523: {  	v10 =	vld.idx.msk [tilespmem:v11+s9+$0x0], $0xffff  }
0x524: {  	v11 =	vld.idx.msk [tilespmem:v8+s2+$0x0], $0xffff;
	_ =	sdelay $0x3  }
.Ltmp9:
0x525: {  	v7 =	vmul.f32 v7, v5;
	(pc) =	sbr.rel @p0 .LBB2_20-.Ltmp9, $4  }
0x526: {  	_ = 	snop  }
0x527: {  	v9 =	vadd.s32 s16, v2;
	v12 =	vmul.f32 v10, v6;
	v11 =	vsub.f32 v11, v7  }
0x528: {  	v7 =	vadd.s32 s16, v4  }
0x529: {  	v10 =	vadd.s32 s16, v3;
	v11 =	vsub.f32 v11, v12  }
0x52a: {  	_ =	sdelay $0x3  }
0x52b: {  	[tilespmem:v8+s2+$0x0] =	vst.idx.msk $0xffff, v11  }
0x52c: {  	v8 =	vld.idx.msk [tilespmem:v9+s9+$0x0], $0xffff  }
0x52d: {  	v37 =	vld.idx.msk [tilespmem:v7+s2+$0x0], $0xffff  }
0x52e: {  	v10 =	vld.idx.msk [tilespmem:v10+s9+$0x0], $0xffff;
	_ =	sdelay $0x2  }
0x52f: {  	v8 =	vmul.f32 v8, v5  }
0x530: {  	s17 =	sadd.s32 $0x1, s16  }
0x531: {  	v39 =	vadd.s32 s17, v2;
	v38 =	vmul.f32 v10, v6;
	v8 =	vsub.f32 v37, v8  }
0x532: {  	v40 =	vadd.s32 s17, v4  }
0x533: {  	v41 =	vadd.s32 s17, v3;
	v8 =	vsub.f32 v8, v38;
	_ =	sdelay $0x1  }
0x534: {  	[tilespmem:v7+s2+$0x0] =	vst.idx.msk $0xffff, v8  }
0x535: {  	v7 =	vld.idx.msk [tilespmem:v39+s9+$0x0], $0xffff  }
0x536: {  	v8 =	vld.idx.msk [tilespmem:v40+s2+$0x0], $0xffff  }
0x537: {  	v9 =	vld.idx.msk [tilespmem:v41+s9+$0x0], $0xffff;
	_ =	sdelay $0x2  }
0x538: {  	v7 =	vmul.f32 v7, v5  }
0x539: {  	s25 =	sadd.s32 $0x2, s16  }
0x53a: {  	v43 =	vadd.s32 s25, v2;
	v42 =	vmul.f32 v9, v6;
	v7 =	vsub.f32 v8, v7  }
0x53b: {  	v44 =	vadd.s32 s25, v4  }
0x53c: {  	v45 =	vadd.s32 s25, v3;
	v7 =	vsub.f32 v7, v42;
	_ =	sdelay $0x1  }
0x53d: {  	[tilespmem:v40+s2+$0x0] =	vst.idx.msk $0xffff, v7  }
0x53e: {  	v7 =	vld.idx.msk [tilespmem:v43+s9+$0x0], $0xffff  }
0x53f: {  	v46 =	vld.idx.msk [tilespmem:v44+s2+$0x0], $0xffff  }
0x540: {  	v8 =	vld.idx.msk [tilespmem:v45+s9+$0x0], $0xffff;
	_ =	sdelay $0x2  }
0x541: {  	v7 =	vmul.f32 v7, v5  }
0x542: {  	s26 =	sadd.s32 $0x3, s16  }
0x543: {  	v47 =	vadd.s32 s26, v2;
	v8 =	vmul.f32 v8, v6;
	v7 =	vsub.f32 v46, v7  }
0x544: {  	v48 =	vadd.s32 s26, v4  }
0x545: {  	v49 =	vadd.s32 s26, v3;
	v7 =	vsub.f32 v7, v8;
	_ =	sdelay $0x1  }
0x546: {  	[tilespmem:v44+s2+$0x0] =	vst.idx.msk $0xffff, v7  }
0x547: {  	v7 =	vld.idx.msk [tilespmem:v47+s9+$0x0], $0xffff  }
0x548: {  	v50 =	vld.idx.msk [tilespmem:v48+s2+$0x0], $0xffff  }
0x549: {  	v8 =	vld.idx.msk [tilespmem:v49+s9+$0x0], $0xffff;
	_ =	sdelay $0x2  }
0x54a: {  	v7 =	vmul.f32 v7, v5  }
0x54b: {  	s28 =	sadd.s32 $0x4, s16  }
0x54c: {  	v51 =	vadd.s32 s28, v2;
	v8 =	vmul.f32 v8, v6;
	v7 =	vsub.f32 v50, v7  }
0x54d: {  	v52 =	vadd.s32 s28, v4  }
0x54e: {  	v53 =	vadd.s32 s28, v3;
	v7 =	vsub.f32 v7, v8;
	_ =	sdelay $0x1  }
0x54f: {  	[tilespmem:v48+s2+$0x0] =	vst.idx.msk $0xffff, v7  }
0x550: {  	v7 =	vld.idx.msk [tilespmem:v51+s9+$0x0], $0xffff  }
0x551: {  	v54 =	vld.idx.msk [tilespmem:v52+s2+$0x0], $0xffff  }
0x552: {  	v8 =	vld.idx.msk [tilespmem:v53+s9+$0x0], $0xffff;
	_ =	sdelay $0x2  }
0x553: {  	v7 =	vmul.f32 v7, v5  }
0x554: {  	s29 =	sadd.s32 $0x5, s16  }
0x555: {  	v55 =	vadd.s32 s29, v2;
	v8 =	vmul.f32 v8, v6;
	v7 =	vsub.f32 v54, v7  }
0x556: {  	v56 =	vadd.s32 s29, v3  }
0x557: {  	v57 =	vadd.s32 s29, v4;
	v7 =	vsub.f32 v7, v8;
	_ =	sdelay $0x1  }
0x558: {  	[tilespmem:v52+s2+$0x0] =	vst.idx.msk $0xffff, v7  }
0x559: {  	v7 =	vld.idx.msk [tilespmem:v55+s9+$0x0], $0xffff  }
0x55a: {  	v58 =	vld.idx.msk [tilespmem:v56+s9+$0x0], $0xffff  }
0x55b: {  	v10 =	vld.idx.msk [tilespmem:v57+s2+$0x0], $0xffff;
	_ =	sdelay $0x2  }
0x55c: {  	v7 =	vmul.f32 v7, v5  }
0x55d: {  	s30 =	sadd.s32 $0x6, s16  }
0x55e: {  	v59 =	vadd.s32 s30, v2;
	v9 =	vmul.f32 v58, v6;
	v7 =	vsub.f32 v10, v7  }
0x55f: {  	v60 =	vadd.s32 s30, v3  }
0x560: {  	v61 =	vadd.s32 s30, v4;
	v7 =	vsub.f32 v7, v9;
	_ =	sdelay $0x1  }
0x561: {  	[tilespmem:v57+s2+$0x0] =	vst.idx.msk $0xffff, v7  }
0x562: {  	v7 =	vld.idx.msk [tilespmem:v59+s9+$0x0], $0xffff  }
0x563: {  	v8 =	vld.idx.msk [tilespmem:v60+s9+$0x0], $0xffff  }
0x564: {  	v62 =	vld.idx.msk [tilespmem:v61+s2+$0x0], $0xffff;
	_ =	sdelay $0x2  }
0x565: {  	v7 =	vmul.f32 v7, v5  }
0x566: {  	s31 =	sadd.s32 $0x7, s16  }
0x567: {  	v2 =	vadd.s32 s31, v2;
	v8 =	vmul.f32 v8, v6;
	v7 =	vsub.f32 v62, v7  }
0x568: {  	v3 =	vadd.s32 s31, v3  }
0x569: {  	v63 =	vadd.s32 s31, v4;
	v7 =	vsub.f32 v7, v8;
	_ =	sdelay $0x1  }
0x56a: {  	[tilespmem:v61+s2+$0x0] =	vst.idx.msk $0xffff, v7  }
0x56b: {  	v2 =	vld.idx.msk [tilespmem:v2+s9+$0x0], $0xffff  }
0x56c: {  	v3 =	vld.idx.msk [tilespmem:v3+s9+$0x0], $0xffff  }
0x56d: {  	v7 =	vld.idx.msk [tilespmem:v63+s2+$0x0], $0xffff;
	_ =	sdelay $0x2  }
0x56e: {  	v2 =	vmul.f32 v2, v5;
	_ =	sdelay $0x1  }
0x56f: {  	v3 =	vmul.f32 v3, v6;
	v2 =	vsub.f32 v7, v2;
	_ =	sdelay $0x1  }
0x570: {  	s15 =	sadd.s32 $0x1, s15;
	v2 =	vsub.f32 v2, v3  }
0x571: {  	p0 =	sne.s32 s15, s8  }
.Ltmp10:
0x572: {  	[tilespmem:v63+s2+$0x0] =	vst.idx.msk $0xffff, v2;
	(pc) =	sbr.rel @p0 .LBB2_1-.Ltmp10, $4  }
0x573: {  	[hbm4b:s7+s2] =	stream.linear.scatter [tilespmem:s2], [sflag:$0x2], $0x1040, $0x38;
	[tilespmem:$0x1A80] =	vst v63  }
0x574: {  	_ =	swait.ge [sflag:s14], $0x1040  }
0x575: {  	[sflag:s14] =	ssyncset.done $0x0  }
0x576: {  	[sflag:s14] =	ssyncadd.s32 $0xFFFFEFC0  }
0x577: {  	_ =	sfence.sel $0x180000  }
0x578: {  	[bflag:$0x0] =	sbarrier.arrive $0xFFFF  }
0x579: {  	p0 =	sne.s32 s1, $0x0;
	_ =	strace $0x90000047  }
0x57a: {  	s0 =	sadd.s32 @!p0 $0x100000, s0;
	[bflag:$0x2] =	sbarrier.arrive $0xFFFF  }
0x57b: {  	[sflag:s0] =	ssyncadd.tile.s32 @!p0 $0x1;
	_ =	shalt  }
.Lfunc_end2:
_tile_overlayer_lowered:
.L_overlay_start_2:
0x57c: {  	(tag) =	ssettag $0x2  }
0x57d: {  	s0 =	rddreg [dreg:$0x0];
	s2 =	stileid.u32  }
0x57e: {  	s1 =	rddreg [dreg:$0x1];
	p0 =	sne.s32 s2, $0x0  }
0x57f: {  	s3 =	rddreg [dreg:$0x2];
	[bflag:$0x3] =	sbarrier.arrive $0xFFFF;
	s2 =	simm.s32 @!p0 $0x1C02  }
0x580: {  	[timem:s3], [sflag:s2] =	dma.local @!p0 [hbm:s0], s1  }
0x581: {  	s0 =	simm.s32 @!p0 $0x2  }
0x582: {  	_ =	swait.ge @!p0 [sflag:s0], s1  }
0x583: {  	s1 =	ssub.s32 @!p0 $0x0, s1;
	[sflag:s0] =	ssyncset.done @!p0 $0x0  }
0x584: {  	[sflag:s0] =	ssyncadd.s32 @!p0 s1  }
0x585: {  	[bflag:$0x3] =	sbarrier.arrive $0xFFFF  }
0x586: {  	_ =	shalt  }

</sc_bundles>
